<compile_context>
chip_gen: v7x
topology: tpu7x:2x2x1
jax: 0.10.2.dev20260603
libtpu: 0.0.44.dev20260713+nightly
codegen_flags: <defaults>
</compile_context>

<pallas_src>
import functools

import jax
import jax.numpy as jnp
from jax import lax
from jax.experimental import pallas as pl
from jax.experimental.pallas import tpu as pltpu
from jax.experimental.pallas import tpu_sc as plsc

NE = 8192
ED = 256
BB = 16
HB = BB // 2
LL = 576
NTOK = BB * LL
NTOK2 = NTOK // 2
CCOST = 0.25

NW = 32
PER_W = NTOK2 // NW
GCH = 72
SCH = 72

KC = 1024
SB = 128


def _bsq_body(emb_ref, bsq_ref):
    e = emb_ref[...]
    bsq_ref[0, :] = jnp.sum(e * e, axis=1)


def _bsq_call(embedding):
    return pl.pallas_call(
        _bsq_body,
        out_shape=jax.ShapeDtypeStruct((1, NE), jnp.float32),
    )(embedding)


def _argmin_body(x_ref, emb_ref, bsq_ref, idx_ref):
    x = x_ref[0]
    xt = x.T
    a = jnp.sum(xt * xt, axis=1, keepdims=True)
    xbf2 = (xt + xt).astype(jnp.bfloat16)
    mm2s = [
        lax.dot_general(
            xbf2, emb_ref[kb * KC:(kb + 1) * KC, :].astype(jnp.bfloat16),
            (((1,), (1,)), ((), ())), preferred_element_type=jnp.float32)
        for kb in range(NE // KC)
    ]
    lane = lax.broadcasted_iota(jnp.int32, (LL, SB), 1)
    m_run = jnp.full((LL, SB), jnp.inf, jnp.float32)
    s_run = jnp.zeros((LL, SB), jnp.int32)
    for kb in range(NE // KC):
        mm2 = mm2s[kb]
        for sb in range(KC // SB):
            s = kb * (KC // SB) + sb
            b_sub = bsq_ref[0, s * SB:(s + 1) * SB]
            d = (a + b_sub[None, :]) - mm2[:, sb * SB:(sb + 1) * SB]
            better = d < m_run
            s_run = jnp.where(better, s, s_run)
            m_run = jnp.minimum(d, m_run)
    mfin = jnp.min(m_run, axis=1, keepdims=True)
    jfull = s_run * SB + lane
    idx_ref[0, 0, :] = jnp.min(jnp.where(m_run == mfin, jfull, NE), axis=1)


def _argmin_half(inputs, embedding, bsq, off):
    return pl.pallas_call(
        _argmin_body,
        grid=(HB,),
        in_specs=[
            pl.BlockSpec((1, ED, LL), lambda i: (i + off, 0, 0)),
            pl.BlockSpec((NE, ED), lambda i: (0, 0)),
            pl.BlockSpec((1, NE), lambda i: (0, 0)),
        ],
        out_specs=pl.BlockSpec((1, 1, LL), lambda i: (i, 0, 0)),
        out_shape=jax.ShapeDtypeStruct((HB, 1, LL), jnp.int32),
        compiler_params=pltpu.CompilerParams(
            dimension_semantics=("parallel",)),
    )(inputs, embedding, bsq)


def _sc_gather(embedding, idx_flat):
    mesh = plsc.VectorSubcoreMesh(core_axis_name="c", subcore_axis_name="s")
    zch = NE // 16

    @functools.partial(
        pl.kernel,
        mesh=mesh,
        out_type=[
            jax.ShapeDtypeStruct((NTOK2, ED), jnp.float32),
            jax.ShapeDtypeStruct((2, NE), jnp.float32),
        ],
        scratch_types=[
            pltpu.VMEM((PER_W,), jnp.int32),
            pltpu.VMEM((PER_W // SCH, SCH), jnp.int32),
            pltpu.VMEM((GCH, ED), jnp.float32),
            pltpu.VMEM((GCH, ED), jnp.float32),
            pltpu.VMEM((SCH,), jnp.float32),
            pltpu.VMEM((zch,), jnp.float32),
            pltpu.VMEM_SHARED((NE,), jnp.float32),
            pltpu.SemaphoreType.DMA,
            pltpu.SemaphoreType.DMA,
        ],
    )
    def k2(emb_hbm, idx_hbm, q_hbm, cnt_hbm,
           idx_v, idx2_v, rows_a, rows_b, ones_v, zero_v, cnt_sh,
           sem_a, sem_b):
        cid = lax.axis_index("c")
        sid = lax.axis_index("s")
        wid = sid * 2 + cid
        base = wid * PER_W
        pltpu.sync_copy(idx_hbm.at[pl.ds(base, PER_W)], idx_v)

        nch = PER_W // GCH
        pltpu.async_copy(emb_hbm.at[idx_v.at[pl.ds(0, GCH)]], rows_a, sem_a)

        @pl.loop(0, nch)
        def _(ci):
            @pl.when(ci % 2 == 0)
            def _():
                @pl.when(ci + 1 < nch)
                def _():
                    pltpu.async_copy(
                        emb_hbm.at[idx_v.at[pl.ds((ci + 1) * GCH, GCH)]],
                        rows_b, sem_b)
                pltpu.make_async_copy(emb_hbm.at[pl.ds(0, GCH)],
                                      rows_a, sem_a).wait()
                pltpu.sync_copy(rows_a, q_hbm.at[pl.ds(base + ci * GCH, GCH)])

            @pl.when(ci % 2 == 1)
            def _():
                @pl.when(ci + 1 < nch)
                def _():
                    pltpu.async_copy(
                        emb_hbm.at[idx_v.at[pl.ds((ci + 1) * GCH, GCH)]],
                        rows_a, sem_a)
                pltpu.make_async_copy(emb_hbm.at[pl.ds(0, GCH)],
                                      rows_b, sem_b).wait()
                pltpu.sync_copy(rows_b, q_hbm.at[pl.ds(base + ci * GCH, GCH)])

        @pl.loop(0, PER_W // SCH)
        def _(j):
            pltpu.sync_copy(idx_hbm.at[pl.ds(base + j * SCH, SCH)],
                            idx2_v.at[j])

        @pl.loop(0, SCH, step=16)
        def _(i):
            ones_v[pl.ds(i, 16)] = jnp.full((16,), 1.0, jnp.float32)

        @pl.loop(0, zch, step=16)
        def _(i):
            zero_v[pl.ds(i, 16)] = jnp.zeros((16,), jnp.float32)

        pltpu.sync_copy(zero_v, cnt_sh.at[pl.ds(sid * zch, zch)])
        plsc.subcore_barrier()

        @pl.loop(0, PER_W // SCH)
        def _(j):
            pltpu.sync_copy(ones_v, cnt_sh.at[idx2_v.at[j]], add=True)

        plsc.subcore_barrier()

        @pl.when(sid == 0)
        def _():
            pltpu.sync_copy(cnt_sh, cnt_hbm.at[cid])

    return k2(embedding, idx_flat)


def _finish_body(x_ref, qa_ref, qb_ref, ca_ref, cb_ref,
                 out_ref, loss_ref, perp_ref, acc_ref):
    bi = pl.program_id(0)
    x = x_ref[0]
    q = jnp.where(bi < HB, qa_ref[0], qb_ref[0])
    qt = q.T
    diff = qt - x
    out_ref[0] = x + diff
    ssq = jnp.sum(diff * diff)

    @pl.when(bi == 0)
    def _():
        acc_ref[0, 0] = 0.0

    acc_ref[0, 0] += ssq

    @pl.when(bi == BB - 1)
    def _():
        m = acc_ref[0, 0] / float(NTOK * ED)
        loss_ref[0, 0] = m + CCOST * m
        total = ((ca_ref[0, :] + ca_ref[1, :])
                 + (cb_ref[0, :] + cb_ref[1, :]))
        avg = total / float(NTOK)
        perp_ref[0, 0] = jnp.exp(-jnp.sum(avg * jnp.log(avg + 1e-10)))


def _finish_call(inputs, qa, qb, ca, cb):
    return pl.pallas_call(
        _finish_body,
        grid=(BB,),
        in_specs=[
            pl.BlockSpec((1, ED, LL), lambda i: (i, 0, 0)),
            pl.BlockSpec((1, LL, ED), lambda i: (jnp.minimum(i, HB - 1), 0, 0)),
            pl.BlockSpec((1, LL, ED),
                         lambda i: (jnp.maximum(i - HB, 0), 0, 0)),
            pl.BlockSpec((2, NE), lambda i: (0, 0)),
            pl.BlockSpec((2, NE), lambda i: (0, 0)),
        ],
        out_specs=[
            pl.BlockSpec((1, ED, LL), lambda i: (i, 0, 0)),
            pl.BlockSpec(memory_space=pltpu.SMEM),
            pl.BlockSpec(memory_space=pltpu.SMEM),
        ],
        out_shape=[
            jax.ShapeDtypeStruct((BB, ED, LL), jnp.float32),
            jax.ShapeDtypeStruct((1, 1), jnp.float32),
            jax.ShapeDtypeStruct((1, 1), jnp.float32),
        ],
        scratch_shapes=[pltpu.SMEM((1, 1), jnp.float32)],
    )(inputs, qa, qb, ca, cb)


def kernel(inputs, embedding):
    bsq = _bsq_call(embedding)
    idx_a = _argmin_half(inputs, embedding, bsq, 0)
    qa, ca = _sc_gather(embedding, idx_a.reshape(NTOK2))
    idx_b = _argmin_half(inputs, embedding, bsq, HB)
    qb, cb = _sc_gather(embedding, idx_b.reshape(NTOK2))
    out, loss, perp = _finish_call(
        inputs, qa.reshape(HB, LL, ED), qb.reshape(HB, LL, ED), ca, cb)
    idx = jnp.concatenate([idx_a, idx_b], axis=0).reshape(BB, LL)
    return (out, loss.reshape(()), idx, perp.reshape(()))

# --- scband reference (transcript-rebuilt; emitter-appended) ---
"""Pipeline reference for scband-vector-quantizer-78030965834031 (READ-ONLY COPY).

The authoritative reference and input builder live on the scoring server;
editing this copy changes nothing except your own understanding.
"""

import jax, jax.numpy as jnp
import numpy as np

NUM_EMBEDDINGS = 8192
EMBEDDING_DIM = 256
COMMITMENT_COST = 0.25


def setup_inputs(seed: int = 0) -> dict:
    key = jax.random.key(seed)
    k1, k2 = jax.random.split(key)
    inputs = jax.random.normal(k1, (16, 256, 576), dtype=jnp.float32)
    embedding = jax.random.uniform(
        k2, (NUM_EMBEDDINGS, EMBEDDING_DIM), dtype=jnp.float32,
        minval=-1.0 / NUM_EMBEDDINGS, maxval=1.0 / NUM_EMBEDDINGS)
    return {"inputs": inputs, "embedding": embedding}


def reference(inputs, embedding):
    # inputs: [B, C, L] with C == embedding_dim
    x = jnp.transpose(inputs, (0, 2, 1))  # [B, L, C]
    input_shape = x.shape
    flat_input = x.reshape(-1, EMBEDDING_DIM)
    distances = (jnp.sum(flat_input ** 2, axis=1, keepdims=True)
                 + jnp.sum(embedding ** 2, axis=1)
                 - 2.0 * jnp.matmul(flat_input, embedding.T))
    encoding_indices = jnp.argmin(distances, axis=1)  # [N]
    encodings = jax.nn.one_hot(encoding_indices, NUM_EMBEDDINGS, dtype=flat_input.dtype)  # [N, K]
    quantized = jnp.matmul(encodings, embedding)  # [N, C]
    quantized = quantized.reshape(input_shape)  # [B, L, C]
    e_latent_loss = jnp.mean((jax.lax.stop_gradient(quantized) - x) ** 2)
    q_latent_loss = jnp.mean((quantized - jax.lax.stop_gradient(x)) ** 2)
    loss = q_latent_loss + COMMITMENT_COST * e_latent_loss
    quantized_st = x + jax.lax.stop_gradient(quantized - x)
    quantized_out = jnp.transpose(quantized_st, (0, 2, 1))  # [B, C, L]
    avg_probs = jnp.mean(encodings, axis=0)
    perplexity = jnp.exp(-jnp.sum(avg_probs * jnp.log(avg_probs + 1e-10)))
    indices_out = encoding_indices.reshape(input_shape[0], -1)
    return (quantized_out, loss, indices_out, perplexity)

if __name__ == "__main__":
    import jax
    _d = setup_inputs()
    print(jax.jit(kernel)(*tuple(_d.values())))

</pallas_src>

<mosaic_0001>
#map = affine_map<(d0, d1) -> (0, 0)>
#map1 = affine_map<(d0, d1) -> (0)>
module attributes {stable_mosaic.version = 14 : i64} {
  func.func @k2(%arg0: i32, %arg1: i32, %arg2: memref<8192x256xf32, #tpu.memory_space<hbm>>, %arg3: memref<4608xi32, #tpu.memory_space<hbm>>, %arg4: memref<4608x256xf32, #tpu.memory_space<hbm>>, %arg5: memref<2x8192xf32, #tpu.memory_space<hbm>>, %arg6: memref<144xi32, #tpu.memory_space<vmem>>, %arg7: memref<2x72xi32, #tpu.memory_space<vmem>>, %arg8: memref<72x256xf32, #tpu.memory_space<vmem>>, %arg9: memref<72x256xf32, #tpu.memory_space<vmem>>, %arg10: memref<72xf32, #tpu.memory_space<vmem>>, %arg11: memref<512xf32, #tpu.memory_space<vmem>>, %arg12: memref<8192xf32, #tpu.memory_space<vmem_shared>>, %arg13: memref<!tpu.dma_semaphore, #tpu.memory_space<semaphore_mem>>, %arg14: memref<!tpu.dma_semaphore, #tpu.memory_space<semaphore_mem>>) attributes {dimension_semantics = [#tpu.dimension_semantics<core_parallel>, #tpu.dimension_semantics<subcore_parallel>], iteration_bounds = array<i64: 2, 16>, scalar_prefetch = 0 : i64, scratch_operands = 9 : i64, tpu.core_type = #tpu.core_type<sc_vector_subcore>, window_params = [{transform_indices = #map}, {transform_indices = #map1}, {transform_indices = #map}, {transform_indices = #map}]} {
    %mul3A = arith.constant 2 : i32
    %mul3A_0 = arith.muli %arg1, %mul3A : i32
    %add3A = arith.addi %mul3A_0, %arg0 : i32
    %mul3A_1 = arith.constant 144 : i32
    %mul3A_2 = arith.muli %add3A, %mul3A_1 : i32
    "tpu.region"() ({
      %run_scoped3A = tpu.sem_alloc : memref<!tpu.dma_semaphore, #tpu.memory_space<semaphore_mem>>
      %dma_start3A_36 = tpu.memref_slice %arg3[%mul3A_2] : memref<4608xi32, #tpu.memory_space<hbm>> -> memref<144xi32, #tpu.memory_space<hbm>>
      %dma_start3A_37 = tpu.memref_slice %arg3[%mul3A_2] : memref<4608xi32, #tpu.memory_space<hbm>> -> memref<144xi32, #tpu.memory_space<hbm>>
      tpu.enqueue_dma source(%dma_start3A_37 : memref<144xi32, #tpu.memory_space<hbm>>) target(%arg6 : memref<144xi32, #tpu.memory_space<vmem>>) target_semaphore(%run_scoped3A : memref<!tpu.dma_semaphore, #tpu.memory_space<semaphore_mem>>)
      %dma_wait3A = tpu.memref_slice %arg3[%mul3A_2] : memref<4608xi32, #tpu.memory_space<hbm>> -> memref<144xi32, #tpu.memory_space<hbm>>
      %dma_wait3A_38 = tpu.memref_slice %arg3[%mul3A_2] : memref<4608xi32, #tpu.memory_space<hbm>> -> memref<144xi32, #tpu.memory_space<hbm>>
      tpu.wait_dma2 semaphore(%run_scoped3A : memref<!tpu.dma_semaphore, #tpu.memory_space<semaphore_mem>>) src(%dma_wait3A_38 : memref<144xi32, #tpu.memory_space<hbm>>) dst(%arg6 : memref<144xi32, #tpu.memory_space<vmem>>)
      tpu.yield
    }) : () -> ()
    %dma_start3A = arith.constant 0 : i32
    %dma_start3A_3 = tpu.memref_slice %arg6[%dma_start3A] : memref<144xi32, #tpu.memory_space<vmem>> -> memref<72xi32, #tpu.memory_space<vmem>>
    %dma_start3A_4 = arith.constant 0 : i32
    %dma_start3A_5 = arith.constant 0 : i32
    %dma_start3A_6 = tpu.memref_slice %arg2[%dma_start3A_4, %dma_start3A_5] : memref<8192x256xf32, #tpu.memory_space<hbm>> -> memref<8192x256xf32, #tpu.memory_space<hbm>>
    tpu.enqueue_indirect_dma source(%dma_start3A_6 : memref<8192x256xf32, #tpu.memory_space<hbm>>) target(%arg8 : memref<72x256xf32, #tpu.memory_space<vmem>>) offsets(%dma_start3A_3 : memref<72xi32, #tpu.memory_space<vmem>>) semaphore(%arg13 : memref<!tpu.dma_semaphore, #tpu.memory_space<semaphore_mem>>)
    %scan3A = arith.constant 0 : i32
    %scan3A_7 = arith.constant 2 : i32
    %scan3A_8 = arith.addi %scan3A, %scan3A_7 : i32
    %scan3A_9 = arith.constant 1 : i32
    scf.for %scan3A_36 = %scan3A to %scan3A_8 step %scan3A_9  : i32 {
      %mul3A_37 = arith.constant 1 : i32
      %mul3A_38 = arith.muli %scan3A_36, %mul3A_37 : i32
      %add3A_39 = arith.constant 0 : i32
      %add3A_40 = arith.addi %add3A_39, %mul3A_38 : i32
      %jit3A = arith.constant 2 : i32
      %eq3A_41 = arith.constant 0 : i32
      %eq3A_42 = arith.cmpi eq, %jit3A, %eq3A_41 : i32
      %jit3A_43 = arith.constant 1 : i32
      %select_n3A = arith.select %eq3A_42, %jit3A_43, %jit3A : i32
      %rem3A = arith.remsi %add3A_40, %select_n3A : i32
      %ne3A = arith.constant 0 : i32
      %ne3A_44 = arith.cmpi ne, %rem3A, %ne3A : i32
      %lt3A = arith.constant 0 : i32
      %lt3A_45 = arith.cmpi slt, %rem3A, %lt3A : i32
      %lt3A_46 = arith.constant 0 : i32
      %lt3A_47 = arith.cmpi slt, %select_n3A, %lt3A_46 : i32
      %ne3A_48 = arith.xori %lt3A_45, %lt3A_47 : i1
      %and3A = arith.andi %ne3A_48, %ne3A_44 : i1
      %add3A_49 = arith.addi %rem3A, %select_n3A : i32
      %select_n3A_50 = arith.select %and3A, %add3A_49, %rem3A : i32
      %eq3A_51 = arith.constant 0 : i32
      %eq3A_52 = arith.cmpi eq, %select_n3A_50, %eq3A_51 : i32
      %convert_element_type3A_53 = arith.extui %eq3A_52 : i1 to i32
      %cond3A_54 = arith.constant 0 : i32
      %cond3A_55 = arith.cmpi ne, %convert_element_type3A_53, %cond3A_54 : i32
      scf.if %cond3A_55 {
        %add3A_77 = arith.constant 1 : i32
        %add3A_78 = arith.addi %add3A_40, %add3A_77 : i32
        %lt3A_79 = arith.constant 2 : i32
        %lt3A_80 = arith.cmpi slt, %add3A_78, %lt3A_79 : i32
        %convert_element_type3A_81 = arith.extui %lt3A_80 : i1 to i32
        %cond3A_82 = arith.constant 0 : i32
        %cond3A_83 = arith.cmpi ne, %convert_element_type3A_81, %cond3A_82 : i32
        scf.if %cond3A_83 {
          %add3A_92 = arith.constant 1 : i32
          %add3A_93 = arith.addi %add3A_40, %add3A_92 : i32
          %mul3A_94 = arith.constant 72 : i32
          %mul3A_95 = arith.muli %add3A_93, %mul3A_94 : i32
          %dma_start3A_96 = tpu.memref_slice %arg6[%mul3A_95] : memref<144xi32, #tpu.memory_space<vmem>> -> memref<72xi32, #tpu.memory_space<vmem>>
          %dma_start3A_97 = arith.constant 0 : i32
          %dma_start3A_98 = arith.constant 0 : i32
          %dma_start3A_99 = tpu.memref_slice %arg2[%dma_start3A_97, %dma_start3A_98] : memref<8192x256xf32, #tpu.memory_space<hbm>> -> memref<8192x256xf32, #tpu.memory_space<hbm>>
          tpu.enqueue_indirect_dma source(%dma_start3A_99 : memref<8192x256xf32, #tpu.memory_space<hbm>>) target(%arg9 : memref<72x256xf32, #tpu.memory_space<vmem>>) offsets(%dma_start3A_96 : memref<72xi32, #tpu.memory_space<vmem>>) semaphore(%arg14 : memref<!tpu.dma_semaphore, #tpu.memory_space<semaphore_mem>>)
        } else {
        }
        %dma_wait3A = arith.constant 0 : i32
        %dma_wait3A_84 = arith.constant 0 : i32
        %dma_wait3A_85 = tpu.memref_slice %arg2[%dma_wait3A, %dma_wait3A_84] : memref<8192x256xf32, #tpu.memory_space<hbm>> -> memref<72x256xf32, #tpu.memory_space<hbm>>
        %dma_wait3A_86 = arith.constant 0 : i32
        %dma_wait3A_87 = arith.constant 0 : i32
        %dma_wait3A_88 = tpu.memref_slice %arg2[%dma_wait3A_86, %dma_wait3A_87] : memref<8192x256xf32, #tpu.memory_space<hbm>> -> memref<72x256xf32, #tpu.memory_space<hbm>>
        tpu.wait_dma2 semaphore(%arg13 : memref<!tpu.dma_semaphore, #tpu.memory_space<semaphore_mem>>) src(%dma_wait3A_88 : memref<72x256xf32, #tpu.memory_space<hbm>>) dst(%arg8 : memref<72x256xf32, #tpu.memory_space<vmem>>)
        %mul3A_89 = arith.constant 72 : i32
        %mul3A_90 = arith.muli %add3A_40, %mul3A_89 : i32
        %add3A_91 = arith.addi %mul3A_2, %mul3A_90 : i32
        "tpu.region"() ({
          %run_scoped3A = tpu.sem_alloc : memref<!tpu.dma_semaphore, #tpu.memory_space<semaphore_mem>>
          %dma_start3A_92 = arith.constant 0 : i32
          %dma_start3A_93 = tpu.memref_slice %arg4[%add3A_91, %dma_start3A_92] : memref<4608x256xf32, #tpu.memory_space<hbm>> -> memref<72x256xf32, #tpu.memory_space<hbm>>
          %dma_start3A_94 = arith.constant 0 : i32
          %dma_start3A_95 = tpu.memref_slice %arg4[%add3A_91, %dma_start3A_94] : memref<4608x256xf32, #tpu.memory_space<hbm>> -> memref<72x256xf32, #tpu.memory_space<hbm>>
          tpu.enqueue_dma source(%arg8 : memref<72x256xf32, #tpu.memory_space<vmem>>) target(%dma_start3A_95 : memref<72x256xf32, #tpu.memory_space<hbm>>) target_semaphore(%run_scoped3A : memref<!tpu.dma_semaphore, #tpu.memory_space<semaphore_mem>>)
          %dma_wait3A_96 = arith.constant 0 : i32
          %dma_wait3A_97 = tpu.memref_slice %arg4[%add3A_91, %dma_wait3A_96] : memref<4608x256xf32, #tpu.memory_space<hbm>> -> memref<72x256xf32, #tpu.memory_space<hbm>>
          %dma_wait3A_98 = arith.constant 0 : i32
          %dma_wait3A_99 = tpu.memref_slice %arg4[%add3A_91, %dma_wait3A_98] : memref<4608x256xf32, #tpu.memory_space<hbm>> -> memref<72x256xf32, #tpu.memory_space<hbm>>
          tpu.wait_dma2 semaphore(%run_scoped3A : memref<!tpu.dma_semaphore, #tpu.memory_space<semaphore_mem>>) src(%arg8 : memref<72x256xf32, #tpu.memory_space<vmem>>) dst(%dma_wait3A_99 : memref<72x256xf32, #tpu.memory_space<hbm>>)
          tpu.yield
        }) : () -> ()
      } else {
      }
      %jit3A_56 = arith.constant 2 : i32
      %eq3A_57 = arith.constant 0 : i32
      %eq3A_58 = arith.cmpi eq, %jit3A_56, %eq3A_57 : i32
      %jit3A_59 = arith.constant 1 : i32
      %select_n3A_60 = arith.select %eq3A_58, %jit3A_59, %jit3A_56 : i32
      %rem3A_61 = arith.remsi %add3A_40, %select_n3A_60 : i32
      %ne3A_62 = arith.constant 0 : i32
      %ne3A_63 = arith.cmpi ne, %rem3A_61, %ne3A_62 : i32
      %lt3A_64 = arith.constant 0 : i32
      %lt3A_65 = arith.cmpi slt, %rem3A_61, %lt3A_64 : i32
      %lt3A_66 = arith.constant 0 : i32
      %lt3A_67 = arith.cmpi slt, %select_n3A_60, %lt3A_66 : i32
      %ne3A_68 = arith.xori %lt3A_65, %lt3A_67 : i1
      %and3A_69 = arith.andi %ne3A_68, %ne3A_63 : i1
      %add3A_70 = arith.addi %rem3A_61, %select_n3A_60 : i32
      %select_n3A_71 = arith.select %and3A_69, %add3A_70, %rem3A_61 : i32
      %eq3A_72 = arith.constant 1 : i32
      %eq3A_73 = arith.cmpi eq, %select_n3A_71, %eq3A_72 : i32
      %convert_element_type3A_74 = arith.extui %eq3A_73 : i1 to i32
      %cond3A_75 = arith.constant 0 : i32
      %cond3A_76 = arith.cmpi ne, %convert_element_type3A_74, %cond3A_75 : i32
      scf.if %cond3A_76 {
        %add3A_77 = arith.constant 1 : i32
        %add3A_78 = arith.addi %add3A_40, %add3A_77 : i32
        %lt3A_79 = arith.constant 2 : i32
        %lt3A_80 = arith.cmpi slt, %add3A_78, %lt3A_79 : i32
        %convert_element_type3A_81 = arith.extui %lt3A_80 : i1 to i32
        %cond3A_82 = arith.constant 0 : i32
        %cond3A_83 = arith.cmpi ne, %convert_element_type3A_81, %cond3A_82 : i32
        scf.if %cond3A_83 {
          %add3A_92 = arith.constant 1 : i32
          %add3A_93 = arith.addi %add3A_40, %add3A_92 : i32
          %mul3A_94 = arith.constant 72 : i32
          %mul3A_95 = arith.muli %add3A_93, %mul3A_94 : i32
          %dma_start3A_96 = tpu.memref_slice %arg6[%mul3A_95] : memref<144xi32, #tpu.memory_space<vmem>> -> memref<72xi32, #tpu.memory_space<vmem>>
          %dma_start3A_97 = arith.constant 0 : i32
          %dma_start3A_98 = arith.constant 0 : i32
          %dma_start3A_99 = tpu.memref_slice %arg2[%dma_start3A_97, %dma_start3A_98] : memref<8192x256xf32, #tpu.memory_space<hbm>> -> memref<8192x256xf32, #tpu.memory_space<hbm>>
          tpu.enqueue_indirect_dma source(%dma_start3A_99 : memref<8192x256xf32, #tpu.memory_space<hbm>>) target(%arg8 : memref<72x256xf32, #tpu.memory_space<vmem>>) offsets(%dma_start3A_96 : memref<72xi32, #tpu.memory_space<vmem>>) semaphore(%arg13 : memref<!tpu.dma_semaphore, #tpu.memory_space<semaphore_mem>>)
        } else {
        }
        %dma_wait3A = arith.constant 0 : i32
        %dma_wait3A_84 = arith.constant 0 : i32
        %dma_wait3A_85 = tpu.memref_slice %arg2[%dma_wait3A, %dma_wait3A_84] : memref<8192x256xf32, #tpu.memory_space<hbm>> -> memref<72x256xf32, #tpu.memory_space<hbm>>
        %dma_wait3A_86 = arith.constant 0 : i32
        %dma_wait3A_87 = arith.constant 0 : i32
        %dma_wait3A_88 = tpu.memref_slice %arg2[%dma_wait3A_86, %dma_wait3A_87] : memref<8192x256xf32, #tpu.memory_space<hbm>> -> memref<72x256xf32, #tpu.memory_space<hbm>>
        tpu.wait_dma2 semaphore(%arg14 : memref<!tpu.dma_semaphore, #tpu.memory_space<semaphore_mem>>) src(%dma_wait3A_88 : memref<72x256xf32, #tpu.memory_space<hbm>>) dst(%arg9 : memref<72x256xf32, #tpu.memory_space<vmem>>)
        %mul3A_89 = arith.constant 72 : i32
        %mul3A_90 = arith.muli %add3A_40, %mul3A_89 : i32
        %add3A_91 = arith.addi %mul3A_2, %mul3A_90 : i32
        "tpu.region"() ({
          %run_scoped3A = tpu.sem_alloc : memref<!tpu.dma_semaphore, #tpu.memory_space<semaphore_mem>>
          %dma_start3A_92 = arith.constant 0 : i32
          %dma_start3A_93 = tpu.memref_slice %arg4[%add3A_91, %dma_start3A_92] : memref<4608x256xf32, #tpu.memory_space<hbm>> -> memref<72x256xf32, #tpu.memory_space<hbm>>
          %dma_start3A_94 = arith.constant 0 : i32
          %dma_start3A_95 = tpu.memref_slice %arg4[%add3A_91, %dma_start3A_94] : memref<4608x256xf32, #tpu.memory_space<hbm>> -> memref<72x256xf32, #tpu.memory_space<hbm>>
          tpu.enqueue_dma source(%arg9 : memref<72x256xf32, #tpu.memory_space<vmem>>) target(%dma_start3A_95 : memref<72x256xf32, #tpu.memory_space<hbm>>) target_semaphore(%run_scoped3A : memref<!tpu.dma_semaphore, #tpu.memory_space<semaphore_mem>>)
          %dma_wait3A_96 = arith.constant 0 : i32
          %dma_wait3A_97 = tpu.memref_slice %arg4[%add3A_91, %dma_wait3A_96] : memref<4608x256xf32, #tpu.memory_space<hbm>> -> memref<72x256xf32, #tpu.memory_space<hbm>>
          %dma_wait3A_98 = arith.constant 0 : i32
          %dma_wait3A_99 = tpu.memref_slice %arg4[%add3A_91, %dma_wait3A_98] : memref<4608x256xf32, #tpu.memory_space<hbm>> -> memref<72x256xf32, #tpu.memory_space<hbm>>
          tpu.wait_dma2 semaphore(%run_scoped3A : memref<!tpu.dma_semaphore, #tpu.memory_space<semaphore_mem>>) src(%arg9 : memref<72x256xf32, #tpu.memory_space<vmem>>) dst(%dma_wait3A_99 : memref<72x256xf32, #tpu.memory_space<hbm>>)
          tpu.yield
        }) : () -> ()
      } else {
      }
    }
    %scan3A_10 = arith.constant 2 : i32
    %scan3A_11 = arith.constant 0 : i32
    %scan3A_12 = arith.constant 2 : i32
    %scan3A_13 = arith.addi %scan3A_11, %scan3A_12 : i32
    %scan3A_14 = arith.constant 1 : i32
    scf.for %scan3A_36 = %scan3A_11 to %scan3A_13 step %scan3A_14  : i32 {
      %mul3A_37 = arith.constant 1 : i32
      %mul3A_38 = arith.muli %scan3A_36, %mul3A_37 : i32
      %add3A_39 = arith.constant 0 : i32
      %add3A_40 = arith.addi %add3A_39, %mul3A_38 : i32
      %mul3A_41 = arith.constant 72 : i32
      %mul3A_42 = arith.muli %add3A_40, %mul3A_41 : i32
      %add3A_43 = arith.addi %mul3A_2, %mul3A_42 : i32
      "tpu.region"() ({
        %run_scoped3A = tpu.sem_alloc : memref<!tpu.dma_semaphore, #tpu.memory_space<semaphore_mem>>
        %dma_start3A_44 = arith.constant 0 : i32
        %dma_start3A_45 = tpu.memref_slice %arg7[%add3A_40, %dma_start3A_44] : memref<2x72xi32, #tpu.memory_space<vmem>> -> memref<1x72xi32, #tpu.memory_space<vmem>>
        %dma_start3A_46 = tpu.memref_squeeze %dma_start3A_45 : memref<1x72xi32, #tpu.memory_space<vmem>> -> memref<72xi32, #tpu.memory_space<vmem>>
        %dma_start3A_47 = tpu.memref_slice %arg3[%add3A_43] : memref<4608xi32, #tpu.memory_space<hbm>> -> memref<72xi32, #tpu.memory_space<hbm>>
        %dma_start3A_48 = arith.constant 0 : i32
        %dma_start3A_49 = tpu.memref_slice %arg7[%add3A_40, %dma_start3A_48] : memref<2x72xi32, #tpu.memory_space<vmem>> -> memref<1x72xi32, #tpu.memory_space<vmem>>
        %dma_start3A_50 = tpu.memref_squeeze %dma_start3A_49 : memref<1x72xi32, #tpu.memory_space<vmem>> -> memref<72xi32, #tpu.memory_space<vmem>>
        %dma_start3A_51 = tpu.memref_slice %arg3[%add3A_43] : memref<4608xi32, #tpu.memory_space<hbm>> -> memref<72xi32, #tpu.memory_space<hbm>>
        tpu.enqueue_dma source(%dma_start3A_51 : memref<72xi32, #tpu.memory_space<hbm>>) target(%dma_start3A_50 : memref<72xi32, #tpu.memory_space<vmem>>) target_semaphore(%run_scoped3A : memref<!tpu.dma_semaphore, #tpu.memory_space<semaphore_mem>>)
        %dma_wait3A = arith.constant 0 : i32
        %dma_wait3A_52 = tpu.memref_slice %arg7[%add3A_40, %dma_wait3A] : memref<2x72xi32, #tpu.memory_space<vmem>> -> memref<1x72xi32, #tpu.memory_space<vmem>>
        %dma_wait3A_53 = tpu.memref_squeeze %dma_wait3A_52 : memref<1x72xi32, #tpu.memory_space<vmem>> -> memref<72xi32, #tpu.memory_space<vmem>>
        %dma_wait3A_54 = tpu.memref_slice %arg3[%add3A_43] : memref<4608xi32, #tpu.memory_space<hbm>> -> memref<72xi32, #tpu.memory_space<hbm>>
        %dma_wait3A_55 = arith.constant 0 : i32
        %dma_wait3A_56 = tpu.memref_slice %arg7[%add3A_40, %dma_wait3A_55] : memref<2x72xi32, #tpu.memory_space<vmem>> -> memref<1x72xi32, #tpu.memory_space<vmem>>
        %dma_wait3A_57 = tpu.memref_squeeze %dma_wait3A_56 : memref<1x72xi32, #tpu.memory_space<vmem>> -> memref<72xi32, #tpu.memory_space<vmem>>
        %dma_wait3A_58 = tpu.memref_slice %arg3[%add3A_43] : memref<4608xi32, #tpu.memory_space<hbm>> -> memref<72xi32, #tpu.memory_space<hbm>>
        tpu.wait_dma2 semaphore(%run_scoped3A : memref<!tpu.dma_semaphore, #tpu.memory_space<semaphore_mem>>) src(%dma_wait3A_58 : memref<72xi32, #tpu.memory_space<hbm>>) dst(%dma_wait3A_57 : memref<72xi32, #tpu.memory_space<vmem>>)
        tpu.yield
      }) : () -> ()
    }
    %scan3A_15 = arith.constant 2 : i32
    %scan3A_16 = arith.constant 0 : i32
    %scan3A_17 = arith.constant 5 : i32
    %scan3A_18 = arith.addi %scan3A_16, %scan3A_17 : i32
    %scan3A_19 = arith.constant 1 : i32
    scf.for %scan3A_36 = %scan3A_16 to %scan3A_18 step %scan3A_19  : i32 {
      %mul3A_37 = arith.constant 16 : i32
      %mul3A_38 = arith.muli %scan3A_36, %mul3A_37 : i32
      %add3A_39 = arith.constant 0 : i32
      %add3A_40 = arith.addi %add3A_39, %mul3A_38 : i32
      %broadcast_in_dim3A = arith.constant 1.000000e+00 : f32
      %broadcast_in_dim3A_41 = vector.broadcast %broadcast_in_dim3A : f32 to vector<16xf32>
      %swap3A = arith.index_cast %add3A_40 : i32 to index
      %swap3A_42 = tpu.vector_load %arg10[%swap3A] {strides = array<i32>} : memref<72xf32, #tpu.memory_space<vmem>>, vector<16xf32>,
      %swap3A_43 = vector.shape_cast %swap3A_42 : vector<16xf32> to vector<16xf32>
      %swap3A_44 = vector.shape_cast %broadcast_in_dim3A_41 : vector<16xf32> to vector<16xf32>
      tpu.vector_store %arg10[%swap3A], %swap3A_44 {strides = array<i32>} : memref<72xf32, #tpu.memory_space<vmem>>, vector<16xf32>,
    }
    %scan3A_20 = arith.constant 5 : i32
    %scan3A_21 = arith.constant 0 : i32
    %scan3A_22 = arith.constant 32 : i32
    %scan3A_23 = arith.addi %scan3A_21, %scan3A_22 : i32
    %scan3A_24 = arith.constant 1 : i32
    scf.for %scan3A_36 = %scan3A_21 to %scan3A_23 step %scan3A_24  : i32 {
      %mul3A_37 = arith.constant 16 : i32
      %mul3A_38 = arith.muli %scan3A_36, %mul3A_37 : i32
      %add3A_39 = arith.constant 0 : i32
      %add3A_40 = arith.addi %add3A_39, %mul3A_38 : i32
      %broadcast_in_dim3A = arith.constant 0.000000e+00 : f32
      %broadcast_in_dim3A_41 = vector.broadcast %broadcast_in_dim3A : f32 to vector<16xf32>
      %swap3A = arith.index_cast %add3A_40 : i32 to index
      %swap3A_42 = tpu.vector_load %arg11[%swap3A] {strides = array<i32>} : memref<512xf32, #tpu.memory_space<vmem>>, vector<16xf32>,
      %swap3A_43 = vector.shape_cast %swap3A_42 : vector<16xf32> to vector<16xf32>
      %swap3A_44 = vector.shape_cast %broadcast_in_dim3A_41 : vector<16xf32> to vector<16xf32>
      tpu.vector_store %arg11[%swap3A], %swap3A_44 {strides = array<i32>} : memref<512xf32, #tpu.memory_space<vmem>>, vector<16xf32>,
    }
    %scan3A_25 = arith.constant 32 : i32
    %mul3A_26 = arith.constant 512 : i32
    %mul3A_27 = arith.muli %arg1, %mul3A_26 : i32
    "tpu.region"() ({
      %run_scoped3A = tpu.sem_alloc : memref<!tpu.dma_semaphore, #tpu.memory_space<semaphore_mem>>
      %dma_start3A_36 = tpu.memref_slice %arg12[%mul3A_27] : memref<8192xf32, #tpu.memory_space<vmem_shared>> -> memref<512xf32, #tpu.memory_space<vmem_shared>>
      %dma_start3A_37 = tpu.memref_slice %arg12[%mul3A_27] : memref<8192xf32, #tpu.memory_space<vmem_shared>> -> memref<512xf32, #tpu.memory_space<vmem_shared>>
      tpu.enqueue_dma source(%arg11 : memref<512xf32, #tpu.memory_space<vmem>>) target(%dma_start3A_37 : memref<512xf32, #tpu.memory_space<vmem_shared>>) target_semaphore(%run_scoped3A : memref<!tpu.dma_semaphore, #tpu.memory_space<semaphore_mem>>)
      %dma_wait3A = tpu.memref_slice %arg12[%mul3A_27] : memref<8192xf32, #tpu.memory_space<vmem_shared>> -> memref<512xf32, #tpu.memory_space<vmem_shared>>
      %dma_wait3A_38 = tpu.memref_slice %arg12[%mul3A_27] : memref<8192xf32, #tpu.memory_space<vmem_shared>> -> memref<512xf32, #tpu.memory_space<vmem_shared>>
      tpu.wait_dma2 semaphore(%run_scoped3A : memref<!tpu.dma_semaphore, #tpu.memory_space<semaphore_mem>>) src(%arg11 : memref<512xf32, #tpu.memory_space<vmem>>) dst(%dma_wait3A_38 : memref<512xf32, #tpu.memory_space<vmem_shared>>)
      tpu.yield
    }) : () -> ()
    %barrier3A = arith.constant 0 : index
    tpu.barrier barrier_id(%barrier3A)
    %scan3A_28 = arith.constant 0 : i32
    %scan3A_29 = arith.constant 2 : i32
    %scan3A_30 = arith.addi %scan3A_28, %scan3A_29 : i32
    %scan3A_31 = arith.constant 1 : i32
    scf.for %scan3A_36 = %scan3A_28 to %scan3A_30 step %scan3A_31  : i32 {
      %mul3A_37 = arith.constant 1 : i32
      %mul3A_38 = arith.muli %scan3A_36, %mul3A_37 : i32
      %add3A_39 = arith.constant 0 : i32
      %add3A_40 = arith.addi %add3A_39, %mul3A_38 : i32
      "tpu.region"() ({
        %run_scoped3A = tpu.sem_alloc : memref<!tpu.dma_semaphore, #tpu.memory_space<semaphore_mem>>
        %dma_start3A_41 = arith.constant 0 : i32
        %dma_start3A_42 = tpu.memref_slice %arg7[%add3A_40, %dma_start3A_41] : memref<2x72xi32, #tpu.memory_space<vmem>> -> memref<1x72xi32, #tpu.memory_space<vmem>>
        %dma_start3A_43 = tpu.memref_squeeze %dma_start3A_42 : memref<1x72xi32, #tpu.memory_space<vmem>> -> memref<72xi32, #tpu.memory_space<vmem>>
        %dma_start3A_44 = arith.constant 0 : i32
        %dma_start3A_45 = tpu.memref_slice %arg12[%dma_start3A_44] : memref<8192xf32, #tpu.memory_space<vmem_shared>> -> memref<8192xf32, #tpu.memory_space<vmem_shared>>
        tpu.enqueue_indirect_dma source(%arg10 : memref<72xf32, #tpu.memory_space<vmem>>) target(%dma_start3A_45 : memref<8192xf32, #tpu.memory_space<vmem_shared>>) offsets(%dma_start3A_43 : memref<72xi32, #tpu.memory_space<vmem>>) semaphore(%run_scoped3A : memref<!tpu.dma_semaphore, #tpu.memory_space<semaphore_mem>>) {add = true}
        %dma_wait3A = arith.constant 0 : i32
        %dma_wait3A_46 = tpu.memref_slice %arg7[%add3A_40, %dma_wait3A] : memref<2x72xi32, #tpu.memory_space<vmem>> -> memref<1x72xi32, #tpu.memory_space<vmem>>
        %dma_wait3A_47 = tpu.memref_squeeze %dma_wait3A_46 : memref<1x72xi32, #tpu.memory_space<vmem>> -> memref<72xi32, #tpu.memory_space<vmem>>
        %dma_wait3A_48 = arith.constant 0 : i32
        %dma_wait3A_49 = tpu.memref_slice %arg12[%dma_wait3A_48] : memref<8192xf32, #tpu.memory_space<vmem_shared>> -> memref<8192xf32, #tpu.memory_space<vmem_shared>>
        tpu.wait_indirect_dma semaphore(%run_scoped3A : memref<!tpu.dma_semaphore, #tpu.memory_space<semaphore_mem>>) src(%arg10 : memref<72xf32, #tpu.memory_space<vmem>>) dst(%dma_wait3A_49 : memref<8192xf32, #tpu.memory_space<vmem_shared>>)
        tpu.yield
      }) : () -> ()
    }
    %scan3A_32 = arith.constant 2 : i32
    %barrier3A_33 = arith.constant 0 : index
    tpu.barrier barrier_id(%barrier3A_33)
    %eq3A = arith.constant 0 : i32
    %eq3A_34 = arith.cmpi eq, %arg1, %eq3A : i32
    %convert_element_type3A = arith.extui %eq3A_34 : i1 to i32
    %cond3A = arith.constant 0 : i32
    %cond3A_35 = arith.cmpi ne, %convert_element_type3A, %cond3A : i32
    scf.if %cond3A_35 {
      "tpu.region"() ({
        %run_scoped3A = tpu.sem_alloc : memref<!tpu.dma_semaphore, #tpu.memory_space<semaphore_mem>>
        %dma_start3A_36 = arith.constant 0 : i32
        %dma_start3A_37 = tpu.memref_slice %arg5[%arg0, %dma_start3A_36] : memref<2x8192xf32, #tpu.memory_space<hbm>> -> memref<1x8192xf32, #tpu.memory_space<hbm>>
        %dma_start3A_38 = tpu.memref_squeeze %dma_start3A_37 : memref<1x8192xf32, #tpu.memory_space<hbm>> -> memref<8192xf32, #tpu.memory_space<hbm>>
        tpu.enqueue_dma source(%arg12 : memref<8192xf32, #tpu.memory_space<vmem_shared>>) target(%dma_start3A_38 : memref<8192xf32, #tpu.memory_space<hbm>>) target_semaphore(%run_scoped3A : memref<!tpu.dma_semaphore, #tpu.memory_space<semaphore_mem>>)
        %dma_wait3A = arith.constant 0 : i32
        %dma_wait3A_39 = tpu.memref_slice %arg5[%arg0, %dma_wait3A] : memref<2x8192xf32, #tpu.memory_space<hbm>> -> memref<1x8192xf32, #tpu.memory_space<hbm>>
        %dma_wait3A_40 = tpu.memref_squeeze %dma_wait3A_39 : memref<1x8192xf32, #tpu.memory_space<hbm>> -> memref<8192xf32, #tpu.memory_space<hbm>>
        tpu.wait_dma2 semaphore(%run_scoped3A : memref<!tpu.dma_semaphore, #tpu.memory_space<semaphore_mem>>) src(%arg12 : memref<8192xf32, #tpu.memory_space<vmem_shared>>) dst(%dma_wait3A_40 : memref<8192xf32, #tpu.memory_space<hbm>>)
        tpu.yield
      }) : () -> ()
    } else {
    }
    return
  }
}

#map = affine_map<(d0, d1) -> (0, 0)>
#map1 = affine_map<(d0, d1) -> (0)>
module attributes {stable_mosaic.version = 14 : i64} {
  func.func @k2(%arg0: i32, %arg1: i32, %arg2: memref<8192x256xf32, #tpu.memory_space<hbm>>, %arg3: memref<4608xi32, #tpu.memory_space<hbm>>, %arg4: memref<4608x256xf32, #tpu.memory_space<hbm>>, %arg5: memref<2x8192xf32, #tpu.memory_space<hbm>>, %arg6: memref<144xi32, #tpu.memory_space<vmem>>, %arg7: memref<2x72xi32, #tpu.memory_space<vmem>>, %arg8: memref<72x256xf32, #tpu.memory_space<vmem>>, %arg9: memref<72x256xf32, #tpu.memory_space<vmem>>, %arg10: memref<72xf32, #tpu.memory_space<vmem>>, %arg11: memref<512xf32, #tpu.memory_space<vmem>>, %arg12: memref<8192xf32, #tpu.memory_space<vmem_shared>>, %arg13: memref<!tpu.dma_semaphore, #tpu.memory_space<semaphore_mem>>, %arg14: memref<!tpu.dma_semaphore, #tpu.memory_space<semaphore_mem>>) attributes {dimension_semantics = [#tpu.dimension_semantics<core_parallel>, #tpu.dimension_semantics<subcore_parallel>], iteration_bounds = array<i64: 2, 16>, scalar_prefetch = 0 : i64, scratch_operands = 9 : i64, tpu.core_type = #tpu.core_type<sc_vector_subcore>, window_params = [{transform_indices = #map}, {transform_indices = #map1}, {transform_indices = #map}, {transform_indices = #map}]} {
    %mul3A = arith.constant 2 : i32
    %mul3A_0 = arith.muli %arg1, %mul3A : i32
    %add3A = arith.addi %mul3A_0, %arg0 : i32
    %mul3A_1 = arith.constant 144 : i32
    %mul3A_2 = arith.muli %add3A, %mul3A_1 : i32
    "tpu.region"() ({
      %run_scoped3A = tpu.sem_alloc : memref<!tpu.dma_semaphore, #tpu.memory_space<semaphore_mem>>
      %dma_start3A_36 = tpu.memref_slice %arg3[%mul3A_2] : memref<4608xi32, #tpu.memory_space<hbm>> -> memref<144xi32, #tpu.memory_space<hbm>>
      %dma_start3A_37 = tpu.memref_slice %arg3[%mul3A_2] : memref<4608xi32, #tpu.memory_space<hbm>> -> memref<144xi32, #tpu.memory_space<hbm>>
      tpu.enqueue_dma source(%dma_start3A_37 : memref<144xi32, #tpu.memory_space<hbm>>) target(%arg6 : memref<144xi32, #tpu.memory_space<vmem>>) target_semaphore(%run_scoped3A : memref<!tpu.dma_semaphore, #tpu.memory_space<semaphore_mem>>)
      %dma_wait3A = tpu.memref_slice %arg3[%mul3A_2] : memref<4608xi32, #tpu.memory_space<hbm>> -> memref<144xi32, #tpu.memory_space<hbm>>
      %dma_wait3A_38 = tpu.memref_slice %arg3[%mul3A_2] : memref<4608xi32, #tpu.memory_space<hbm>> -> memref<144xi32, #tpu.memory_space<hbm>>
      tpu.wait_dma2 semaphore(%run_scoped3A : memref<!tpu.dma_semaphore, #tpu.memory_space<semaphore_mem>>) src(%dma_wait3A_38 : memref<144xi32, #tpu.memory_space<hbm>>) dst(%arg6 : memref<144xi32, #tpu.memory_space<vmem>>)
      tpu.yield
    }) : () -> ()
    %dma_start3A = arith.constant 0 : i32
    %dma_start3A_3 = tpu.memref_slice %arg6[%dma_start3A] : memref<144xi32, #tpu.memory_space<vmem>> -> memref<72xi32, #tpu.memory_space<vmem>>
    %dma_start3A_4 = arith.constant 0 : i32
    %dma_start3A_5 = arith.constant 0 : i32
    %dma_start3A_6 = tpu.memref_slice %arg2[%dma_start3A_4, %dma_start3A_5] : memref<8192x256xf32, #tpu.memory_space<hbm>> -> memref<8192x256xf32, #tpu.memory_space<hbm>>
    tpu.enqueue_indirect_dma source(%dma_start3A_6 : memref<8192x256xf32, #tpu.memory_space<hbm>>) target(%arg8 : memref<72x256xf32, #tpu.memory_space<vmem>>) offsets(%dma_start3A_3 : memref<72xi32, #tpu.memory_space<vmem>>) semaphore(%arg13 : memref<!tpu.dma_semaphore, #tpu.memory_space<semaphore_mem>>)
    %scan3A = arith.constant 0 : i32
    %scan3A_7 = arith.constant 2 : i32
    %scan3A_8 = arith.addi %scan3A, %scan3A_7 : i32
    %scan3A_9 = arith.constant 1 : i32
    scf.for %scan3A_36 = %scan3A to %scan3A_8 step %scan3A_9  : i32 {
      %mul3A_37 = arith.constant 1 : i32
      %mul3A_38 = arith.muli %scan3A_36, %mul3A_37 : i32
      %add3A_39 = arith.constant 0 : i32
      %add3A_40 = arith.addi %add3A_39, %mul3A_38 : i32
      %jit3A = arith.constant 2 : i32
      %eq3A_41 = arith.constant 0 : i32
      %eq3A_42 = arith.cmpi eq, %jit3A, %eq3A_41 : i32
      %jit3A_43 = arith.constant 1 : i32
      %select_n3A = arith.select %eq3A_42, %jit3A_43, %jit3A : i32
      %rem3A = arith.remsi %add3A_40, %select_n3A : i32
      %ne3A = arith.constant 0 : i32
      %ne3A_44 = arith.cmpi ne, %rem3A, %ne3A : i32
      %lt3A = arith.constant 0 : i32
      %lt3A_45 = arith.cmpi slt, %rem3A, %lt3A : i32
      %lt3A_46 = arith.constant 0 : i32
      %lt3A_47 = arith.cmpi slt, %select_n3A, %lt3A_46 : i32
      %ne3A_48 = arith.xori %lt3A_45, %lt3A_47 : i1
      %and3A = arith.andi %ne3A_48, %ne3A_44 : i1
      %add3A_49 = arith.addi %rem3A, %select_n3A : i32
      %select_n3A_50 = arith.select %and3A, %add3A_49, %rem3A : i32
      %eq3A_51 = arith.constant 0 : i32
      %eq3A_52 = arith.cmpi eq, %select_n3A_50, %eq3A_51 : i32
      %convert_element_type3A_53 = arith.extui %eq3A_52 : i1 to i32
      %cond3A_54 = arith.constant 0 : i32
      %cond3A_55 = arith.cmpi ne, %convert_element_type3A_53, %cond3A_54 : i32
      scf.if %cond3A_55 {
        %add3A_77 = arith.constant 1 : i32
        %add3A_78 = arith.addi %add3A_40, %add3A_77 : i32
        %lt3A_79 = arith.constant 2 : i32
        %lt3A_80 = arith.cmpi slt, %add3A_78, %lt3A_79 : i32
        %convert_element_type3A_81 = arith.extui %lt3A_80 : i1 to i32
        %cond3A_82 = arith.constant 0 : i32
        %cond3A_83 = arith.cmpi ne, %convert_element_type3A_81, %cond3A_82 : i32
        scf.if %cond3A_83 {
          %add3A_92 = arith.constant 1 : i32
          %add3A_93 = arith.addi %add3A_40, %add3A_92 : i32
          %mul3A_94 = arith.constant 72 : i32
          %mul3A_95 = arith.muli %add3A_93, %mul3A_94 : i32
          %dma_start3A_96 = tpu.memref_slice %arg6[%mul3A_95] : memref<144xi32, #tpu.memory_space<vmem>> -> memref<72xi32, #tpu.memory_space<vmem>>
          %dma_start3A_97 = arith.constant 0 : i32
          %dma_start3A_98 = arith.constant 0 : i32
          %dma_start3A_99 = tpu.memref_slice %arg2[%dma_start3A_97, %dma_start3A_98] : memref<8192x256xf32, #tpu.memory_space<hbm>> -> memref<8192x256xf32, #tpu.memory_space<hbm>>
          tpu.enqueue_indirect_dma source(%dma_start3A_99 : memref<8192x256xf32, #tpu.memory_space<hbm>>) target(%arg9 : memref<72x256xf32, #tpu.memory_space<vmem>>) offsets(%dma_start3A_96 : memref<72xi32, #tpu.memory_space<vmem>>) semaphore(%arg14 : memref<!tpu.dma_semaphore, #tpu.memory_space<semaphore_mem>>)
        } else {
        }
        %dma_wait3A = arith.constant 0 : i32
        %dma_wait3A_84 = arith.constant 0 : i32
        %dma_wait3A_85 = tpu.memref_slice %arg2[%dma_wait3A, %dma_wait3A_84] : memref<8192x256xf32, #tpu.memory_space<hbm>> -> memref<72x256xf32, #tpu.memory_space<hbm>>
        %dma_wait3A_86 = arith.constant 0 : i32
        %dma_wait3A_87 = arith.constant 0 : i32
        %dma_wait3A_88 = tpu.memref_slice %arg2[%dma_wait3A_86, %dma_wait3A_87] : memref<8192x256xf32, #tpu.memory_space<hbm>> -> memref<72x256xf32, #tpu.memory_space<hbm>>
        tpu.wait_dma2 semaphore(%arg13 : memref<!tpu.dma_semaphore, #tpu.memory_space<semaphore_mem>>) src(%dma_wait3A_88 : memref<72x256xf32, #tpu.memory_space<hbm>>) dst(%arg8 : memref<72x256xf32, #tpu.memory_space<vmem>>)
        %mul3A_89 = arith.constant 72 : i32
        %mul3A_90 = arith.muli %add3A_40, %mul3A_89 : i32
        %add3A_91 = arith.addi %mul3A_2, %mul3A_90 : i32
        "tpu.region"() ({
          %run_scoped3A = tpu.sem_alloc : memref<!tpu.dma_semaphore, #tpu.memory_space<semaphore_mem>>
          %dma_start3A_92 = arith.constant 0 : i32
          %dma_start3A_93 = tpu.memref_slice %arg4[%add3A_91, %dma_start3A_92] : memref<4608x256xf32, #tpu.memory_space<hbm>> -> memref<72x256xf32, #tpu.memory_space<hbm>>
          %dma_start3A_94 = arith.constant 0 : i32
          %dma_start3A_95 = tpu.memref_slice %arg4[%add3A_91, %dma_start3A_94] : memref<4608x256xf32, #tpu.memory_space<hbm>> -> memref<72x256xf32, #tpu.memory_space<hbm>>
          tpu.enqueue_dma source(%arg8 : memref<72x256xf32, #tpu.memory_space<vmem>>) target(%dma_start3A_95 : memref<72x256xf32, #tpu.memory_space<hbm>>) target_semaphore(%run_scoped3A : memref<!tpu.dma_semaphore, #tpu.memory_space<semaphore_mem>>)
          %dma_wait3A_96 = arith.constant 0 : i32
          %dma_wait3A_97 = tpu.memref_slice %arg4[%add3A_91, %dma_wait3A_96] : memref<4608x256xf32, #tpu.memory_space<hbm>> -> memref<72x256xf32, #tpu.memory_space<hbm>>
          %dma_wait3A_98 = arith.constant 0 : i32
          %dma_wait3A_99 = tpu.memref_slice %arg4[%add3A_91, %dma_wait3A_98] : memref<4608x256xf32, #tpu.memory_space<hbm>> -> memref<72x256xf32, #tpu.memory_space<hbm>>
          tpu.wait_dma2 semaphore(%run_scoped3A : memref<!tpu.dma_semaphore, #tpu.memory_space<semaphore_mem>>) src(%arg8 : memref<72x256xf32, #tpu.memory_space<vmem>>) dst(%dma_wait3A_99 : memref<72x256xf32, #tpu.memory_space<hbm>>)
          tpu.yield
        }) : () -> ()
      } else {
      }
      %jit3A_56 = arith.constant 2 : i32
      %eq3A_57 = arith.constant 0 : i32
      %eq3A_58 = arith.cmpi eq, %jit3A_56, %eq3A_57 : i32
      %jit3A_59 = arith.constant 1 : i32
      %select_n3A_60 = arith.select %eq3A_58, %jit3A_59, %jit3A_56 : i32
      %rem3A_61 = arith.remsi %add3A_40, %select_n3A_60 : i32
      %ne3A_62 = arith.constant 0 : i32
      %ne3A_63 = arith.cmpi ne, %rem3A_61, %ne3A_62 : i32
      %lt3A_64 = arith.constant 0 : i32
      %lt3A_65 = arith.cmpi slt, %rem3A_61, %lt3A_64 : i32
      %lt3A_66 = arith.constant 0 : i32
      %lt3A_67 = arith.cmpi slt, %select_n3A_60, %lt3A_66 : i32
      %ne3A_68 = arith.xori %lt3A_65, %lt3A_67 : i1
      %and3A_69 = arith.andi %ne3A_68, %ne3A_63 : i1
      %add3A_70 = arith.addi %rem3A_61, %select_n3A_60 : i32
      %select_n3A_71 = arith.select %and3A_69, %add3A_70, %rem3A_61 : i32
      %eq3A_72 = arith.constant 1 : i32
      %eq3A_73 = arith.cmpi eq, %select_n3A_71, %eq3A_72 : i32
      %convert_element_type3A_74 = arith.extui %eq3A_73 : i1 to i32
      %cond3A_75 = arith.constant 0 : i32
      %cond3A_76 = arith.cmpi ne, %convert_element_type3A_74, %cond3A_75 : i32
      scf.if %cond3A_76 {
        %add3A_77 = arith.constant 1 : i32
        %add3A_78 = arith.addi %add3A_40, %add3A_77 : i32
        %lt3A_79 = arith.constant 2 : i32
        %lt3A_80 = arith.cmpi slt, %add3A_78, %lt3A_79 : i32
        %convert_element_type3A_81 = arith.extui %lt3A_80 : i1 to i32
        %cond3A_82 = arith.constant 0 : i32
        %cond3A_83 = arith.cmpi ne, %convert_element_type3A_81, %cond3A_82 : i32
        scf.if %cond3A_83 {
          %add3A_92 = arith.constant 1 : i32
          %add3A_93 = arith.addi %add3A_40, %add3A_92 : i32
          %mul3A_94 = arith.constant 72 : i32
          %mul3A_95 = arith.muli %add3A_93, %mul3A_94 : i32
          %dma_start3A_96 = tpu.memref_slice %arg6[%mul3A_95] : memref<144xi32, #tpu.memory_space<vmem>> -> memref<72xi32, #tpu.memory_space<vmem>>
          %dma_start3A_97 = arith.constant 0 : i32
          %dma_start3A_98 = arith.constant 0 : i32
          %dma_start3A_99 = tpu.memref_slice %arg2[%dma_start3A_97, %dma_start3A_98] : memref<8192x256xf32, #tpu.memory_space<hbm>> -> memref<8192x256xf32, #tpu.memory_space<hbm>>
          tpu.enqueue_indirect_dma source(%dma_start3A_99 : memref<8192x256xf32, #tpu.memory_space<hbm>>) target(%arg8 : memref<72x256xf32, #tpu.memory_space<vmem>>) offsets(%dma_start3A_96 : memref<72xi32, #tpu.memory_space<vmem>>) semaphore(%arg13 : memref<!tpu.dma_semaphore, #tpu.memory_space<semaphore_mem>>)
        } else {
        }
        %dma_wait3A = arith.constant 0 : i32
        %dma_wait3A_84 = arith.constant 0 : i32
        %dma_wait3A_85 = tpu.memref_slice %arg2[%dma_wait3A, %dma_wait3A_84] : memref<8192x256xf32, #tpu.memory_space<hbm>> -> memref<72x256xf32, #tpu.memory_space<hbm>>
        %dma_wait3A_86 = arith.constant 0 : i32
        %dma_wait3A_87 = arith.constant 0 : i32
        %dma_wait3A_88 = tpu.memref_slice %arg2[%dma_wait3A_86, %dma_wait3A_87] : memref<8192x256xf32, #tpu.memory_space<hbm>> -> memref<72x256xf32, #tpu.memory_space<hbm>>
        tpu.wait_dma2 semaphore(%arg14 : memref<!tpu.dma_semaphore, #tpu.memory_space<semaphore_mem>>) src(%dma_wait3A_88 : memref<72x256xf32, #tpu.memory_space<hbm>>) dst(%arg9 : memref<72x256xf32, #tpu.memory_space<vmem>>)
        %mul3A_89 = arith.constant 72 : i32
        %mul3A_90 = arith.muli %add3A_40, %mul3A_89 : i32
        %add3A_91 = arith.addi %mul3A_2, %mul3A_90 : i32
        "tpu.region"() ({
          %run_scoped3A = tpu.sem_alloc : memref<!tpu.dma_semaphore, #tpu.memory_space<semaphore_mem>>
          %dma_start3A_92 = arith.constant 0 : i32
          %dma_start3A_93 = tpu.memref_slice %arg4[%add3A_91, %dma_start3A_92] : memref<4608x256xf32, #tpu.memory_space<hbm>> -> memref<72x256xf32, #tpu.memory_space<hbm>>
          %dma_start3A_94 = arith.constant 0 : i32
          %dma_start3A_95 = tpu.memref_slice %arg4[%add3A_91, %dma_start3A_94] : memref<4608x256xf32, #tpu.memory_space<hbm>> -> memref<72x256xf32, #tpu.memory_space<hbm>>
          tpu.enqueue_dma source(%arg9 : memref<72x256xf32, #tpu.memory_space<vmem>>) target(%dma_start3A_95 : memref<72x256xf32, #tpu.memory_space<hbm>>) target_semaphore(%run_scoped3A : memref<!tpu.dma_semaphore, #tpu.memory_space<semaphore_mem>>)
          %dma_wait3A_96 = arith.constant 0 : i32
          %dma_wait3A_97 = tpu.memref_slice %arg4[%add3A_91, %dma_wait3A_96] : memref<4608x256xf32, #tpu.memory_space<hbm>> -> memref<72x256xf32, #tpu.memory_space<hbm>>
          %dma_wait3A_98 = arith.constant 0 : i32
          %dma_wait3A_99 = tpu.memref_slice %arg4[%add3A_91, %dma_wait3A_98] : memref<4608x256xf32, #tpu.memory_space<hbm>> -> memref<72x256xf32, #tpu.memory_space<hbm>>
          tpu.wait_dma2 semaphore(%run_scoped3A : memref<!tpu.dma_semaphore, #tpu.memory_space<semaphore_mem>>) src(%arg9 : memref<72x256xf32, #tpu.memory_space<vmem>>) dst(%dma_wait3A_99 : memref<72x256xf32, #tpu.memory_space<hbm>>)
          tpu.yield
        }) : () -> ()
      } else {
      }
    }
    %scan3A_10 = arith.constant 2 : i32
    %scan3A_11 = arith.constant 0 : i32
    %scan3A_12 = arith.constant 2 : i32
    %scan3A_13 = arith.addi %scan3A_11, %scan3A_12 : i32
    %scan3A_14 = arith.constant 1 : i32
    scf.for %scan3A_36 = %scan3A_11 to %scan3A_13 step %scan3A_14  : i32 {
      %mul3A_37 = arith.constant 1 : i32
      %mul3A_38 = arith.muli %scan3A_36, %mul3A_37 : i32
      %add3A_39 = arith.constant 0 : i32
      %add3A_40 = arith.addi %add3A_39, %mul3A_38 : i32
      %mul3A_41 = arith.constant 72 : i32
      %mul3A_42 = arith.muli %add3A_40, %mul3A_41 : i32
      %add3A_43 = arith.addi %mul3A_2, %mul3A_42 : i32
      "tpu.region"() ({
        %run_scoped3A = tpu.sem_alloc : memref<!tpu.dma_semaphore, #tpu.memory_space<semaphore_mem>>
        %dma_start3A_44 = arith.constant 0 : i32
        %dma_start3A_45 = tpu.memref_slice %arg7[%add3A_40, %dma_start3A_44] : memref<2x72xi32, #tpu.memory_space<vmem>> -> memref<1x72xi32, #tpu.memory_space<vmem>>
        %dma_start3A_46 = tpu.memref_squeeze %dma_start3A_45 : memref<1x72xi32, #tpu.memory_space<vmem>> -> memref<72xi32, #tpu.memory_space<vmem>>
        %dma_start3A_47 = tpu.memref_slice %arg3[%add3A_43] : memref<4608xi32, #tpu.memory_space<hbm>> -> memref<72xi32, #tpu.memory_space<hbm>>
        %dma_start3A_48 = arith.constant 0 : i32
        %dma_start3A_49 = tpu.memref_slice %arg7[%add3A_40, %dma_start3A_48] : memref<2x72xi32, #tpu.memory_space<vmem>> -> memref<1x72xi32, #tpu.memory_space<vmem>>
        %dma_start3A_50 = tpu.memref_squeeze %dma_start3A_49 : memref<1x72xi32, #tpu.memory_space<vmem>> -> memref<72xi32, #tpu.memory_space<vmem>>
        %dma_start3A_51 = tpu.memref_slice %arg3[%add3A_43] : memref<4608xi32, #tpu.memory_space<hbm>> -> memref<72xi32, #tpu.memory_space<hbm>>
        tpu.enqueue_dma source(%dma_start3A_51 : memref<72xi32, #tpu.memory_space<hbm>>) target(%dma_start3A_50 : memref<72xi32, #tpu.memory_space<vmem>>) target_semaphore(%run_scoped3A : memref<!tpu.dma_semaphore, #tpu.memory_space<semaphore_mem>>)
        %dma_wait3A = arith.constant 0 : i32
        %dma_wait3A_52 = tpu.memref_slice %arg7[%add3A_40, %dma_wait3A] : memref<2x72xi32, #tpu.memory_space<vmem>> -> memref<1x72xi32, #tpu.memory_space<vmem>>
        %dma_wait3A_53 = tpu.memref_squeeze %dma_wait3A_52 : memref<1x72xi32, #tpu.memory_space<vmem>> -> memref<72xi32, #tpu.memory_space<vmem>>
        %dma_wait3A_54 = tpu.memref_slice %arg3[%add3A_43] : memref<4608xi32, #tpu.memory_space<hbm>> -> memref<72xi32, #tpu.memory_space<hbm>>
        %dma_wait3A_55 = arith.constant 0 : i32
        %dma_wait3A_56 = tpu.memref_slice %arg7[%add3A_40, %dma_wait3A_55] : memref<2x72xi32, #tpu.memory_space<vmem>> -> memref<1x72xi32, #tpu.memory_space<vmem>>
        %dma_wait3A_57 = tpu.memref_squeeze %dma_wait3A_56 : memref<1x72xi32, #tpu.memory_space<vmem>> -> memref<72xi32, #tpu.memory_space<vmem>>
        %dma_wait3A_58 = tpu.memref_slice %arg3[%add3A_43] : memref<4608xi32, #tpu.memory_space<hbm>> -> memref<72xi32, #tpu.memory_space<hbm>>
        tpu.wait_dma2 semaphore(%run_scoped3A : memref<!tpu.dma_semaphore, #tpu.memory_space<semaphore_mem>>) src(%dma_wait3A_58 : memref<72xi32, #tpu.memory_space<hbm>>) dst(%dma_wait3A_57 : memref<72xi32, #tpu.memory_space<vmem>>)
        tpu.yield
      }) : () -> ()
    }
    %scan3A_15 = arith.constant 2 : i32
    %scan3A_16 = arith.constant 0 : i32
    %scan3A_17 = arith.constant 5 : i32
    %scan3A_18 = arith.addi %scan3A_16, %scan3A_17 : i32
    %scan3A_19 = arith.constant 1 : i32
    scf.for %scan3A_36 = %scan3A_16 to %scan3A_18 step %scan3A_19  : i32 {
      %mul3A_37 = arith.constant 16 : i32
      %mul3A_38 = arith.muli %scan3A_36, %mul3A_37 : i32
      %add3A_39 = arith.constant 0 : i32
      %add3A_40 = arith.addi %add3A_39, %mul3A_38 : i32
      %broadcast_in_dim3A = arith.constant 1.000000e+00 : f32
      %broadcast_in_dim3A_41 = vector.broadcast %broadcast_in_dim3A : f32 to vector<16xf32>
      %swap3A = arith.index_cast %add3A_40 : i32 to index
      %swap3A_42 = tpu.vector_load %arg10[%swap3A] {strides = array<i32>} : memref<72xf32, #tpu.memory_space<vmem>>, vector<16xf32>,
      %swap3A_43 = vector.shape_cast %swap3A_42 : vector<16xf32> to vector<16xf32>
      %swap3A_44 = vector.shape_cast %broadcast_in_dim3A_41 : vector<16xf32> to vector<16xf32>
      tpu.vector_store %arg10[%swap3A], %swap3A_44 {strides = array<i32>} : memref<72xf32, #tpu.memory_space<vmem>>, vector<16xf32>,
    }
    %scan3A_20 = arith.constant 5 : i32
    %scan3A_21 = arith.constant 0 : i32
    %scan3A_22 = arith.constant 32 : i32
    %scan3A_23 = arith.addi %scan3A_21, %scan3A_22 : i32
    %scan3A_24 = arith.constant 1 : i32
    scf.for %scan3A_36 = %scan3A_21 to %scan3A_23 step %scan3A_24  : i32 {
      %mul3A_37 = arith.constant 16 : i32
      %mul3A_38 = arith.muli %scan3A_36, %mul3A_37 : i32
      %add3A_39 = arith.constant 0 : i32
      %add3A_40 = arith.addi %add3A_39, %mul3A_38 : i32
      %broadcast_in_dim3A = arith.constant 0.000000e+00 : f32
      %broadcast_in_dim3A_41 = vector.broadcast %broadcast_in_dim3A : f32 to vector<16xf32>
      %swap3A = arith.index_cast %add3A_40 : i32 to index
      %swap3A_42 = tpu.vector_load %arg11[%swap3A] {strides = array<i32>} : memref<512xf32, #tpu.memory_space<vmem>>, vector<16xf32>,
      %swap3A_43 = vector.shape_cast %swap3A_42 : vector<16xf32> to vector<16xf32>
      %swap3A_44 = vector.shape_cast %broadcast_in_dim3A_41 : vector<16xf32> to vector<16xf32>
      tpu.vector_store %arg11[%swap3A], %swap3A_44 {strides = array<i32>} : memref<512xf32, #tpu.memory_space<vmem>>, vector<16xf32>,
    }
    %scan3A_25 = arith.constant 32 : i32
    %mul3A_26 = arith.constant 512 : i32
    %mul3A_27 = arith.muli %arg1, %mul3A_26 : i32
    "tpu.region"() ({
      %run_scoped3A = tpu.sem_alloc : memref<!tpu.dma_semaphore, #tpu.memory_space<semaphore_mem>>
      %dma_start3A_36 = tpu.memref_slice %arg12[%mul3A_27] : memref<8192xf32, #tpu.memory_space<vmem_shared>> -> memref<512xf32, #tpu.memory_space<vmem_shared>>
      %dma_start3A_37 = tpu.memref_slice %arg12[%mul3A_27] : memref<8192xf32, #tpu.memory_space<vmem_shared>> -> memref<512xf32, #tpu.memory_space<vmem_shared>>
      tpu.enqueue_dma source(%arg11 : memref<512xf32, #tpu.memory_space<vmem>>) target(%dma_start3A_37 : memref<512xf32, #tpu.memory_space<vmem_shared>>) target_semaphore(%run_scoped3A : memref<!tpu.dma_semaphore, #tpu.memory_space<semaphore_mem>>)
      %dma_wait3A = tpu.memref_slice %arg12[%mul3A_27] : memref<8192xf32, #tpu.memory_space<vmem_shared>> -> memref<512xf32, #tpu.memory_space<vmem_shared>>
      %dma_wait3A_38 = tpu.memref_slice %arg12[%mul3A_27] : memref<8192xf32, #tpu.memory_space<vmem_shared>> -> memref<512xf32, #tpu.memory_space<vmem_shared>>
      tpu.wait_dma2 semaphore(%run_scoped3A : memref<!tpu.dma_semaphore, #tpu.memory_space<semaphore_mem>>) src(%arg11 : memref<512xf32, #tpu.memory_space<vmem>>) dst(%dma_wait3A_38 : memref<512xf32, #tpu.memory_space<vmem_shared>>)
      tpu.yield
    }) : () -> ()
    %barrier3A = arith.constant 0 : index
    tpu.barrier barrier_id(%barrier3A)
    %scan3A_28 = arith.constant 0 : i32
    %scan3A_29 = arith.constant 2 : i32
    %scan3A_30 = arith.addi %scan3A_28, %scan3A_29 : i32
    %scan3A_31 = arith.constant 1 : i32
    scf.for %scan3A_36 = %scan3A_28 to %scan3A_30 step %scan3A_31  : i32 {
      %mul3A_37 = arith.constant 1 : i32
      %mul3A_38 = arith.muli %scan3A_36, %mul3A_37 : i32
      %add3A_39 = arith.constant 0 : i32
      %add3A_40 = arith.addi %add3A_39, %mul3A_38 : i32
      "tpu.region"() ({
        %run_scoped3A = tpu.sem_alloc : memref<!tpu.dma_semaphore, #tpu.memory_space<semaphore_mem>>
        %dma_start3A_41 = arith.constant 0 : i32
        %dma_start3A_42 = tpu.memref_slice %arg7[%add3A_40, %dma_start3A_41] : memref<2x72xi32, #tpu.memory_space<vmem>> -> memref<1x72xi32, #tpu.memory_space<vmem>>
        %dma_start3A_43 = tpu.memref_squeeze %dma_start3A_42 : memref<1x72xi32, #tpu.memory_space<vmem>> -> memref<72xi32, #tpu.memory_space<vmem>>
        %dma_start3A_44 = arith.constant 0 : i32
        %dma_start3A_45 = tpu.memref_slice %arg12[%dma_start3A_44] : memref<8192xf32, #tpu.memory_space<vmem_shared>> -> memref<8192xf32, #tpu.memory_space<vmem_shared>>
        tpu.enqueue_indirect_dma source(%arg10 : memref<72xf32, #tpu.memory_space<vmem>>) target(%dma_start3A_45 : memref<8192xf32, #tpu.memory_space<vmem_shared>>) offsets(%dma_start3A_43 : memref<72xi32, #tpu.memory_space<vmem>>) semaphore(%run_scoped3A : memref<!tpu.dma_semaphore, #tpu.memory_space<semaphore_mem>>) {add = true}
        %dma_wait3A = arith.constant 0 : i32
        %dma_wait3A_46 = tpu.memref_slice %arg7[%add3A_40, %dma_wait3A] : memref<2x72xi32, #tpu.memory_space<vmem>> -> memref<1x72xi32, #tpu.memory_space<vmem>>
        %dma_wait3A_47 = tpu.memref_squeeze %dma_wait3A_46 : memref<1x72xi32, #tpu.memory_space<vmem>> -> memref<72xi32, #tpu.memory_space<vmem>>
        %dma_wait3A_48 = arith.constant 0 : i32
        %dma_wait3A_49 = tpu.memref_slice %arg12[%dma_wait3A_48] : memref<8192xf32, #tpu.memory_space<vmem_shared>> -> memref<8192xf32, #tpu.memory_space<vmem_shared>>
        tpu.wait_indirect_dma semaphore(%run_scoped3A : memref<!tpu.dma_semaphore, #tpu.memory_space<semaphore_mem>>) src(%arg10 : memref<72xf32, #tpu.memory_space<vmem>>) dst(%dma_wait3A_49 : memref<8192xf32, #tpu.memory_space<vmem_shared>>)
        tpu.yield
      }) : () -> ()
    }
    %scan3A_32 = arith.constant 2 : i32
    %barrier3A_33 = arith.constant 0 : index
    tpu.barrier barrier_id(%barrier3A_33)
    %eq3A = arith.constant 0 : i32
    %eq3A_34 = arith.cmpi eq, %arg1, %eq3A : i32
    %convert_element_type3A = arith.extui %eq3A_34 : i1 to i32
    %cond3A = arith.constant 0 : i32
    %cond3A_35 = arith.cmpi ne, %convert_element_type3A, %cond3A : i32
    scf.if %cond3A_35 {
      "tpu.region"() ({
        %run_scoped3A = tpu.sem_alloc : memref<!tpu.dma_semaphore, #tpu.memory_space<semaphore_mem>>
        %dma_start3A_36 = arith.constant 0 : i32
        %dma_start3A_37 = tpu.memref_slice %arg5[%arg0, %dma_start3A_36] : memref<2x8192xf32, #tpu.memory_space<hbm>> -> memref<1x8192xf32, #tpu.memory_space<hbm>>
        %dma_start3A_38 = tpu.memref_squeeze %dma_start3A_37 : memref<1x8192xf32, #tpu.memory_space<hbm>> -> memref<8192xf32, #tpu.memory_space<hbm>>
        tpu.enqueue_dma source(%arg12 : memref<8192xf32, #tpu.memory_space<vmem_shared>>) target(%dma_start3A_38 : memref<8192xf32, #tpu.memory_space<hbm>>) target_semaphore(%run_scoped3A : memref<!tpu.dma_semaphore, #tpu.memory_space<semaphore_mem>>)
        %dma_wait3A = arith.constant 0 : i32
        %dma_wait3A_39 = tpu.memref_slice %arg5[%arg0, %dma_wait3A] : memref<2x8192xf32, #tpu.memory_space<hbm>> -> memref<1x8192xf32, #tpu.memory_space<hbm>>
        %dma_wait3A_40 = tpu.memref_squeeze %dma_wait3A_39 : memref<1x8192xf32, #tpu.memory_space<hbm>> -> memref<8192xf32, #tpu.memory_space<hbm>>
        tpu.wait_dma2 semaphore(%run_scoped3A : memref<!tpu.dma_semaphore, #tpu.memory_space<semaphore_mem>>) src(%arg12 : memref<8192xf32, #tpu.memory_space<vmem_shared>>) dst(%dma_wait3A_40 : memref<8192xf32, #tpu.memory_space<hbm>>)
        tpu.yield
      }) : () -> ()
    } else {
    }
    return
  }
}

module attributes {stable_mosaic.version = 14 : i64} {
  func.func @_argmin_body(%arg0: i32, %arg1: memref<1x256x576xf32, #tpu.memory_space<vmem>>, %arg2: memref<8192x256xf32, #tpu.memory_space<vmem>>, %arg3: memref<1x8192xf32, #tpu.memory_space<vmem>>, %arg4: memref<1x1x576xi32, #tpu.memory_space<vmem>>) attributes {dimension_semantics = [#tpu.dimension_semantics<parallel>], iteration_bounds = array<i64: 8>, scalar_prefetch = 0 : i64, scratch_operands = 0 : i64, tpu.core_type = #tpu.core_type<tc>, window_params = [{transform_indices = @transform_0, window_bounds = array<i64: 1, 256, 576>}, {pipeline_mode = #tpu.pipeline_mode<synchronous>, transform_indices = @transform_1, window_bounds = array<i64: 8192, 256>}, {pipeline_mode = #tpu.pipeline_mode<synchronous>, transform_indices = @transform_2, window_bounds = array<i64: 1, 8192>}, {transform_indices = @transform_3, window_bounds = array<i64: 1, 1, 576>}]} {
    %get3A = arith.constant 0 : index
    %get3A_0 = arith.constant 0 : index
    %get3A_1 = arith.constant 0 : index
    %get3A_2 = vector.load %arg1[%get3A, %get3A_0, %get3A_1] : memref<1x256x576xf32, #tpu.memory_space<vmem>>, vector<1x256x576xf32>
    %get3A_3 = vector.shape_cast %get3A_2 : vector<1x256x576xf32> to vector<256x576xf32>
    %transpose3A = tpu.transpose %get3A_3, [1, 0] : vector<256x576xf32> -> vector<576x256xf32>
    %mul3A = arith.mulf %transpose3A, %transpose3A : vector<576x256xf32>
    %reduce_sum3A = arith.constant dense<0.000000e+00> : vector<576xf32>
    %reduce_sum3A_4 = vector.multi_reduction <add>, %mul3A, %reduce_sum3A [1] : vector<576x256xf32> to vector<576xf32>
    %broadcast_in_dim3A = vector.shape_cast %reduce_sum3A_4 : vector<576xf32> to vector<576x1xf32>
    %add3A = arith.addf %transpose3A, %transpose3A : vector<576x256xf32>
    %convert_element_type3A = arith.truncf %add3A : vector<576x256xf32> to vector<576x256xbf16>
    %get3A_5 = arith.constant 0 : index
    %get3A_6 = arith.constant 0 : index
    %get3A_7 = vector.load %arg2[%get3A_5, %get3A_6] : memref<8192x256xf32, #tpu.memory_space<vmem>>, vector<1024x256xf32>
    %convert_element_type3A_8 = arith.truncf %get3A_7 : vector<1024x256xf32> to vector<1024x256xbf16>
    %dot_general3A = arith.constant dense<0.000000e+00> : vector<576x1024xf32>
    %dot_general3A_9 = tpu.matmul %convert_element_type3A, %convert_element_type3A_8, %dot_general3A {dimension_numbers = #tpu.dot_dimension_numbers<[1], [1], [0], [0], [0, 0, 1, 0], [], []>, transpose_lhs_hint = false} : vector<576x256xbf16>, vector<1024x256xbf16>, vector<576x1024xf32> -> vector<576x1024xf32>
    %get3A_10 = arith.constant 1024 : index
    %get3A_11 = arith.constant 0 : index
    %get3A_12 = vector.load %arg2[%get3A_10, %get3A_11] : memref<8192x256xf32, #tpu.memory_space<vmem>>, vector<1024x256xf32>
    %convert_element_type3A_13 = arith.truncf %get3A_12 : vector<1024x256xf32> to vector<1024x256xbf16>
    %dot_general3A_14 = arith.constant dense<0.000000e+00> : vector<576x1024xf32>
    %dot_general3A_15 = tpu.matmul %convert_element_type3A, %convert_element_type3A_13, %dot_general3A_14 {dimension_numbers = #tpu.dot_dimension_numbers<[1], [1], [0], [0], [0, 0, 1, 0], [], []>, transpose_lhs_hint = false} : vector<576x256xbf16>, vector<1024x256xbf16>, vector<576x1024xf32> -> vector<576x1024xf32>
    %get3A_16 = arith.constant 2048 : index
    %get3A_17 = arith.constant 0 : index
    %get3A_18 = vector.load %arg2[%get3A_16, %get3A_17] : memref<8192x256xf32, #tpu.memory_space<vmem>>, vector<1024x256xf32>
    %convert_element_type3A_19 = arith.truncf %get3A_18 : vector<1024x256xf32> to vector<1024x256xbf16>
    %dot_general3A_20 = arith.constant dense<0.000000e+00> : vector<576x1024xf32>
    %dot_general3A_21 = tpu.matmul %convert_element_type3A, %convert_element_type3A_19, %dot_general3A_20 {dimension_numbers = #tpu.dot_dimension_numbers<[1], [1], [0], [0], [0, 0, 1, 0], [], []>, transpose_lhs_hint = false} : vector<576x256xbf16>, vector<1024x256xbf16>, vector<576x1024xf32> -> vector<576x1024xf32>
    %get3A_22 = arith.constant 3072 : index
    %get3A_23 = arith.constant 0 : index
    %get3A_24 = vector.load %arg2[%get3A_22, %get3A_23] : memref<8192x256xf32, #tpu.memory_space<vmem>>, vector<1024x256xf32>
    %convert_element_type3A_25 = arith.truncf %get3A_24 : vector<1024x256xf32> to vector<1024x256xbf16>
    %dot_general3A_26 = arith.constant dense<0.000000e+00> : vector<576x1024xf32>
    %dot_general3A_27 = tpu.matmul %convert_element_type3A, %convert_element_type3A_25, %dot_general3A_26 {dimension_numbers = #tpu.dot_dimension_numbers<[1], [1], [0], [0], [0, 0, 1, 0], [], []>, transpose_lhs_hint = false} : vector<576x256xbf16>, vector<1024x256xbf16>, vector<576x1024xf32> -> vector<576x1024xf32>
    %get3A_28 = arith.constant 4096 : index
    %get3A_29 = arith.constant 0 : index
    %get3A_30 = vector.load %arg2[%get3A_28, %get3A_29] : memref<8192x256xf32, #tpu.memory_space<vmem>>, vector<1024x256xf32>
    %convert_element_type3A_31 = arith.truncf %get3A_30 : vector<1024x256xf32> to vector<1024x256xbf16>
    %dot_general3A_32 = arith.constant dense<0.000000e+00> : vector<576x1024xf32>
    %dot_general3A_33 = tpu.matmul %convert_element_type3A, %convert_element_type3A_31, %dot_general3A_32 {dimension_numbers = #tpu.dot_dimension_numbers<[1], [1], [0], [0], [0, 0, 1, 0], [], []>, transpose_lhs_hint = false} : vector<576x256xbf16>, vector<1024x256xbf16>, vector<576x1024xf32> -> vector<576x1024xf32>
    %get3A_34 = arith.constant 5120 : index
    %get3A_35 = arith.constant 0 : index
    %get3A_36 = vector.load %arg2[%get3A_34, %get3A_35] : memref<8192x256xf32, #tpu.memory_space<vmem>>, vector<1024x256xf32>
    %convert_element_type3A_37 = arith.truncf %get3A_36 : vector<1024x256xf32> to vector<1024x256xbf16>
    %dot_general3A_38 = arith.constant dense<0.000000e+00> : vector<576x1024xf32>
    %dot_general3A_39 = tpu.matmul %convert_element_type3A, %convert_element_type3A_37, %dot_general3A_38 {dimension_numbers = #tpu.dot_dimension_numbers<[1], [1], [0], [0], [0, 0, 1, 0], [], []>, transpose_lhs_hint = false} : vector<576x256xbf16>, vector<1024x256xbf16>, vector<576x1024xf32> -> vector<576x1024xf32>
    %get3A_40 = arith.constant 6144 : index
    %get3A_41 = arith.constant 0 : index
    %get3A_42 = vector.load %arg2[%get3A_40, %get3A_41] : memref<8192x256xf32, #tpu.memory_space<vmem>>, vector<1024x256xf32>
    %convert_element_type3A_43 = arith.truncf %get3A_42 : vector<1024x256xf32> to vector<1024x256xbf16>
    %dot_general3A_44 = arith.constant dense<0.000000e+00> : vector<576x1024xf32>
    %dot_general3A_45 = tpu.matmul %convert_element_type3A, %convert_element_type3A_43, %dot_general3A_44 {dimension_numbers = #tpu.dot_dimension_numbers<[1], [1], [0], [0], [0, 0, 1, 0], [], []>, transpose_lhs_hint = false} : vector<576x256xbf16>, vector<1024x256xbf16>, vector<576x1024xf32> -> vector<576x1024xf32>
    %get3A_46 = arith.constant 7168 : index
    %get3A_47 = arith.constant 0 : index
    %get3A_48 = vector.load %arg2[%get3A_46, %get3A_47] : memref<8192x256xf32, #tpu.memory_space<vmem>>, vector<1024x256xf32>
    %convert_element_type3A_49 = arith.truncf %get3A_48 : vector<1024x256xf32> to vector<1024x256xbf16>
    %dot_general3A_50 = arith.constant dense<0.000000e+00> : vector<576x1024xf32>
    %dot_general3A_51 = tpu.matmul %convert_element_type3A, %convert_element_type3A_49, %dot_general3A_50 {dimension_numbers = #tpu.dot_dimension_numbers<[1], [1], [0], [0], [0, 0, 1, 0], [], []>, transpose_lhs_hint = false} : vector<576x256xbf16>, vector<1024x256xbf16>, vector<576x1024xf32> -> vector<576x1024xf32>
    %iota3A = tpu.iota {dimensions = array<i32: 1>} : vector<576x128xi32>
    %broadcast_in_dim3A_52 = arith.constant 0x7F800000 : f32
    %broadcast_in_dim3A_53 = vector.broadcast %broadcast_in_dim3A_52 : f32 to vector<576x128xf32>
    %broadcast_in_dim3A_54 = arith.constant 0 : i32
    %broadcast_in_dim3A_55 = vector.broadcast %broadcast_in_dim3A_54 : i32 to vector<576x128xi32>
    %get3A_56 = arith.constant 0 : index
    %get3A_57 = arith.constant 0 : index
    %get3A_58 = vector.load %arg3[%get3A_56, %get3A_57] : memref<1x8192xf32, #tpu.memory_space<vmem>>, vector<1x128xf32>
    %get3A_59 = vector.shape_cast %get3A_58 : vector<1x128xf32> to vector<128xf32>
    %broadcast_in_dim3A_60 = vector.shape_cast %get3A_59 : vector<128xf32> to vector<1x128xf32>
    %add3A_61 = vector.broadcast %broadcast_in_dim3A : vector<576x1xf32> to vector<576x128xf32>
    %add3A_62 = vector.broadcast %broadcast_in_dim3A_60 : vector<1x128xf32> to vector<576x128xf32>
    %add3A_63 = arith.addf %add3A_61, %add3A_62 : vector<576x128xf32>
    %slice3A = vector.extract_strided_slice %dot_general3A_9 {offsets = [0, 0], sizes = [576, 128], strides = [1, 1]} : vector<576x1024xf32> to vector<576x128xf32>
    %sub3A = arith.subf %add3A_63, %slice3A : vector<576x128xf32>
    %lt3A = arith.cmpf olt, %sub3A, %broadcast_in_dim3A_53 : vector<576x128xf32>
    %jit3A = arith.constant 0 : i32
    %broadcast_in_dim3A_64 = vector.broadcast %jit3A : i32 to vector<576x128xi32>
    %select_n3A = arith.select %lt3A, %broadcast_in_dim3A_64, %broadcast_in_dim3A_55 : vector<576x128xi1>, vector<576x128xi32>
    %min3A = arith.minimumf %sub3A, %broadcast_in_dim3A_53 : vector<576x128xf32>
    %get3A_65 = arith.constant 0 : index
    %get3A_66 = arith.constant 128 : index
    %get3A_67 = vector.load %arg3[%get3A_65, %get3A_66] : memref<1x8192xf32, #tpu.memory_space<vmem>>, vector<1x128xf32>
    %get3A_68 = vector.shape_cast %get3A_67 : vector<1x128xf32> to vector<128xf32>
    %broadcast_in_dim3A_69 = vector.shape_cast %get3A_68 : vector<128xf32> to vector<1x128xf32>
    %add3A_70 = vector.broadcast %broadcast_in_dim3A : vector<576x1xf32> to vector<576x128xf32>
    %add3A_71 = vector.broadcast %broadcast_in_dim3A_69 : vector<1x128xf32> to vector<576x128xf32>
    %add3A_72 = arith.addf %add3A_70, %add3A_71 : vector<576x128xf32>
    %slice3A_73 = vector.extract_strided_slice %dot_general3A_9 {offsets = [0, 128], sizes = [576, 128], strides = [1, 1]} : vector<576x1024xf32> to vector<576x128xf32>
    %sub3A_74 = arith.subf %add3A_72, %slice3A_73 : vector<576x128xf32>
    %lt3A_75 = arith.cmpf olt, %sub3A_74, %min3A : vector<576x128xf32>
    %jit3A_76 = arith.constant 1 : i32
    %broadcast_in_dim3A_77 = vector.broadcast %jit3A_76 : i32 to vector<576x128xi32>
    %select_n3A_78 = arith.select %lt3A_75, %broadcast_in_dim3A_77, %select_n3A : vector<576x128xi1>, vector<576x128xi32>
    %min3A_79 = arith.minimumf %sub3A_74, %min3A : vector<576x128xf32>
    %get3A_80 = arith.constant 0 : index
    %get3A_81 = arith.constant 256 : index
    %get3A_82 = vector.load %arg3[%get3A_80, %get3A_81] : memref<1x8192xf32, #tpu.memory_space<vmem>>, vector<1x128xf32>
    %get3A_83 = vector.shape_cast %get3A_82 : vector<1x128xf32> to vector<128xf32>
    %broadcast_in_dim3A_84 = vector.shape_cast %get3A_83 : vector<128xf32> to vector<1x128xf32>
    %add3A_85 = vector.broadcast %broadcast_in_dim3A : vector<576x1xf32> to vector<576x128xf32>
    %add3A_86 = vector.broadcast %broadcast_in_dim3A_84 : vector<1x128xf32> to vector<576x128xf32>
    %add3A_87 = arith.addf %add3A_85, %add3A_86 : vector<576x128xf32>
    %slice3A_88 = vector.extract_strided_slice %dot_general3A_9 {offsets = [0, 256], sizes = [576, 128], strides = [1, 1]} : vector<576x1024xf32> to vector<576x128xf32>
    %sub3A_89 = arith.subf %add3A_87, %slice3A_88 : vector<576x128xf32>
    %lt3A_90 = arith.cmpf olt, %sub3A_89, %min3A_79 : vector<576x128xf32>
    %jit3A_91 = arith.constant 2 : i32
    %broadcast_in_dim3A_92 = vector.broadcast %jit3A_91 : i32 to vector<576x128xi32>
    %select_n3A_93 = arith.select %lt3A_90, %broadcast_in_dim3A_92, %select_n3A_78 : vector<576x128xi1>, vector<576x128xi32>
    %min3A_94 = arith.minimumf %sub3A_89, %min3A_79 : vector<576x128xf32>
    %get3A_95 = arith.constant 0 : index
    %get3A_96 = arith.constant 384 : index
    %get3A_97 = vector.load %arg3[%get3A_95, %get3A_96] : memref<1x8192xf32, #tpu.memory_space<vmem>>, vector<1x128xf32>
    %get3A_98 = vector.shape_cast %get3A_97 : vector<1x128xf32> to vector<128xf32>
    %broadcast_in_dim3A_99 = vector.shape_cast %get3A_98 : vector<128xf32> to vector<1x128xf32>
    %add3A_100 = vector.broadcast %broadcast_in_dim3A : vector<576x1xf32> to vector<576x128xf32>
    %add3A_101 = vector.broadcast %broadcast_in_dim3A_99 : vector<1x128xf32> to vector<576x128xf32>
    %add3A_102 = arith.addf %add3A_100, %add3A_101 : vector<576x128xf32>
    %slice3A_103 = vector.extract_strided_slice %dot_general3A_9 {offsets = [0, 384], sizes = [576, 128], strides = [1, 1]} : vector<576x1024xf32> to vector<576x128xf32>
    %sub3A_104 = arith.subf %add3A_102, %slice3A_103 : vector<576x128xf32>
    %lt3A_105 = arith.cmpf olt, %sub3A_104, %min3A_94 : vector<576x128xf32>
    %jit3A_106 = arith.constant 3 : i32
    %broadcast_in_dim3A_107 = vector.broadcast %jit3A_106 : i32 to vector<576x128xi32>
    %select_n3A_108 = arith.select %lt3A_105, %broadcast_in_dim3A_107, %select_n3A_93 : vector<576x128xi1>, vector<576x128xi32>
    %min3A_109 = arith.minimumf %sub3A_104, %min3A_94 : vector<576x128xf32>
    %get3A_110 = arith.constant 0 : index
    %get3A_111 = arith.constant 512 : index
    %get3A_112 = vector.load %arg3[%get3A_110, %get3A_111] : memref<1x8192xf32, #tpu.memory_space<vmem>>, vector<1x128xf32>
    %get3A_113 = vector.shape_cast %get3A_112 : vector<1x128xf32> to vector<128xf32>
    %broadcast_in_dim3A_114 = vector.shape_cast %get3A_113 : vector<128xf32> to vector<1x128xf32>
    %add3A_115 = vector.broadcast %broadcast_in_dim3A : vector<576x1xf32> to vector<576x128xf32>
    %add3A_116 = vector.broadcast %broadcast_in_dim3A_114 : vector<1x128xf32> to vector<576x128xf32>
    %add3A_117 = arith.addf %add3A_115, %add3A_116 : vector<576x128xf32>
    %slice3A_118 = vector.extract_strided_slice %dot_general3A_9 {offsets = [0, 512], sizes = [576, 128], strides = [1, 1]} : vector<576x1024xf32> to vector<576x128xf32>
    %sub3A_119 = arith.subf %add3A_117, %slice3A_118 : vector<576x128xf32>
    %lt3A_120 = arith.cmpf olt, %sub3A_119, %min3A_109 : vector<576x128xf32>
    %jit3A_121 = arith.constant 4 : i32
    %broadcast_in_dim3A_122 = vector.broadcast %jit3A_121 : i32 to vector<576x128xi32>
    %select_n3A_123 = arith.select %lt3A_120, %broadcast_in_dim3A_122, %select_n3A_108 : vector<576x128xi1>, vector<576x128xi32>
    %min3A_124 = arith.minimumf %sub3A_119, %min3A_109 : vector<576x128xf32>
    %get3A_125 = arith.constant 0 : index
    %get3A_126 = arith.constant 640 : index
    %get3A_127 = vector.load %arg3[%get3A_125, %get3A_126] : memref<1x8192xf32, #tpu.memory_space<vmem>>, vector<1x128xf32>
    %get3A_128 = vector.shape_cast %get3A_127 : vector<1x128xf32> to vector<128xf32>
    %broadcast_in_dim3A_129 = vector.shape_cast %get3A_128 : vector<128xf32> to vector<1x128xf32>
    %add3A_130 = vector.broadcast %broadcast_in_dim3A : vector<576x1xf32> to vector<576x128xf32>
    %add3A_131 = vector.broadcast %broadcast_in_dim3A_129 : vector<1x128xf32> to vector<576x128xf32>
    %add3A_132 = arith.addf %add3A_130, %add3A_131 : vector<576x128xf32>
    %slice3A_133 = vector.extract_strided_slice %dot_general3A_9 {offsets = [0, 640], sizes = [576, 128], strides = [1, 1]} : vector<576x1024xf32> to vector<576x128xf32>
    %sub3A_134 = arith.subf %add3A_132, %slice3A_133 : vector<576x128xf32>
    %lt3A_135 = arith.cmpf olt, %sub3A_134, %min3A_124 : vector<576x128xf32>
    %jit3A_136 = arith.constant 5 : i32
    %broadcast_in_dim3A_137 = vector.broadcast %jit3A_136 : i32 to vector<576x128xi32>
    %select_n3A_138 = arith.select %lt3A_135, %broadcast_in_dim3A_137, %select_n3A_123 : vector<576x128xi1>, vector<576x128xi32>
    %min3A_139 = arith.minimumf %sub3A_134, %min3A_124 : vector<576x128xf32>
    %get3A_140 = arith.constant 0 : index
    %get3A_141 = arith.constant 768 : index
    %get3A_142 = vector.load %arg3[%get3A_140, %get3A_141] : memref<1x8192xf32, #tpu.memory_space<vmem>>, vector<1x128xf32>
    %get3A_143 = vector.shape_cast %get3A_142 : vector<1x128xf32> to vector<128xf32>
    %broadcast_in_dim3A_144 = vector.shape_cast %get3A_143 : vector<128xf32> to vector<1x128xf32>
    %add3A_145 = vector.broadcast %broadcast_in_dim3A : vector<576x1xf32> to vector<576x128xf32>
    %add3A_146 = vector.broadcast %broadcast_in_dim3A_144 : vector<1x128xf32> to vector<576x128xf32>
    %add3A_147 = arith.addf %add3A_145, %add3A_146 : vector<576x128xf32>
    %slice3A_148 = vector.extract_strided_slice %dot_general3A_9 {offsets = [0, 768], sizes = [576, 128], strides = [1, 1]} : vector<576x1024xf32> to vector<576x128xf32>
    %sub3A_149 = arith.subf %add3A_147, %slice3A_148 : vector<576x128xf32>
    %lt3A_150 = arith.cmpf olt, %sub3A_149, %min3A_139 : vector<576x128xf32>
    %jit3A_151 = arith.constant 6 : i32
    %broadcast_in_dim3A_152 = vector.broadcast %jit3A_151 : i32 to vector<576x128xi32>
    %select_n3A_153 = arith.select %lt3A_150, %broadcast_in_dim3A_152, %select_n3A_138 : vector<576x128xi1>, vector<576x128xi32>
    %min3A_154 = arith.minimumf %sub3A_149, %min3A_139 : vector<576x128xf32>
    %get3A_155 = arith.constant 0 : index
    %get3A_156 = arith.constant 896 : index
    %get3A_157 = vector.load %arg3[%get3A_155, %get3A_156] : memref<1x8192xf32, #tpu.memory_space<vmem>>, vector<1x128xf32>
    %get3A_158 = vector.shape_cast %get3A_157 : vector<1x128xf32> to vector<128xf32>
    %broadcast_in_dim3A_159 = vector.shape_cast %get3A_158 : vector<128xf32> to vector<1x128xf32>
    %add3A_160 = vector.broadcast %broadcast_in_dim3A : vector<576x1xf32> to vector<576x128xf32>
    %add3A_161 = vector.broadcast %broadcast_in_dim3A_159 : vector<1x128xf32> to vector<576x128xf32>
    %add3A_162 = arith.addf %add3A_160, %add3A_161 : vector<576x128xf32>
    %slice3A_163 = vector.extract_strided_slice %dot_general3A_9 {offsets = [0, 896], sizes = [576, 128], strides = [1, 1]} : vector<576x1024xf32> to vector<576x128xf32>
    %sub3A_164 = arith.subf %add3A_162, %slice3A_163 : vector<576x128xf32>
    %lt3A_165 = arith.cmpf olt, %sub3A_164, %min3A_154 : vector<576x128xf32>
    %jit3A_166 = arith.constant 7 : i32
    %broadcast_in_dim3A_167 = vector.broadcast %jit3A_166 : i32 to vector<576x128xi32>
    %select_n3A_168 = arith.select %lt3A_165, %broadcast_in_dim3A_167, %select_n3A_153 : vector<576x128xi1>, vector<576x128xi32>
    %min3A_169 = arith.minimumf %sub3A_164, %min3A_154 : vector<576x128xf32>
    %get3A_170 = arith.constant 0 : index
    %get3A_171 = arith.constant 1024 : index
    %get3A_172 = vector.load %arg3[%get3A_170, %get3A_171] : memref<1x8192xf32, #tpu.memory_space<vmem>>, vector<1x128xf32>
    %get3A_173 = vector.shape_cast %get3A_172 : vector<1x128xf32> to vector<128xf32>
    %broadcast_in_dim3A_174 = vector.shape_cast %get3A_173 : vector<128xf32> to vector<1x128xf32>
    %add3A_175 = vector.broadcast %broadcast_in_dim3A : vector<576x1xf32> to vector<576x128xf32>
    %add3A_176 = vector.broadcast %broadcast_in_dim3A_174 : vector<1x128xf32> to vector<576x128xf32>
    %add3A_177 = arith.addf %add3A_175, %add3A_176 : vector<576x128xf32>
    %slice3A_178 = vector.extract_strided_slice %dot_general3A_15 {offsets = [0, 0], sizes = [576, 128], strides = [1, 1]} : vector<576x1024xf32> to vector<576x128xf32>
    %sub3A_179 = arith.subf %add3A_177, %slice3A_178 : vector<576x128xf32>
    %lt3A_180 = arith.cmpf olt, %sub3A_179, %min3A_169 : vector<576x128xf32>
    %jit3A_181 = arith.constant 8 : i32
    %broadcast_in_dim3A_182 = vector.broadcast %jit3A_181 : i32 to vector<576x128xi32>
    %select_n3A_183 = arith.select %lt3A_180, %broadcast_in_dim3A_182, %select_n3A_168 : vector<576x128xi1>, vector<576x128xi32>
    %min3A_184 = arith.minimumf %sub3A_179, %min3A_169 : vector<576x128xf32>
    %get3A_185 = arith.constant 0 : index
    %get3A_186 = arith.constant 1152 : index
    %get3A_187 = vector.load %arg3[%get3A_185, %get3A_186] : memref<1x8192xf32, #tpu.memory_space<vmem>>, vector<1x128xf32>
    %get3A_188 = vector.shape_cast %get3A_187 : vector<1x128xf32> to vector<128xf32>
    %broadcast_in_dim3A_189 = vector.shape_cast %get3A_188 : vector<128xf32> to vector<1x128xf32>
    %add3A_190 = vector.broadcast %broadcast_in_dim3A : vector<576x1xf32> to vector<576x128xf32>
    %add3A_191 = vector.broadcast %broadcast_in_dim3A_189 : vector<1x128xf32> to vector<576x128xf32>
    %add3A_192 = arith.addf %add3A_190, %add3A_191 : vector<576x128xf32>
    %slice3A_193 = vector.extract_strided_slice %dot_general3A_15 {offsets = [0, 128], sizes = [576, 128], strides = [1, 1]} : vector<576x1024xf32> to vector<576x128xf32>
    %sub3A_194 = arith.subf %add3A_192, %slice3A_193 : vector<576x128xf32>
    %lt3A_195 = arith.cmpf olt, %sub3A_194, %min3A_184 : vector<576x128xf32>
    %jit3A_196 = arith.constant 9 : i32
    %broadcast_in_dim3A_197 = vector.broadcast %jit3A_196 : i32 to vector<576x128xi32>
    %select_n3A_198 = arith.select %lt3A_195, %broadcast_in_dim3A_197, %select_n3A_183 : vector<576x128xi1>, vector<576x128xi32>
    %min3A_199 = arith.minimumf %sub3A_194, %min3A_184 : vector<576x128xf32>
    %get3A_200 = arith.constant 0 : index
    %get3A_201 = arith.constant 1280 : index
    %get3A_202 = vector.load %arg3[%get3A_200, %get3A_201] : memref<1x8192xf32, #tpu.memory_space<vmem>>, vector<1x128xf32>
    %get3A_203 = vector.shape_cast %get3A_202 : vector<1x128xf32> to vector<128xf32>
    %broadcast_in_dim3A_204 = vector.shape_cast %get3A_203 : vector<128xf32> to vector<1x128xf32>
    %add3A_205 = vector.broadcast %broadcast_in_dim3A : vector<576x1xf32> to vector<576x128xf32>
    %add3A_206 = vector.broadcast %broadcast_in_dim3A_204 : vector<1x128xf32> to vector<576x128xf32>
    %add3A_207 = arith.addf %add3A_205, %add3A_206 : vector<576x128xf32>
    %slice3A_208 = vector.extract_strided_slice %dot_general3A_15 {offsets = [0, 256], sizes = [576, 128], strides = [1, 1]} : vector<576x1024xf32> to vector<576x128xf32>
    %sub3A_209 = arith.subf %add3A_207, %slice3A_208 : vector<576x128xf32>
    %lt3A_210 = arith.cmpf olt, %sub3A_209, %min3A_199 : vector<576x128xf32>
    %jit3A_211 = arith.constant 10 : i32
    %broadcast_in_dim3A_212 = vector.broadcast %jit3A_211 : i32 to vector<576x128xi32>
    %select_n3A_213 = arith.select %lt3A_210, %broadcast_in_dim3A_212, %select_n3A_198 : vector<576x128xi1>, vector<576x128xi32>
    %min3A_214 = arith.minimumf %sub3A_209, %min3A_199 : vector<576x128xf32>
    %get3A_215 = arith.constant 0 : index
    %get3A_216 = arith.constant 1408 : index
    %get3A_217 = vector.load %arg3[%get3A_215, %get3A_216] : memref<1x8192xf32, #tpu.memory_space<vmem>>, vector<1x128xf32>
    %get3A_218 = vector.shape_cast %get3A_217 : vector<1x128xf32> to vector<128xf32>
    %broadcast_in_dim3A_219 = vector.shape_cast %get3A_218 : vector<128xf32> to vector<1x128xf32>
    %add3A_220 = vector.broadcast %broadcast_in_dim3A : vector<576x1xf32> to vector<576x128xf32>
    %add3A_221 = vector.broadcast %broadcast_in_dim3A_219 : vector<1x128xf32> to vector<576x128xf32>
    %add3A_222 = arith.addf %add3A_220, %add3A_221 : vector<576x128xf32>
    %slice3A_223 = vector.extract_strided_slice %dot_general3A_15 {offsets = [0, 384], sizes = [576, 128], strides = [1, 1]} : vector<576x1024xf32> to vector<576x128xf32>
    %sub3A_224 = arith.subf %add3A_222, %slice3A_223 : vector<576x128xf32>
    %lt3A_225 = arith.cmpf olt, %sub3A_224, %min3A_214 : vector<576x128xf32>
    %jit3A_226 = arith.constant 11 : i32
    %broadcast_in_dim3A_227 = vector.broadcast %jit3A_226 : i32 to vector<576x128xi32>
    %select_n3A_228 = arith.select %lt3A_225, %broadcast_in_dim3A_227, %select_n3A_213 : vector<576x128xi1>, vector<576x128xi32>
    %min3A_229 = arith.minimumf %sub3A_224, %min3A_214 : vector<576x128xf32>
    %get3A_230 = arith.constant 0 : index
    %get3A_231 = arith.constant 1536 : index
    %get3A_232 = vector.load %arg3[%get3A_230, %get3A_231] : memref<1x8192xf32, #tpu.memory_space<vmem>>, vector<1x128xf32>
    %get3A_233 = vector.shape_cast %get3A_232 : vector<1x128xf32> to vector<128xf32>
    %broadcast_in_dim3A_234 = vector.shape_cast %get3A_233 : vector<128xf32> to vector<1x128xf32>
    %add3A_235 = vector.broadcast %broadcast_in_dim3A : vector<576x1xf32> to vector<576x128xf32>
    %add3A_236 = vector.broadcast %broadcast_in_dim3A_234 : vector<1x128xf32> to vector<576x128xf32>
    %add3A_237 = arith.addf %add3A_235, %add3A_236 : vector<576x128xf32>
    %slice3A_238 = vector.extract_strided_slice %dot_general3A_15 {offsets = [0, 512], sizes = [576, 128], strides = [1, 1]} : vector<576x1024xf32> to vector<576x128xf32>
    %sub3A_239 = arith.subf %add3A_237, %slice3A_238 : vector<576x128xf32>
    %lt3A_240 = arith.cmpf olt, %sub3A_239, %min3A_229 : vector<576x128xf32>
    %jit3A_241 = arith.constant 12 : i32
    %broadcast_in_dim3A_242 = vector.broadcast %jit3A_241 : i32 to vector<576x128xi32>
    %select_n3A_243 = arith.select %lt3A_240, %broadcast_in_dim3A_242, %select_n3A_228 : vector<576x128xi1>, vector<576x128xi32>
    %min3A_244 = arith.minimumf %sub3A_239, %min3A_229 : vector<576x128xf32>
    %get3A_245 = arith.constant 0 : index
    %get3A_246 = arith.constant 1664 : index
    %get3A_247 = vector.load %arg3[%get3A_245, %get3A_246] : memref<1x8192xf32, #tpu.memory_space<vmem>>, vector<1x128xf32>
    %get3A_248 = vector.shape_cast %get3A_247 : vector<1x128xf32> to vector<128xf32>
    %broadcast_in_dim3A_249 = vector.shape_cast %get3A_248 : vector<128xf32> to vector<1x128xf32>
    %add3A_250 = vector.broadcast %broadcast_in_dim3A : vector<576x1xf32> to vector<576x128xf32>
    %add3A_251 = vector.broadcast %broadcast_in_dim3A_249 : vector<1x128xf32> to vector<576x128xf32>
    %add3A_252 = arith.addf %add3A_250, %add3A_251 : vector<576x128xf32>
    %slice3A_253 = vector.extract_strided_slice %dot_general3A_15 {offsets = [0, 640], sizes = [576, 128], strides = [1, 1]} : vector<576x1024xf32> to vector<576x128xf32>
    %sub3A_254 = arith.subf %add3A_252, %slice3A_253 : vector<576x128xf32>
    %lt3A_255 = arith.cmpf olt, %sub3A_254, %min3A_244 : vector<576x128xf32>
    %jit3A_256 = arith.constant 13 : i32
    %broadcast_in_dim3A_257 = vector.broadcast %jit3A_256 : i32 to vector<576x128xi32>
    %select_n3A_258 = arith.select %lt3A_255, %broadcast_in_dim3A_257, %select_n3A_243 : vector<576x128xi1>, vector<576x128xi32>
    %min3A_259 = arith.minimumf %sub3A_254, %min3A_244 : vector<576x128xf32>
    %get3A_260 = arith.constant 0 : index
    %get3A_261 = arith.constant 1792 : index
    %get3A_262 = vector.load %arg3[%get3A_260, %get3A_261] : memref<1x8192xf32, #tpu.memory_space<vmem>>, vector<1x128xf32>
    %get3A_263 = vector.shape_cast %get3A_262 : vector<1x128xf32> to vector<128xf32>
    %broadcast_in_dim3A_264 = vector.shape_cast %get3A_263 : vector<128xf32> to vector<1x128xf32>
    %add3A_265 = vector.broadcast %broadcast_in_dim3A : vector<576x1xf32> to vector<576x128xf32>
    %add3A_266 = vector.broadcast %broadcast_in_dim3A_264 : vector<1x128xf32> to vector<576x128xf32>
    %add3A_267 = arith.addf %add3A_265, %add3A_266 : vector<576x128xf32>
    %slice3A_268 = vector.extract_strided_slice %dot_general3A_15 {offsets = [0, 768], sizes = [576, 128], strides = [1, 1]} : vector<576x1024xf32> to vector<576x128xf32>
    %sub3A_269 = arith.subf %add3A_267, %slice3A_268 : vector<576x128xf32>
    %lt3A_270 = arith.cmpf olt, %sub3A_269, %min3A_259 : vector<576x128xf32>
    %jit3A_271 = arith.constant 14 : i32
    %broadcast_in_dim3A_272 = vector.broadcast %jit3A_271 : i32 to vector<576x128xi32>
    %select_n3A_273 = arith.select %lt3A_270, %broadcast_in_dim3A_272, %select_n3A_258 : vector<576x128xi1>, vector<576x128xi32>
    %min3A_274 = arith.minimumf %sub3A_269, %min3A_259 : vector<576x128xf32>
    %get3A_275 = arith.constant 0 : index
    %get3A_276 = arith.constant 1920 : index
    %get3A_277 = vector.load %arg3[%get3A_275, %get3A_276] : memref<1x8192xf32, #tpu.memory_space<vmem>>, vector<1x128xf32>
    %get3A_278 = vector.shape_cast %get3A_277 : vector<1x128xf32> to vector<128xf32>
    %broadcast_in_dim3A_279 = vector.shape_cast %get3A_278 : vector<128xf32> to vector<1x128xf32>
    %add3A_280 = vector.broadcast %broadcast_in_dim3A : vector<576x1xf32> to vector<576x128xf32>
    %add3A_281 = vector.broadcast %broadcast_in_dim3A_279 : vector<1x128xf32> to vector<576x128xf32>
    %add3A_282 = arith.addf %add3A_280, %add3A_281 : vector<576x128xf32>
    %slice3A_283 = vector.extract_strided_slice %dot_general3A_15 {offsets = [0, 896], sizes = [576, 128], strides = [1, 1]} : vector<576x1024xf32> to vector<576x128xf32>
    %sub3A_284 = arith.subf %add3A_282, %slice3A_283 : vector<576x128xf32>
    %lt3A_285 = arith.cmpf olt, %sub3A_284, %min3A_274 : vector<576x128xf32>
    %jit3A_286 = arith.constant 15 : i32
    %broadcast_in_dim3A_287 = vector.broadcast %jit3A_286 : i32 to vector<576x128xi32>
    %select_n3A_288 = arith.select %lt3A_285, %broadcast_in_dim3A_287, %select_n3A_273 : vector<576x128xi1>, vector<576x128xi32>
    %min3A_289 = arith.minimumf %sub3A_284, %min3A_274 : vector<576x128xf32>
    %get3A_290 = arith.constant 0 : index
    %get3A_291 = arith.constant 2048 : index
    %get3A_292 = vector.load %arg3[%get3A_290, %get3A_291] : memref<1x8192xf32, #tpu.memory_space<vmem>>, vector<1x128xf32>
    %get3A_293 = vector.shape_cast %get3A_292 : vector<1x128xf32> to vector<128xf32>
    %broadcast_in_dim3A_294 = vector.shape_cast %get3A_293 : vector<128xf32> to vector<1x128xf32>
    %add3A_295 = vector.broadcast %broadcast_in_dim3A : vector<576x1xf32> to vector<576x128xf32>
    %add3A_296 = vector.broadcast %broadcast_in_dim3A_294 : vector<1x128xf32> to vector<576x128xf32>
    %add3A_297 = arith.addf %add3A_295, %add3A_296 : vector<576x128xf32>
    %slice3A_298 = vector.extract_strided_slice %dot_general3A_21 {offsets = [0, 0], sizes = [576, 128], strides = [1, 1]} : vector<576x1024xf32> to vector<576x128xf32>
    %sub3A_299 = arith.subf %add3A_297, %slice3A_298 : vector<576x128xf32>
    %lt3A_300 = arith.cmpf olt, %sub3A_299, %min3A_289 : vector<576x128xf32>
    %jit3A_301 = arith.constant 16 : i32
    %broadcast_in_dim3A_302 = vector.broadcast %jit3A_301 : i32 to vector<576x128xi32>
    %select_n3A_303 = arith.select %lt3A_300, %broadcast_in_dim3A_302, %select_n3A_288 : vector<576x128xi1>, vector<576x128xi32>
    %min3A_304 = arith.minimumf %sub3A_299, %min3A_289 : vector<576x128xf32>
    %get3A_305 = arith.constant 0 : index
    %get3A_306 = arith.constant 2176 : index
    %get3A_307 = vector.load %arg3[%get3A_305, %get3A_306] : memref<1x8192xf32, #tpu.memory_space<vmem>>, vector<1x128xf32>
    %get3A_308 = vector.shape_cast %get3A_307 : vector<1x128xf32> to vector<128xf32>
    %broadcast_in_dim3A_309 = vector.shape_cast %get3A_308 : vector<128xf32> to vector<1x128xf32>
    %add3A_310 = vector.broadcast %broadcast_in_dim3A : vector<576x1xf32> to vector<576x128xf32>
    %add3A_311 = vector.broadcast %broadcast_in_dim3A_309 : vector<1x128xf32> to vector<576x128xf32>
    %add3A_312 = arith.addf %add3A_310, %add3A_311 : vector<576x128xf32>
    %slice3A_313 = vector.extract_strided_slice %dot_general3A_21 {offsets = [0, 128], sizes = [576, 128], strides = [1, 1]} : vector<576x1024xf32> to vector<576x128xf32>
    %sub3A_314 = arith.subf %add3A_312, %slice3A_313 : vector<576x128xf32>
    %lt3A_315 = arith.cmpf olt, %sub3A_314, %min3A_304 : vector<576x128xf32>
    %jit3A_316 = arith.constant 17 : i32
    %broadcast_in_dim3A_317 = vector.broadcast %jit3A_316 : i32 to vector<576x128xi32>
    %select_n3A_318 = arith.select %lt3A_315, %broadcast_in_dim3A_317, %select_n3A_303 : vector<576x128xi1>, vector<576x128xi32>
    %min3A_319 = arith.minimumf %sub3A_314, %min3A_304 : vector<576x128xf32>
    %get3A_320 = arith.constant 0 : index
    %get3A_321 = arith.constant 2304 : index
    %get3A_322 = vector.load %arg3[%get3A_320, %get3A_321] : memref<1x8192xf32, #tpu.memory_space<vmem>>, vector<1x128xf32>
    %get3A_323 = vector.shape_cast %get3A_322 : vector<1x128xf32> to vector<128xf32>
    %broadcast_in_dim3A_324 = vector.shape_cast %get3A_323 : vector<128xf32> to vector<1x128xf32>
    %add3A_325 = vector.broadcast %broadcast_in_dim3A : vector<576x1xf32> to vector<576x128xf32>
    %add3A_326 = vector.broadcast %broadcast_in_dim3A_324 : vector<1x128xf32> to vector<576x128xf32>
    %add3A_327 = arith.addf %add3A_325, %add3A_326 : vector<576x128xf32>
    %slice3A_328 = vector.extract_strided_slice %dot_general3A_21 {offsets = [0, 256], sizes = [576, 128], strides = [1, 1]} : vector<576x1024xf32> to vector<576x128xf32>
    %sub3A_329 = arith.subf %add3A_327, %slice3A_328 : vector<576x128xf32>
    %lt3A_330 = arith.cmpf olt, %sub3A_329, %min3A_319 : vector<576x128xf32>
    %jit3A_331 = arith.constant 18 : i32
    %broadcast_in_dim3A_332 = vector.broadcast %jit3A_331 : i32 to vector<576x128xi32>
    %select_n3A_333 = arith.select %lt3A_330, %broadcast_in_dim3A_332, %select_n3A_318 : vector<576x128xi1>, vector<576x128xi32>
    %min3A_334 = arith.minimumf %sub3A_329, %min3A_319 : vector<576x128xf32>
    %get3A_335 = arith.constant 0 : index
    %get3A_336 = arith.constant 2432 : index
    %get3A_337 = vector.load %arg3[%get3A_335, %get3A_336] : memref<1x8192xf32, #tpu.memory_space<vmem>>, vector<1x128xf32>
    %get3A_338 = vector.shape_cast %get3A_337 : vector<1x128xf32> to vector<128xf32>
    %broadcast_in_dim3A_339 = vector.shape_cast %get3A_338 : vector<128xf32> to vector<1x128xf32>
    %add3A_340 = vector.broadcast %broadcast_in_dim3A : vector<576x1xf32> to vector<576x128xf32>
    %add3A_341 = vector.broadcast %broadcast_in_dim3A_339 : vector<1x128xf32> to vector<576x128xf32>
    %add3A_342 = arith.addf %add3A_340, %add3A_341 : vector<576x128xf32>
    %slice3A_343 = vector.extract_strided_slice %dot_general3A_21 {offsets = [0, 384], sizes = [576, 128], strides = [1, 1]} : vector<576x1024xf32> to vector<576x128xf32>
    %sub3A_344 = arith.subf %add3A_342, %slice3A_343 : vector<576x128xf32>
    %lt3A_345 = arith.cmpf olt, %sub3A_344, %min3A_334 : vector<576x128xf32>
    %jit3A_346 = arith.constant 19 : i32
    %broadcast_in_dim3A_347 = vector.broadcast %jit3A_346 : i32 to vector<576x128xi32>
    %select_n3A_348 = arith.select %lt3A_345, %broadcast_in_dim3A_347, %select_n3A_333 : vector<576x128xi1>, vector<576x128xi32>
    %min3A_349 = arith.minimumf %sub3A_344, %min3A_334 : vector<576x128xf32>
    %get3A_350 = arith.constant 0 : index
    %get3A_351 = arith.constant 2560 : index
    %get3A_352 = vector.load %arg3[%get3A_350, %get3A_351] : memref<1x8192xf32, #tpu.memory_space<vmem>>, vector<1x128xf32>
    %get3A_353 = vector.shape_cast %get3A_352 : vector<1x128xf32> to vector<128xf32>
    %broadcast_in_dim3A_354 = vector.shape_cast %get3A_353 : vector<128xf32> to vector<1x128xf32>
    %add3A_355 = vector.broadcast %broadcast_in_dim3A : vector<576x1xf32> to vector<576x128xf32>
    %add3A_356 = vector.broadcast %broadcast_in_dim3A_354 : vector<1x128xf32> to vector<576x128xf32>
    %add3A_357 = arith.addf %add3A_355, %add3A_356 : vector<576x128xf32>
    %slice3A_358 = vector.extract_strided_slice %dot_general3A_21 {offsets = [0, 512], sizes = [576, 128], strides = [1, 1]} : vector<576x1024xf32> to vector<576x128xf32>
    %sub3A_359 = arith.subf %add3A_357, %slice3A_358 : vector<576x128xf32>
    %lt3A_360 = arith.cmpf olt, %sub3A_359, %min3A_349 : vector<576x128xf32>
    %jit3A_361 = arith.constant 20 : i32
    %broadcast_in_dim3A_362 = vector.broadcast %jit3A_361 : i32 to vector<576x128xi32>
    %select_n3A_363 = arith.select %lt3A_360, %broadcast_in_dim3A_362, %select_n3A_348 : vector<576x128xi1>, vector<576x128xi32>
    %min3A_364 = arith.minimumf %sub3A_359, %min3A_349 : vector<576x128xf32>
    %get3A_365 = arith.constant 0 : index
    %get3A_366 = arith.constant 2688 : index
    %get3A_367 = vector.load %arg3[%get3A_365, %get3A_366] : memref<1x8192xf32, #tpu.memory_space<vmem>>, vector<1x128xf32>
    %get3A_368 = vector.shape_cast %get3A_367 : vector<1x128xf32> to vector<128xf32>
    %broadcast_in_dim3A_369 = vector.shape_cast %get3A_368 : vector<128xf32> to vector<1x128xf32>
    %add3A_370 = vector.broadcast %broadcast_in_dim3A : vector<576x1xf32> to vector<576x128xf32>
    %add3A_371 = vector.broadcast %broadcast_in_dim3A_369 : vector<1x128xf32> to vector<576x128xf32>
    %add3A_372 = arith.addf %add3A_370, %add3A_371 : vector<576x128xf32>
    %slice3A_373 = vector.extract_strided_slice %dot_general3A_21 {offsets = [0, 640], sizes = [576, 128], strides = [1, 1]} : vector<576x1024xf32> to vector<576x128xf32>
    %sub3A_374 = arith.subf %add3A_372, %slice3A_373 : vector<576x128xf32>
    %lt3A_375 = arith.cmpf olt, %sub3A_374, %min3A_364 : vector<576x128xf32>
    %jit3A_376 = arith.constant 21 : i32
    %broadcast_in_dim3A_377 = vector.broadcast %jit3A_376 : i32 to vector<576x128xi32>
    %select_n3A_378 = arith.select %lt3A_375, %broadcast_in_dim3A_377, %select_n3A_363 : vector<576x128xi1>, vector<576x128xi32>
    %min3A_379 = arith.minimumf %sub3A_374, %min3A_364 : vector<576x128xf32>
    %get3A_380 = arith.constant 0 : index
    %get3A_381 = arith.constant 2816 : index
    %get3A_382 = vector.load %arg3[%get3A_380, %get3A_381] : memref<1x8192xf32, #tpu.memory_space<vmem>>, vector<1x128xf32>
    %get3A_383 = vector.shape_cast %get3A_382 : vector<1x128xf32> to vector<128xf32>
    %broadcast_in_dim3A_384 = vector.shape_cast %get3A_383 : vector<128xf32> to vector<1x128xf32>
    %add3A_385 = vector.broadcast %broadcast_in_dim3A : vector<576x1xf32> to vector<576x128xf32>
    %add3A_386 = vector.broadcast %broadcast_in_dim3A_384 : vector<1x128xf32> to vector<576x128xf32>
    %add3A_387 = arith.addf %add3A_385, %add3A_386 : vector<576x128xf32>
    %slice3A_388 = vector.extract_strided_slice %dot_general3A_21 {offsets = [0, 768], sizes = [576, 128], strides = [1, 1]} : vector<576x1024xf32> to vector<576x128xf32>
    %sub3A_389 = arith.subf %add3A_387, %slice3A_388 : vector<576x128xf32>
    %lt3A_390 = arith.cmpf olt, %sub3A_389, %min3A_379 : vector<576x128xf32>
    %jit3A_391 = arith.constant 22 : i32
    %broadcast_in_dim3A_392 = vector.broadcast %jit3A_391 : i32 to vector<576x128xi32>
    %select_n3A_393 = arith.select %lt3A_390, %broadcast_in_dim3A_392, %select_n3A_378 : vector<576x128xi1>, vector<576x128xi32>
    %min3A_394 = arith.minimumf %sub3A_389, %min3A_379 : vector<576x128xf32>
    %get3A_395 = arith.constant 0 : index
    %get3A_396 = arith.constant 2944 : index
    %get3A_397 = vector.load %arg3[%get3A_395, %get3A_396] : memref<1x8192xf32, #tpu.memory_space<vmem>>, vector<1x128xf32>
    %get3A_398 = vector.shape_cast %get3A_397 : vector<1x128xf32> to vector<128xf32>
    %broadcast_in_dim3A_399 = vector.shape_cast %get3A_398 : vector<128xf32> to vector<1x128xf32>
    %add3A_400 = vector.broadcast %broadcast_in_dim3A : vector<576x1xf32> to vector<576x128xf32>
    %add3A_401 = vector.broadcast %broadcast_in_dim3A_399 : vector<1x128xf32> to vector<576x128xf32>
    %add3A_402 = arith.addf %add3A_400, %add3A_401 : vector<576x128xf32>
    %slice3A_403 = vector.extract_strided_slice %dot_general3A_21 {offsets = [0, 896], sizes = [576, 128], strides = [1, 1]} : vector<576x1024xf32> to vector<576x128xf32>
    %sub3A_404 = arith.subf %add3A_402, %slice3A_403 : vector<576x128xf32>
    %lt3A_405 = arith.cmpf olt, %sub3A_404, %min3A_394 : vector<576x128xf32>
    %jit3A_406 = arith.constant 23 : i32
    %broadcast_in_dim3A_407 = vector.broadcast %jit3A_406 : i32 to vector<576x128xi32>
    %select_n3A_408 = arith.select %lt3A_405, %broadcast_in_dim3A_407, %select_n3A_393 : vector<576x128xi1>, vector<576x128xi32>
    %min3A_409 = arith.minimumf %sub3A_404, %min3A_394 : vector<576x128xf32>
    %get3A_410 = arith.constant 0 : index
    %get3A_411 = arith.constant 3072 : index
    %get3A_412 = vector.load %arg3[%get3A_410, %get3A_411] : memref<1x8192xf32, #tpu.memory_space<vmem>>, vector<1x128xf32>
    %get3A_413 = vector.shape_cast %get3A_412 : vector<1x128xf32> to vector<128xf32>
    %broadcast_in_dim3A_414 = vector.shape_cast %get3A_413 : vector<128xf32> to vector<1x128xf32>
    %add3A_415 = vector.broadcast %broadcast_in_dim3A : vector<576x1xf32> to vector<576x128xf32>
    %add3A_416 = vector.broadcast %broadcast_in_dim3A_414 : vector<1x128xf32> to vector<576x128xf32>
    %add3A_417 = arith.addf %add3A_415, %add3A_416 : vector<576x128xf32>
    %slice3A_418 = vector.extract_strided_slice %dot_general3A_27 {offsets = [0, 0], sizes = [576, 128], strides = [1, 1]} : vector<576x1024xf32> to vector<576x128xf32>
    %sub3A_419 = arith.subf %add3A_417, %slice3A_418 : vector<576x128xf32>
    %lt3A_420 = arith.cmpf olt, %sub3A_419, %min3A_409 : vector<576x128xf32>
    %jit3A_421 = arith.constant 24 : i32
    %broadcast_in_dim3A_422 = vector.broadcast %jit3A_421 : i32 to vector<576x128xi32>
    %select_n3A_423 = arith.select %lt3A_420, %broadcast_in_dim3A_422, %select_n3A_408 : vector<576x128xi1>, vector<576x128xi32>
    %min3A_424 = arith.minimumf %sub3A_419, %min3A_409 : vector<576x128xf32>
    %get3A_425 = arith.constant 0 : index
    %get3A_426 = arith.constant 3200 : index
    %get3A_427 = vector.load %arg3[%get3A_425, %get3A_426] : memref<1x8192xf32, #tpu.memory_space<vmem>>, vector<1x128xf32>
    %get3A_428 = vector.shape_cast %get3A_427 : vector<1x128xf32> to vector<128xf32>
    %broadcast_in_dim3A_429 = vector.shape_cast %get3A_428 : vector<128xf32> to vector<1x128xf32>
    %add3A_430 = vector.broadcast %broadcast_in_dim3A : vector<576x1xf32> to vector<576x128xf32>
    %add3A_431 = vector.broadcast %broadcast_in_dim3A_429 : vector<1x128xf32> to vector<576x128xf32>
    %add3A_432 = arith.addf %add3A_430, %add3A_431 : vector<576x128xf32>
    %slice3A_433 = vector.extract_strided_slice %dot_general3A_27 {offsets = [0, 128], sizes = [576, 128], strides = [1, 1]} : vector<576x1024xf32> to vector<576x128xf32>
    %sub3A_434 = arith.subf %add3A_432, %slice3A_433 : vector<576x128xf32>
    %lt3A_435 = arith.cmpf olt, %sub3A_434, %min3A_424 : vector<576x128xf32>
    %jit3A_436 = arith.constant 25 : i32
    %broadcast_in_dim3A_437 = vector.broadcast %jit3A_436 : i32 to vector<576x128xi32>
    %select_n3A_438 = arith.select %lt3A_435, %broadcast_in_dim3A_437, %select_n3A_423 : vector<576x128xi1>, vector<576x128xi32>
    %min3A_439 = arith.minimumf %sub3A_434, %min3A_424 : vector<576x128xf32>
    %get3A_440 = arith.constant 0 : index
    %get3A_441 = arith.constant 3328 : index
    %get3A_442 = vector.load %arg3[%get3A_440, %get3A_441] : memref<1x8192xf32, #tpu.memory_space<vmem>>, vector<1x128xf32>
    %get3A_443 = vector.shape_cast %get3A_442 : vector<1x128xf32> to vector<128xf32>
    %broadcast_in_dim3A_444 = vector.shape_cast %get3A_443 : vector<128xf32> to vector<1x128xf32>
    %add3A_445 = vector.broadcast %broadcast_in_dim3A : vector<576x1xf32> to vector<576x128xf32>
    %add3A_446 = vector.broadcast %broadcast_in_dim3A_444 : vector<1x128xf32> to vector<576x128xf32>
    %add3A_447 = arith.addf %add3A_445, %add3A_446 : vector<576x128xf32>
    %slice3A_448 = vector.extract_strided_slice %dot_general3A_27 {offsets = [0, 256], sizes = [576, 128], strides = [1, 1]} : vector<576x1024xf32> to vector<576x128xf32>
    %sub3A_449 = arith.subf %add3A_447, %slice3A_448 : vector<576x128xf32>
    %lt3A_450 = arith.cmpf olt, %sub3A_449, %min3A_439 : vector<576x128xf32>
    %jit3A_451 = arith.constant 26 : i32
    %broadcast_in_dim3A_452 = vector.broadcast %jit3A_451 : i32 to vector<576x128xi32>
    %select_n3A_453 = arith.select %lt3A_450, %broadcast_in_dim3A_452, %select_n3A_438 : vector<576x128xi1>, vector<576x128xi32>
    %min3A_454 = arith.minimumf %sub3A_449, %min3A_439 : vector<576x128xf32>
    %get3A_455 = arith.constant 0 : index
    %get3A_456 = arith.constant 3456 : index
    %get3A_457 = vector.load %arg3[%get3A_455, %get3A_456] : memref<1x8192xf32, #tpu.memory_space<vmem>>, vector<1x128xf32>
    %get3A_458 = vector.shape_cast %get3A_457 : vector<1x128xf32> to vector<128xf32>
    %broadcast_in_dim3A_459 = vector.shape_cast %get3A_458 : vector<128xf32> to vector<1x128xf32>
    %add3A_460 = vector.broadcast %broadcast_in_dim3A : vector<576x1xf32> to vector<576x128xf32>
    %add3A_461 = vector.broadcast %broadcast_in_dim3A_459 : vector<1x128xf32> to vector<576x128xf32>
    %add3A_462 = arith.addf %add3A_460, %add3A_461 : vector<576x128xf32>
    %slice3A_463 = vector.extract_strided_slice %dot_general3A_27 {offsets = [0, 384], sizes = [576, 128], strides = [1, 1]} : vector<576x1024xf32> to vector<576x128xf32>
    %sub3A_464 = arith.subf %add3A_462, %slice3A_463 : vector<576x128xf32>
    %lt3A_465 = arith.cmpf olt, %sub3A_464, %min3A_454 : vector<576x128xf32>
    %jit3A_466 = arith.constant 27 : i32
    %broadcast_in_dim3A_467 = vector.broadcast %jit3A_466 : i32 to vector<576x128xi32>
    %select_n3A_468 = arith.select %lt3A_465, %broadcast_in_dim3A_467, %select_n3A_453 : vector<576x128xi1>, vector<576x128xi32>
    %min3A_469 = arith.minimumf %sub3A_464, %min3A_454 : vector<576x128xf32>
    %get3A_470 = arith.constant 0 : index
    %get3A_471 = arith.constant 3584 : index
    %get3A_472 = vector.load %arg3[%get3A_470, %get3A_471] : memref<1x8192xf32, #tpu.memory_space<vmem>>, vector<1x128xf32>
    %get3A_473 = vector.shape_cast %get3A_472 : vector<1x128xf32> to vector<128xf32>
    %broadcast_in_dim3A_474 = vector.shape_cast %get3A_473 : vector<128xf32> to vector<1x128xf32>
    %add3A_475 = vector.broadcast %broadcast_in_dim3A : vector<576x1xf32> to vector<576x128xf32>
    %add3A_476 = vector.broadcast %broadcast_in_dim3A_474 : vector<1x128xf32> to vector<576x128xf32>
    %add3A_477 = arith.addf %add3A_475, %add3A_476 : vector<576x128xf32>
    %slice3A_478 = vector.extract_strided_slice %dot_general3A_27 {offsets = [0, 512], sizes = [576, 128], strides = [1, 1]} : vector<576x1024xf32> to vector<576x128xf32>
    %sub3A_479 = arith.subf %add3A_477, %slice3A_478 : vector<576x128xf32>
    %lt3A_480 = arith.cmpf olt, %sub3A_479, %min3A_469 : vector<576x128xf32>
    %jit3A_481 = arith.constant 28 : i32
    %broadcast_in_dim3A_482 = vector.broadcast %jit3A_481 : i32 to vector<576x128xi32>
    %select_n3A_483 = arith.select %lt3A_480, %broadcast_in_dim3A_482, %select_n3A_468 : vector<576x128xi1>, vector<576x128xi32>
    %min3A_484 = arith.minimumf %sub3A_479, %min3A_469 : vector<576x128xf32>
    %get3A_485 = arith.constant 0 : index
    %get3A_486 = arith.constant 3712 : index
    %get3A_487 = vector.load %arg3[%get3A_485, %get3A_486] : memref<1x8192xf32, #tpu.memory_space<vmem>>, vector<1x128xf32>
    %get3A_488 = vector.shape_cast %get3A_487 : vector<1x128xf32> to vector<128xf32>
    %broadcast_in_dim3A_489 = vector.shape_cast %get3A_488 : vector<128xf32> to vector<1x128xf32>
    %add3A_490 = vector.broadcast %broadcast_in_dim3A : vector<576x1xf32> to vector<576x128xf32>
    %add3A_491 = vector.broadcast %broadcast_in_dim3A_489 : vector<1x128xf32> to vector<576x128xf32>
    %add3A_492 = arith.addf %add3A_490, %add3A_491 : vector<576x128xf32>
    %slice3A_493 = vector.extract_strided_slice %dot_general3A_27 {offsets = [0, 640], sizes = [576, 128], strides = [1, 1]} : vector<576x1024xf32> to vector<576x128xf32>
    %sub3A_494 = arith.subf %add3A_492, %slice3A_493 : vector<576x128xf32>
    %lt3A_495 = arith.cmpf olt, %sub3A_494, %min3A_484 : vector<576x128xf32>
    %jit3A_496 = arith.constant 29 : i32
    %broadcast_in_dim3A_497 = vector.broadcast %jit3A_496 : i32 to vector<576x128xi32>
    %select_n3A_498 = arith.select %lt3A_495, %broadcast_in_dim3A_497, %select_n3A_483 : vector<576x128xi1>, vector<576x128xi32>
    %min3A_499 = arith.minimumf %sub3A_494, %min3A_484 : vector<576x128xf32>
    %get3A_500 = arith.constant 0 : index
    %get3A_501 = arith.constant 3840 : index
    %get3A_502 = vector.load %arg3[%get3A_500, %get3A_501] : memref<1x8192xf32, #tpu.memory_space<vmem>>, vector<1x128xf32>
    %get3A_503 = vector.shape_cast %get3A_502 : vector<1x128xf32> to vector<128xf32>
    %broadcast_in_dim3A_504 = vector.shape_cast %get3A_503 : vector<128xf32> to vector<1x128xf32>
    %add3A_505 = vector.broadcast %broadcast_in_dim3A : vector<576x1xf32> to vector<576x128xf32>
    %add3A_506 = vector.broadcast %broadcast_in_dim3A_504 : vector<1x128xf32> to vector<576x128xf32>
    %add3A_507 = arith.addf %add3A_505, %add3A_506 : vector<576x128xf32>
    %slice3A_508 = vector.extract_strided_slice %dot_general3A_27 {offsets = [0, 768], sizes = [576, 128], strides = [1, 1]} : vector<576x1024xf32> to vector<576x128xf32>
    %sub3A_509 = arith.subf %add3A_507, %slice3A_508 : vector<576x128xf32>
    %lt3A_510 = arith.cmpf olt, %sub3A_509, %min3A_499 : vector<576x128xf32>
    %jit3A_511 = arith.constant 30 : i32
    %broadcast_in_dim3A_512 = vector.broadcast %jit3A_511 : i32 to vector<576x128xi32>
    %select_n3A_513 = arith.select %lt3A_510, %broadcast_in_dim3A_512, %select_n3A_498 : vector<576x128xi1>, vector<576x128xi32>
    %min3A_514 = arith.minimumf %sub3A_509, %min3A_499 : vector<576x128xf32>
    %get3A_515 = arith.constant 0 : index
    %get3A_516 = arith.constant 3968 : index
    %get3A_517 = vector.load %arg3[%get3A_515, %get3A_516] : memref<1x8192xf32, #tpu.memory_space<vmem>>, vector<1x128xf32>
    %get3A_518 = vector.shape_cast %get3A_517 : vector<1x128xf32> to vector<128xf32>
    %broadcast_in_dim3A_519 = vector.shape_cast %get3A_518 : vector<128xf32> to vector<1x128xf32>
    %add3A_520 = vector.broadcast %broadcast_in_dim3A : vector<576x1xf32> to vector<576x128xf32>
    %add3A_521 = vector.broadcast %broadcast_in_dim3A_519 : vector<1x128xf32> to vector<576x128xf32>
    %add3A_522 = arith.addf %add3A_520, %add3A_521 : vector<576x128xf32>
    %slice3A_523 = vector.extract_strided_slice %dot_general3A_27 {offsets = [0, 896], sizes = [576, 128], strides = [1, 1]} : vector<576x1024xf32> to vector<576x128xf32>
    %sub3A_524 = arith.subf %add3A_522, %slice3A_523 : vector<576x128xf32>
    %lt3A_525 = arith.cmpf olt, %sub3A_524, %min3A_514 : vector<576x128xf32>
    %jit3A_526 = arith.constant 31 : i32
    %broadcast_in_dim3A_527 = vector.broadcast %jit3A_526 : i32 to vector<576x128xi32>
    %select_n3A_528 = arith.select %lt3A_525, %broadcast_in_dim3A_527, %select_n3A_513 : vector<576x128xi1>, vector<576x128xi32>
    %min3A_529 = arith.minimumf %sub3A_524, %min3A_514 : vector<576x128xf32>
    %get3A_530 = arith.constant 0 : index
    %get3A_531 = arith.constant 4096 : index
    %get3A_532 = vector.load %arg3[%get3A_530, %get3A_531] : memref<1x8192xf32, #tpu.memory_space<vmem>>, vector<1x128xf32>
    %get3A_533 = vector.shape_cast %get3A_532 : vector<1x128xf32> to vector<128xf32>
    %broadcast_in_dim3A_534 = vector.shape_cast %get3A_533 : vector<128xf32> to vector<1x128xf32>
    %add3A_535 = vector.broadcast %broadcast_in_dim3A : vector<576x1xf32> to vector<576x128xf32>
    %add3A_536 = vector.broadcast %broadcast_in_dim3A_534 : vector<1x128xf32> to vector<576x128xf32>
    %add3A_537 = arith.addf %add3A_535, %add3A_536 : vector<576x128xf32>
    %slice3A_538 = vector.extract_strided_slice %dot_general3A_33 {offsets = [0, 0], sizes = [576, 128], strides = [1, 1]} : vector<576x1024xf32> to vector<576x128xf32>
    %sub3A_539 = arith.subf %add3A_537, %slice3A_538 : vector<576x128xf32>
    %lt3A_540 = arith.cmpf olt, %sub3A_539, %min3A_529 : vector<576x128xf32>
    %jit3A_541 = arith.constant 32 : i32
    %broadcast_in_dim3A_542 = vector.broadcast %jit3A_541 : i32 to vector<576x128xi32>
    %select_n3A_543 = arith.select %lt3A_540, %broadcast_in_dim3A_542, %select_n3A_528 : vector<576x128xi1>, vector<576x128xi32>
    %min3A_544 = arith.minimumf %sub3A_539, %min3A_529 : vector<576x128xf32>
    %get3A_545 = arith.constant 0 : index
    %get3A_546 = arith.constant 4224 : index
    %get3A_547 = vector.load %arg3[%get3A_545, %get3A_546] : memref<1x8192xf32, #tpu.memory_space<vmem>>, vector<1x128xf32>
    %get3A_548 = vector.shape_cast %get3A_547 : vector<1x128xf32> to vector<128xf32>
    %broadcast_in_dim3A_549 = vector.shape_cast %get3A_548 : vector<128xf32> to vector<1x128xf32>
    %add3A_550 = vector.broadcast %broadcast_in_dim3A : vector<576x1xf32> to vector<576x128xf32>
    %add3A_551 = vector.broadcast %broadcast_in_dim3A_549 : vector<1x128xf32> to vector<576x128xf32>
    %add3A_552 = arith.addf %add3A_550, %add3A_551 : vector<576x128xf32>
    %slice3A_553 = vector.extract_strided_slice %dot_general3A_33 {offsets = [0, 128], sizes = [576, 128], strides = [1, 1]} : vector<576x1024xf32> to vector<576x128xf32>
    %sub3A_554 = arith.subf %add3A_552, %slice3A_553 : vector<576x128xf32>
    %lt3A_555 = arith.cmpf olt, %sub3A_554, %min3A_544 : vector<576x128xf32>
    %jit3A_556 = arith.constant 33 : i32
    %broadcast_in_dim3A_557 = vector.broadcast %jit3A_556 : i32 to vector<576x128xi32>
    %select_n3A_558 = arith.select %lt3A_555, %broadcast_in_dim3A_557, %select_n3A_543 : vector<576x128xi1>, vector<576x128xi32>
    %min3A_559 = arith.minimumf %sub3A_554, %min3A_544 : vector<576x128xf32>
    %get3A_560 = arith.constant 0 : index
    %get3A_561 = arith.constant 4352 : index
    %get3A_562 = vector.load %arg3[%get3A_560, %get3A_561] : memref<1x8192xf32, #tpu.memory_space<vmem>>, vector<1x128xf32>
    %get3A_563 = vector.shape_cast %get3A_562 : vector<1x128xf32> to vector<128xf32>
    %broadcast_in_dim3A_564 = vector.shape_cast %get3A_563 : vector<128xf32> to vector<1x128xf32>
    %add3A_565 = vector.broadcast %broadcast_in_dim3A : vector<576x1xf32> to vector<576x128xf32>
    %add3A_566 = vector.broadcast %broadcast_in_dim3A_564 : vector<1x128xf32> to vector<576x128xf32>
    %add3A_567 = arith.addf %add3A_565, %add3A_566 : vector<576x128xf32>
    %slice3A_568 = vector.extract_strided_slice %dot_general3A_33 {offsets = [0, 256], sizes = [576, 128], strides = [1, 1]} : vector<576x1024xf32> to vector<576x128xf32>
    %sub3A_569 = arith.subf %add3A_567, %slice3A_568 : vector<576x128xf32>
    %lt3A_570 = arith.cmpf olt, %sub3A_569, %min3A_559 : vector<576x128xf32>
    %jit3A_571 = arith.constant 34 : i32
    %broadcast_in_dim3A_572 = vector.broadcast %jit3A_571 : i32 to vector<576x128xi32>
    %select_n3A_573 = arith.select %lt3A_570, %broadcast_in_dim3A_572, %select_n3A_558 : vector<576x128xi1>, vector<576x128xi32>
    %min3A_574 = arith.minimumf %sub3A_569, %min3A_559 : vector<576x128xf32>
    %get3A_575 = arith.constant 0 : index
    %get3A_576 = arith.constant 4480 : index
    %get3A_577 = vector.load %arg3[%get3A_575, %get3A_576] : memref<1x8192xf32, #tpu.memory_space<vmem>>, vector<1x128xf32>
    %get3A_578 = vector.shape_cast %get3A_577 : vector<1x128xf32> to vector<128xf32>
    %broadcast_in_dim3A_579 = vector.shape_cast %get3A_578 : vector<128xf32> to vector<1x128xf32>
    %add3A_580 = vector.broadcast %broadcast_in_dim3A : vector<576x1xf32> to vector<576x128xf32>
    %add3A_581 = vector.broadcast %broadcast_in_dim3A_579 : vector<1x128xf32> to vector<576x128xf32>
    %add3A_582 = arith.addf %add3A_580, %add3A_581 : vector<576x128xf32>
    %slice3A_583 = vector.extract_strided_slice %dot_general3A_33 {offsets = [0, 384], sizes = [576, 128], strides = [1, 1]} : vector<576x1024xf32> to vector<576x128xf32>
    %sub3A_584 = arith.subf %add3A_582, %slice3A_583 : vector<576x128xf32>
    %lt3A_585 = arith.cmpf olt, %sub3A_584, %min3A_574 : vector<576x128xf32>
    %jit3A_586 = arith.constant 35 : i32
    %broadcast_in_dim3A_587 = vector.broadcast %jit3A_586 : i32 to vector<576x128xi32>
    %select_n3A_588 = arith.select %lt3A_585, %broadcast_in_dim3A_587, %select_n3A_573 : vector<576x128xi1>, vector<576x128xi32>
    %min3A_589 = arith.minimumf %sub3A_584, %min3A_574 : vector<576x128xf32>
    %get3A_590 = arith.constant 0 : index
    %get3A_591 = arith.constant 4608 : index
    %get3A_592 = vector.load %arg3[%get3A_590, %get3A_591] : memref<1x8192xf32, #tpu.memory_space<vmem>>, vector<1x128xf32>
    %get3A_593 = vector.shape_cast %get3A_592 : vector<1x128xf32> to vector<128xf32>
    %broadcast_in_dim3A_594 = vector.shape_cast %get3A_593 : vector<128xf32> to vector<1x128xf32>
    %add3A_595 = vector.broadcast %broadcast_in_dim3A : vector<576x1xf32> to vector<576x128xf32>
    %add3A_596 = vector.broadcast %broadcast_in_dim3A_594 : vector<1x128xf32> to vector<576x128xf32>
    %add3A_597 = arith.addf %add3A_595, %add3A_596 : vector<576x128xf32>
    %slice3A_598 = vector.extract_strided_slice %dot_general3A_33 {offsets = [0, 512], sizes = [576, 128], strides = [1, 1]} : vector<576x1024xf32> to vector<576x128xf32>
    %sub3A_599 = arith.subf %add3A_597, %slice3A_598 : vector<576x128xf32>
    %lt3A_600 = arith.cmpf olt, %sub3A_599, %min3A_589 : vector<576x128xf32>
    %jit3A_601 = arith.constant 36 : i32
    %broadcast_in_dim3A_602 = vector.broadcast %jit3A_601 : i32 to vector<576x128xi32>
    %select_n3A_603 = arith.select %lt3A_600, %broadcast_in_dim3A_602, %select_n3A_588 : vector<576x128xi1>, vector<576x128xi32>
    %min3A_604 = arith.minimumf %sub3A_599, %min3A_589 : vector<576x128xf32>
    %get3A_605 = arith.constant 0 : index
    %get3A_606 = arith.constant 4736 : index
    %get3A_607 = vector.load %arg3[%get3A_605, %get3A_606] : memref<1x8192xf32, #tpu.memory_space<vmem>>, vector<1x128xf32>
    %get3A_608 = vector.shape_cast %get3A_607 : vector<1x128xf32> to vector<128xf32>
    %broadcast_in_dim3A_609 = vector.shape_cast %get3A_608 : vector<128xf32> to vector<1x128xf32>
    %add3A_610 = vector.broadcast %broadcast_in_dim3A : vector<576x1xf32> to vector<576x128xf32>
    %add3A_611 = vector.broadcast %broadcast_in_dim3A_609 : vector<1x128xf32> to vector<576x128xf32>
    %add3A_612 = arith.addf %add3A_610, %add3A_611 : vector<576x128xf32>
    %slice3A_613 = vector.extract_strided_slice %dot_general3A_33 {offsets = [0, 640], sizes = [576, 128], strides = [1, 1]} : vector<576x1024xf32> to vector<576x128xf32>
    %sub3A_614 = arith.subf %add3A_612, %slice3A_613 : vector<576x128xf32>
    %lt3A_615 = arith.cmpf olt, %sub3A_614, %min3A_604 : vector<576x128xf32>
    %jit3A_616 = arith.constant 37 : i32
    %broadcast_in_dim3A_617 = vector.broadcast %jit3A_616 : i32 to vector<576x128xi32>
    %select_n3A_618 = arith.select %lt3A_615, %broadcast_in_dim3A_617, %select_n3A_603 : vector<576x128xi1>, vector<576x128xi32>
    %min3A_619 = arith.minimumf %sub3A_614, %min3A_604 : vector<576x128xf32>
    %get3A_620 = arith.constant 0 : index
    %get3A_621 = arith.constant 4864 : index
    %get3A_622 = vector.load %arg3[%get3A_620, %get3A_621] : memref<1x8192xf32, #tpu.memory_space<vmem>>, vector<1x128xf32>
    %get3A_623 = vector.shape_cast %get3A_622 : vector<1x128xf32> to vector<128xf32>
    %broadcast_in_dim3A_624 = vector.shape_cast %get3A_623 : vector<128xf32> to vector<1x128xf32>
    %add3A_625 = vector.broadcast %broadcast_in_dim3A : vector<576x1xf32> to vector<576x128xf32>
    %add3A_626 = vector.broadcast %broadcast_in_dim3A_624 : vector<1x128xf32> to vector<576x128xf32>
    %add3A_627 = arith.addf %add3A_625, %add3A_626 : vector<576x128xf32>
    %slice3A_628 = vector.extract_strided_slice %dot_general3A_33 {offsets = [0, 768], sizes = [576, 128], strides = [1, 1]} : vector<576x1024xf32> to vector<576x128xf32>
    %sub3A_629 = arith.subf %add3A_627, %slice3A_628 : vector<576x128xf32>
    %lt3A_630 = arith.cmpf olt, %sub3A_629, %min3A_619 : vector<576x128xf32>
    %jit3A_631 = arith.constant 38 : i32
    %broadcast_in_dim3A_632 = vector.broadcast %jit3A_631 : i32 to vector<576x128xi32>
    %select_n3A_633 = arith.select %lt3A_630, %broadcast_in_dim3A_632, %select_n3A_618 : vector<576x128xi1>, vector<576x128xi32>
    %min3A_634 = arith.minimumf %sub3A_629, %min3A_619 : vector<576x128xf32>
    %get3A_635 = arith.constant 0 : index
    %get3A_636 = arith.constant 4992 : index
    %get3A_637 = vector.load %arg3[%get3A_635, %get3A_636] : memref<1x8192xf32, #tpu.memory_space<vmem>>, vector<1x128xf32>
    %get3A_638 = vector.shape_cast %get3A_637 : vector<1x128xf32> to vector<128xf32>
    %broadcast_in_dim3A_639 = vector.shape_cast %get3A_638 : vector<128xf32> to vector<1x128xf32>
    %add3A_640 = vector.broadcast %broadcast_in_dim3A : vector<576x1xf32> to vector<576x128xf32>
    %add3A_641 = vector.broadcast %broadcast_in_dim3A_639 : vector<1x128xf32> to vector<576x128xf32>
    %add3A_642 = arith.addf %add3A_640, %add3A_641 : vector<576x128xf32>
    %slice3A_643 = vector.extract_strided_slice %dot_general3A_33 {offsets = [0, 896], sizes = [576, 128], strides = [1, 1]} : vector<576x1024xf32> to vector<576x128xf32>
    %sub3A_644 = arith.subf %add3A_642, %slice3A_643 : vector<576x128xf32>
    %lt3A_645 = arith.cmpf olt, %sub3A_644, %min3A_634 : vector<576x128xf32>
    %jit3A_646 = arith.constant 39 : i32
    %broadcast_in_dim3A_647 = vector.broadcast %jit3A_646 : i32 to vector<576x128xi32>
    %select_n3A_648 = arith.select %lt3A_645, %broadcast_in_dim3A_647, %select_n3A_633 : vector<576x128xi1>, vector<576x128xi32>
    %min3A_649 = arith.minimumf %sub3A_644, %min3A_634 : vector<576x128xf32>
    %get3A_650 = arith.constant 0 : index
    %get3A_651 = arith.constant 5120 : index
    %get3A_652 = vector.load %arg3[%get3A_650, %get3A_651] : memref<1x8192xf32, #tpu.memory_space<vmem>>, vector<1x128xf32>
    %get3A_653 = vector.shape_cast %get3A_652 : vector<1x128xf32> to vector<128xf32>
    %broadcast_in_dim3A_654 = vector.shape_cast %get3A_653 : vector<128xf32> to vector<1x128xf32>
    %add3A_655 = vector.broadcast %broadcast_in_dim3A : vector<576x1xf32> to vector<576x128xf32>
    %add3A_656 = vector.broadcast %broadcast_in_dim3A_654 : vector<1x128xf32> to vector<576x128xf32>
    %add3A_657 = arith.addf %add3A_655, %add3A_656 : vector<576x128xf32>
    %slice3A_658 = vector.extract_strided_slice %dot_general3A_39 {offsets = [0, 0], sizes = [576, 128], strides = [1, 1]} : vector<576x1024xf32> to vector<576x128xf32>
    %sub3A_659 = arith.subf %add3A_657, %slice3A_658 : vector<576x128xf32>
    %lt3A_660 = arith.cmpf olt, %sub3A_659, %min3A_649 : vector<576x128xf32>
    %jit3A_661 = arith.constant 40 : i32
    %broadcast_in_dim3A_662 = vector.broadcast %jit3A_661 : i32 to vector<576x128xi32>
    %select_n3A_663 = arith.select %lt3A_660, %broadcast_in_dim3A_662, %select_n3A_648 : vector<576x128xi1>, vector<576x128xi32>
    %min3A_664 = arith.minimumf %sub3A_659, %min3A_649 : vector<576x128xf32>
    %get3A_665 = arith.constant 0 : index
    %get3A_666 = arith.constant 5248 : index
    %get3A_667 = vector.load %arg3[%get3A_665, %get3A_666] : memref<1x8192xf32, #tpu.memory_space<vmem>>, vector<1x128xf32>
    %get3A_668 = vector.shape_cast %get3A_667 : vector<1x128xf32> to vector<128xf32>
    %broadcast_in_dim3A_669 = vector.shape_cast %get3A_668 : vector<128xf32> to vector<1x128xf32>
    %add3A_670 = vector.broadcast %broadcast_in_dim3A : vector<576x1xf32> to vector<576x128xf32>
    %add3A_671 = vector.broadcast %broadcast_in_dim3A_669 : vector<1x128xf32> to vector<576x128xf32>
    %add3A_672 = arith.addf %add3A_670, %add3A_671 : vector<576x128xf32>
    %slice3A_673 = vector.extract_strided_slice %dot_general3A_39 {offsets = [0, 128], sizes = [576, 128], strides = [1, 1]} : vector<576x1024xf32> to vector<576x128xf32>
    %sub3A_674 = arith.subf %add3A_672, %slice3A_673 : vector<576x128xf32>
    %lt3A_675 = arith.cmpf olt, %sub3A_674, %min3A_664 : vector<576x128xf32>
    %jit3A_676 = arith.constant 41 : i32
    %broadcast_in_dim3A_677 = vector.broadcast %jit3A_676 : i32 to vector<576x128xi32>
    %select_n3A_678 = arith.select %lt3A_675, %broadcast_in_dim3A_677, %select_n3A_663 : vector<576x128xi1>, vector<576x128xi32>
    %min3A_679 = arith.minimumf %sub3A_674, %min3A_664 : vector<576x128xf32>
    %get3A_680 = arith.constant 0 : index
    %get3A_681 = arith.constant 5376 : index
    %get3A_682 = vector.load %arg3[%get3A_680, %get3A_681] : memref<1x8192xf32, #tpu.memory_space<vmem>>, vector<1x128xf32>
    %get3A_683 = vector.shape_cast %get3A_682 : vector<1x128xf32> to vector<128xf32>
    %broadcast_in_dim3A_684 = vector.shape_cast %get3A_683 : vector<128xf32> to vector<1x128xf32>
    %add3A_685 = vector.broadcast %broadcast_in_dim3A : vector<576x1xf32> to vector<576x128xf32>
    %add3A_686 = vector.broadcast %broadcast_in_dim3A_684 : vector<1x128xf32> to vector<576x128xf32>
    %add3A_687 = arith.addf %add3A_685, %add3A_686 : vector<576x128xf32>
    %slice3A_688 = vector.extract_strided_slice %dot_general3A_39 {offsets = [0, 256], sizes = [576, 128], strides = [1, 1]} : vector<576x1024xf32> to vector<576x128xf32>
    %sub3A_689 = arith.subf %add3A_687, %slice3A_688 : vector<576x128xf32>
    %lt3A_690 = arith.cmpf olt, %sub3A_689, %min3A_679 : vector<576x128xf32>
    %jit3A_691 = arith.constant 42 : i32
    %broadcast_in_dim3A_692 = vector.broadcast %jit3A_691 : i32 to vector<576x128xi32>
    %select_n3A_693 = arith.select %lt3A_690, %broadcast_in_dim3A_692, %select_n3A_678 : vector<576x128xi1>, vector<576x128xi32>
    %min3A_694 = arith.minimumf %sub3A_689, %min3A_679 : vector<576x128xf32>
    %get3A_695 = arith.constant 0 : index
    %get3A_696 = arith.constant 5504 : index
    %get3A_697 = vector.load %arg3[%get3A_695, %get3A_696] : memref<1x8192xf32, #tpu.memory_space<vmem>>, vector<1x128xf32>
    %get3A_698 = vector.shape_cast %get3A_697 : vector<1x128xf32> to vector<128xf32>
    %broadcast_in_dim3A_699 = vector.shape_cast %get3A_698 : vector<128xf32> to vector<1x128xf32>
    %add3A_700 = vector.broadcast %broadcast_in_dim3A : vector<576x1xf32> to vector<576x128xf32>
    %add3A_701 = vector.broadcast %broadcast_in_dim3A_699 : vector<1x128xf32> to vector<576x128xf32>
    %add3A_702 = arith.addf %add3A_700, %add3A_701 : vector<576x128xf32>
    %slice3A_703 = vector.extract_strided_slice %dot_general3A_39 {offsets = [0, 384], sizes = [576, 128], strides = [1, 1]} : vector<576x1024xf32> to vector<576x128xf32>
    %sub3A_704 = arith.subf %add3A_702, %slice3A_703 : vector<576x128xf32>
    %lt3A_705 = arith.cmpf olt, %sub3A_704, %min3A_694 : vector<576x128xf32>
    %jit3A_706 = arith.constant 43 : i32
    %broadcast_in_dim3A_707 = vector.broadcast %jit3A_706 : i32 to vector<576x128xi32>
    %select_n3A_708 = arith.select %lt3A_705, %broadcast_in_dim3A_707, %select_n3A_693 : vector<576x128xi1>, vector<576x128xi32>
    %min3A_709 = arith.minimumf %sub3A_704, %min3A_694 : vector<576x128xf32>
    %get3A_710 = arith.constant 0 : index
    %get3A_711 = arith.constant 5632 : index
    %get3A_712 = vector.load %arg3[%get3A_710, %get3A_711] : memref<1x8192xf32, #tpu.memory_space<vmem>>, vector<1x128xf32>
    %get3A_713 = vector.shape_cast %get3A_712 : vector<1x128xf32> to vector<128xf32>
    %broadcast_in_dim3A_714 = vector.shape_cast %get3A_713 : vector<128xf32> to vector<1x128xf32>
    %add3A_715 = vector.broadcast %broadcast_in_dim3A : vector<576x1xf32> to vector<576x128xf32>
    %add3A_716 = vector.broadcast %broadcast_in_dim3A_714 : vector<1x128xf32> to vector<576x128xf32>
    %add3A_717 = arith.addf %add3A_715, %add3A_716 : vector<576x128xf32>
    %slice3A_718 = vector.extract_strided_slice %dot_general3A_39 {offsets = [0, 512], sizes = [576, 128], strides = [1, 1]} : vector<576x1024xf32> to vector<576x128xf32>
    %sub3A_719 = arith.subf %add3A_717, %slice3A_718 : vector<576x128xf32>
    %lt3A_720 = arith.cmpf olt, %sub3A_719, %min3A_709 : vector<576x128xf32>
    %jit3A_721 = arith.constant 44 : i32
    %broadcast_in_dim3A_722 = vector.broadcast %jit3A_721 : i32 to vector<576x128xi32>
    %select_n3A_723 = arith.select %lt3A_720, %broadcast_in_dim3A_722, %select_n3A_708 : vector<576x128xi1>, vector<576x128xi32>
    %min3A_724 = arith.minimumf %sub3A_719, %min3A_709 : vector<576x128xf32>
    %get3A_725 = arith.constant 0 : index
    %get3A_726 = arith.constant 5760 : index
    %get3A_727 = vector.load %arg3[%get3A_725, %get3A_726] : memref<1x8192xf32, #tpu.memory_space<vmem>>, vector<1x128xf32>
    %get3A_728 = vector.shape_cast %get3A_727 : vector<1x128xf32> to vector<128xf32>
    %broadcast_in_dim3A_729 = vector.shape_cast %get3A_728 : vector<128xf32> to vector<1x128xf32>
    %add3A_730 = vector.broadcast %broadcast_in_dim3A : vector<576x1xf32> to vector<576x128xf32>
    %add3A_731 = vector.broadcast %broadcast_in_dim3A_729 : vector<1x128xf32> to vector<576x128xf32>
    %add3A_732 = arith.addf %add3A_730, %add3A_731 : vector<576x128xf32>
    %slice3A_733 = vector.extract_strided_slice %dot_general3A_39 {offsets = [0, 640], sizes = [576, 128], strides = [1, 1]} : vector<576x1024xf32> to vector<576x128xf32>
    %sub3A_734 = arith.subf %add3A_732, %slice3A_733 : vector<576x128xf32>
    %lt3A_735 = arith.cmpf olt, %sub3A_734, %min3A_724 : vector<576x128xf32>
    %jit3A_736 = arith.constant 45 : i32
    %broadcast_in_dim3A_737 = vector.broadcast %jit3A_736 : i32 to vector<576x128xi32>
    %select_n3A_738 = arith.select %lt3A_735, %broadcast_in_dim3A_737, %select_n3A_723 : vector<576x128xi1>, vector<576x128xi32>
    %min3A_739 = arith.minimumf %sub3A_734, %min3A_724 : vector<576x128xf32>
    %get3A_740 = arith.constant 0 : index
    %get3A_741 = arith.constant 5888 : index
    %get3A_742 = vector.load %arg3[%get3A_740, %get3A_741] : memref<1x8192xf32, #tpu.memory_space<vmem>>, vector<1x128xf32>
    %get3A_743 = vector.shape_cast %get3A_742 : vector<1x128xf32> to vector<128xf32>
    %broadcast_in_dim3A_744 = vector.shape_cast %get3A_743 : vector<128xf32> to vector<1x128xf32>
    %add3A_745 = vector.broadcast %broadcast_in_dim3A : vector<576x1xf32> to vector<576x128xf32>
    %add3A_746 = vector.broadcast %broadcast_in_dim3A_744 : vector<1x128xf32> to vector<576x128xf32>
    %add3A_747 = arith.addf %add3A_745, %add3A_746 : vector<576x128xf32>
    %slice3A_748 = vector.extract_strided_slice %dot_general3A_39 {offsets = [0, 768], sizes = [576, 128], strides = [1, 1]} : vector<576x1024xf32> to vector<576x128xf32>
    %sub3A_749 = arith.subf %add3A_747, %slice3A_748 : vector<576x128xf32>
    %lt3A_750 = arith.cmpf olt, %sub3A_749, %min3A_739 : vector<576x128xf32>
    %jit3A_751 = arith.constant 46 : i32
    %broadcast_in_dim3A_752 = vector.broadcast %jit3A_751 : i32 to vector<576x128xi32>
    %select_n3A_753 = arith.select %lt3A_750, %broadcast_in_dim3A_752, %select_n3A_738 : vector<576x128xi1>, vector<576x128xi32>
    %min3A_754 = arith.minimumf %sub3A_749, %min3A_739 : vector<576x128xf32>
    %get3A_755 = arith.constant 0 : index
    %get3A_756 = arith.constant 6016 : index
    %get3A_757 = vector.load %arg3[%get3A_755, %get3A_756] : memref<1x8192xf32, #tpu.memory_space<vmem>>, vector<1x128xf32>
    %get3A_758 = vector.shape_cast %get3A_757 : vector<1x128xf32> to vector<128xf32>
    %broadcast_in_dim3A_759 = vector.shape_cast %get3A_758 : vector<128xf32> to vector<1x128xf32>
    %add3A_760 = vector.broadcast %broadcast_in_dim3A : vector<576x1xf32> to vector<576x128xf32>
    %add3A_761 = vector.broadcast %broadcast_in_dim3A_759 : vector<1x128xf32> to vector<576x128xf32>
    %add3A_762 = arith.addf %add3A_760, %add3A_761 : vector<576x128xf32>
    %slice3A_763 = vector.extract_strided_slice %dot_general3A_39 {offsets = [0, 896], sizes = [576, 128], strides = [1, 1]} : vector<576x1024xf32> to vector<576x128xf32>
    %sub3A_764 = arith.subf %add3A_762, %slice3A_763 : vector<576x128xf32>
    %lt3A_765 = arith.cmpf olt, %sub3A_764, %min3A_754 : vector<576x128xf32>
    %jit3A_766 = arith.constant 47 : i32
    %broadcast_in_dim3A_767 = vector.broadcast %jit3A_766 : i32 to vector<576x128xi32>
    %select_n3A_768 = arith.select %lt3A_765, %broadcast_in_dim3A_767, %select_n3A_753 : vector<576x128xi1>, vector<576x128xi32>
    %min3A_769 = arith.minimumf %sub3A_764, %min3A_754 : vector<576x128xf32>
    %get3A_770 = arith.constant 0 : index
    %get3A_771 = arith.constant 6144 : index
    %get3A_772 = vector.load %arg3[%get3A_770, %get3A_771] : memref<1x8192xf32, #tpu.memory_space<vmem>>, vector<1x128xf32>
    %get3A_773 = vector.shape_cast %get3A_772 : vector<1x128xf32> to vector<128xf32>
    %broadcast_in_dim3A_774 = vector.shape_cast %get3A_773 : vector<128xf32> to vector<1x128xf32>
    %add3A_775 = vector.broadcast %broadcast_in_dim3A : vector<576x1xf32> to vector<576x128xf32>
    %add3A_776 = vector.broadcast %broadcast_in_dim3A_774 : vector<1x128xf32> to vector<576x128xf32>
    %add3A_777 = arith.addf %add3A_775, %add3A_776 : vector<576x128xf32>
    %slice3A_778 = vector.extract_strided_slice %dot_general3A_45 {offsets = [0, 0], sizes = [576, 128], strides = [1, 1]} : vector<576x1024xf32> to vector<576x128xf32>
    %sub3A_779 = arith.subf %add3A_777, %slice3A_778 : vector<576x128xf32>
    %lt3A_780 = arith.cmpf olt, %sub3A_779, %min3A_769 : vector<576x128xf32>
    %jit3A_781 = arith.constant 48 : i32
    %broadcast_in_dim3A_782 = vector.broadcast %jit3A_781 : i32 to vector<576x128xi32>
    %select_n3A_783 = arith.select %lt3A_780, %broadcast_in_dim3A_782, %select_n3A_768 : vector<576x128xi1>, vector<576x128xi32>
    %min3A_784 = arith.minimumf %sub3A_779, %min3A_769 : vector<576x128xf32>
    %get3A_785 = arith.constant 0 : index
    %get3A_786 = arith.constant 6272 : index
    %get3A_787 = vector.load %arg3[%get3A_785, %get3A_786] : memref<1x8192xf32, #tpu.memory_space<vmem>>, vector<1x128xf32>
    %get3A_788 = vector.shape_cast %get3A_787 : vector<1x128xf32> to vector<128xf32>
    %broadcast_in_dim3A_789 = vector.shape_cast %get3A_788 : vector<128xf32> to vector<1x128xf32>
    %add3A_790 = vector.broadcast %broadcast_in_dim3A : vector<576x1xf32> to vector<576x128xf32>
    %add3A_791 = vector.broadcast %broadcast_in_dim3A_789 : vector<1x128xf32> to vector<576x128xf32>
    %add3A_792 = arith.addf %add3A_790, %add3A_791 : vector<576x128xf32>
    %slice3A_793 = vector.extract_strided_slice %dot_general3A_45 {offsets = [0, 128], sizes = [576, 128], strides = [1, 1]} : vector<576x1024xf32> to vector<576x128xf32>
    %sub3A_794 = arith.subf %add3A_792, %slice3A_793 : vector<576x128xf32>
    %lt3A_795 = arith.cmpf olt, %sub3A_794, %min3A_784 : vector<576x128xf32>
    %jit3A_796 = arith.constant 49 : i32
    %broadcast_in_dim3A_797 = vector.broadcast %jit3A_796 : i32 to vector<576x128xi32>
    %select_n3A_798 = arith.select %lt3A_795, %broadcast_in_dim3A_797, %select_n3A_783 : vector<576x128xi1>, vector<576x128xi32>
    %min3A_799 = arith.minimumf %sub3A_794, %min3A_784 : vector<576x128xf32>
    %get3A_800 = arith.constant 0 : index
    %get3A_801 = arith.constant 6400 : index
    %get3A_802 = vector.load %arg3[%get3A_800, %get3A_801] : memref<1x8192xf32, #tpu.memory_space<vmem>>, vector<1x128xf32>
    %get3A_803 = vector.shape_cast %get3A_802 : vector<1x128xf32> to vector<128xf32>
    %broadcast_in_dim3A_804 = vector.shape_cast %get3A_803 : vector<128xf32> to vector<1x128xf32>
    %add3A_805 = vector.broadcast %broadcast_in_dim3A : vector<576x1xf32> to vector<576x128xf32>
    %add3A_806 = vector.broadcast %broadcast_in_dim3A_804 : vector<1x128xf32> to vector<576x128xf32>
    %add3A_807 = arith.addf %add3A_805, %add3A_806 : vector<576x128xf32>
    %slice3A_808 = vector.extract_strided_slice %dot_general3A_45 {offsets = [0, 256], sizes = [576, 128], strides = [1, 1]} : vector<576x1024xf32> to vector<576x128xf32>
    %sub3A_809 = arith.subf %add3A_807, %slice3A_808 : vector<576x128xf32>
    %lt3A_810 = arith.cmpf olt, %sub3A_809, %min3A_799 : vector<576x128xf32>
    %jit3A_811 = arith.constant 50 : i32
    %broadcast_in_dim3A_812 = vector.broadcast %jit3A_811 : i32 to vector<576x128xi32>
    %select_n3A_813 = arith.select %lt3A_810, %broadcast_in_dim3A_812, %select_n3A_798 : vector<576x128xi1>, vector<576x128xi32>
    %min3A_814 = arith.minimumf %sub3A_809, %min3A_799 : vector<576x128xf32>
    %get3A_815 = arith.constant 0 : index
    %get3A_816 = arith.constant 6528 : index
    %get3A_817 = vector.load %arg3[%get3A_815, %get3A_816] : memref<1x8192xf32, #tpu.memory_space<vmem>>, vector<1x128xf32>
    %get3A_818 = vector.shape_cast %get3A_817 : vector<1x128xf32> to vector<128xf32>
    %broadcast_in_dim3A_819 = vector.shape_cast %get3A_818 : vector<128xf32> to vector<1x128xf32>
    %add3A_820 = vector.broadcast %broadcast_in_dim3A : vector<576x1xf32> to vector<576x128xf32>
    %add3A_821 = vector.broadcast %broadcast_in_dim3A_819 : vector<1x128xf32> to vector<576x128xf32>
    %add3A_822 = arith.addf %add3A_820, %add3A_821 : vector<576x128xf32>
    %slice3A_823 = vector.extract_strided_slice %dot_general3A_45 {offsets = [0, 384], sizes = [576, 128], strides = [1, 1]} : vector<576x1024xf32> to vector<576x128xf32>
    %sub3A_824 = arith.subf %add3A_822, %slice3A_823 : vector<576x128xf32>
    %lt3A_825 = arith.cmpf olt, %sub3A_824, %min3A_814 : vector<576x128xf32>
    %jit3A_826 = arith.constant 51 : i32
    %broadcast_in_dim3A_827 = vector.broadcast %jit3A_826 : i32 to vector<576x128xi32>
    %select_n3A_828 = arith.select %lt3A_825, %broadcast_in_dim3A_827, %select_n3A_813 : vector<576x128xi1>, vector<576x128xi32>
    %min3A_829 = arith.minimumf %sub3A_824, %min3A_814 : vector<576x128xf32>
    %get3A_830 = arith.constant 0 : index
    %get3A_831 = arith.constant 6656 : index
    %get3A_832 = vector.load %arg3[%get3A_830, %get3A_831] : memref<1x8192xf32, #tpu.memory_space<vmem>>, vector<1x128xf32>
    %get3A_833 = vector.shape_cast %get3A_832 : vector<1x128xf32> to vector<128xf32>
    %broadcast_in_dim3A_834 = vector.shape_cast %get3A_833 : vector<128xf32> to vector<1x128xf32>
    %add3A_835 = vector.broadcast %broadcast_in_dim3A : vector<576x1xf32> to vector<576x128xf32>
    %add3A_836 = vector.broadcast %broadcast_in_dim3A_834 : vector<1x128xf32> to vector<576x128xf32>
    %add3A_837 = arith.addf %add3A_835, %add3A_836 : vector<576x128xf32>
    %slice3A_838 = vector.extract_strided_slice %dot_general3A_45 {offsets = [0, 512], sizes = [576, 128], strides = [1, 1]} : vector<576x1024xf32> to vector<576x128xf32>
    %sub3A_839 = arith.subf %add3A_837, %slice3A_838 : vector<576x128xf32>
    %lt3A_840 = arith.cmpf olt, %sub3A_839, %min3A_829 : vector<576x128xf32>
    %jit3A_841 = arith.constant 52 : i32
    %broadcast_in_dim3A_842 = vector.broadcast %jit3A_841 : i32 to vector<576x128xi32>
    %select_n3A_843 = arith.select %lt3A_840, %broadcast_in_dim3A_842, %select_n3A_828 : vector<576x128xi1>, vector<576x128xi32>
    %min3A_844 = arith.minimumf %sub3A_839, %min3A_829 : vector<576x128xf32>
    %get3A_845 = arith.constant 0 : index
    %get3A_846 = arith.constant 6784 : index
    %get3A_847 = vector.load %arg3[%get3A_845, %get3A_846] : memref<1x8192xf32, #tpu.memory_space<vmem>>, vector<1x128xf32>
    %get3A_848 = vector.shape_cast %get3A_847 : vector<1x128xf32> to vector<128xf32>
    %broadcast_in_dim3A_849 = vector.shape_cast %get3A_848 : vector<128xf32> to vector<1x128xf32>
    %add3A_850 = vector.broadcast %broadcast_in_dim3A : vector<576x1xf32> to vector<576x128xf32>
    %add3A_851 = vector.broadcast %broadcast_in_dim3A_849 : vector<1x128xf32> to vector<576x128xf32>
    %add3A_852 = arith.addf %add3A_850, %add3A_851 : vector<576x128xf32>
    %slice3A_853 = vector.extract_strided_slice %dot_general3A_45 {offsets = [0, 640], sizes = [576, 128], strides = [1, 1]} : vector<576x1024xf32> to vector<576x128xf32>
    %sub3A_854 = arith.subf %add3A_852, %slice3A_853 : vector<576x128xf32>
    %lt3A_855 = arith.cmpf olt, %sub3A_854, %min3A_844 : vector<576x128xf32>
    %jit3A_856 = arith.constant 53 : i32
    %broadcast_in_dim3A_857 = vector.broadcast %jit3A_856 : i32 to vector<576x128xi32>
    %select_n3A_858 = arith.select %lt3A_855, %broadcast_in_dim3A_857, %select_n3A_843 : vector<576x128xi1>, vector<576x128xi32>
    %min3A_859 = arith.minimumf %sub3A_854, %min3A_844 : vector<576x128xf32>
    %get3A_860 = arith.constant 0 : index
    %get3A_861 = arith.constant 6912 : index
    %get3A_862 = vector.load %arg3[%get3A_860, %get3A_861] : memref<1x8192xf32, #tpu.memory_space<vmem>>, vector<1x128xf32>
    %get3A_863 = vector.shape_cast %get3A_862 : vector<1x128xf32> to vector<128xf32>
    %broadcast_in_dim3A_864 = vector.shape_cast %get3A_863 : vector<128xf32> to vector<1x128xf32>
    %add3A_865 = vector.broadcast %broadcast_in_dim3A : vector<576x1xf32> to vector<576x128xf32>
    %add3A_866 = vector.broadcast %broadcast_in_dim3A_864 : vector<1x128xf32> to vector<576x128xf32>
    %add3A_867 = arith.addf %add3A_865, %add3A_866 : vector<576x128xf32>
    %slice3A_868 = vector.extract_strided_slice %dot_general3A_45 {offsets = [0, 768], sizes = [576, 128], strides = [1, 1]} : vector<576x1024xf32> to vector<576x128xf32>
    %sub3A_869 = arith.subf %add3A_867, %slice3A_868 : vector<576x128xf32>
    %lt3A_870 = arith.cmpf olt, %sub3A_869, %min3A_859 : vector<576x128xf32>
    %jit3A_871 = arith.constant 54 : i32
    %broadcast_in_dim3A_872 = vector.broadcast %jit3A_871 : i32 to vector<576x128xi32>
    %select_n3A_873 = arith.select %lt3A_870, %broadcast_in_dim3A_872, %select_n3A_858 : vector<576x128xi1>, vector<576x128xi32>
    %min3A_874 = arith.minimumf %sub3A_869, %min3A_859 : vector<576x128xf32>
    %get3A_875 = arith.constant 0 : index
    %get3A_876 = arith.constant 7040 : index
    %get3A_877 = vector.load %arg3[%get3A_875, %get3A_876] : memref<1x8192xf32, #tpu.memory_space<vmem>>, vector<1x128xf32>
    %get3A_878 = vector.shape_cast %get3A_877 : vector<1x128xf32> to vector<128xf32>
    %broadcast_in_dim3A_879 = vector.shape_cast %get3A_878 : vector<128xf32> to vector<1x128xf32>
    %add3A_880 = vector.broadcast %broadcast_in_dim3A : vector<576x1xf32> to vector<576x128xf32>
    %add3A_881 = vector.broadcast %broadcast_in_dim3A_879 : vector<1x128xf32> to vector<576x128xf32>
    %add3A_882 = arith.addf %add3A_880, %add3A_881 : vector<576x128xf32>
    %slice3A_883 = vector.extract_strided_slice %dot_general3A_45 {offsets = [0, 896], sizes = [576, 128], strides = [1, 1]} : vector<576x1024xf32> to vector<576x128xf32>
    %sub3A_884 = arith.subf %add3A_882, %slice3A_883 : vector<576x128xf32>
    %lt3A_885 = arith.cmpf olt, %sub3A_884, %min3A_874 : vector<576x128xf32>
    %jit3A_886 = arith.constant 55 : i32
    %broadcast_in_dim3A_887 = vector.broadcast %jit3A_886 : i32 to vector<576x128xi32>
    %select_n3A_888 = arith.select %lt3A_885, %broadcast_in_dim3A_887, %select_n3A_873 : vector<576x128xi1>, vector<576x128xi32>
    %min3A_889 = arith.minimumf %sub3A_884, %min3A_874 : vector<576x128xf32>
    %get3A_890 = arith.constant 0 : index
    %get3A_891 = arith.constant 7168 : index
    %get3A_892 = vector.load %arg3[%get3A_890, %get3A_891] : memref<1x8192xf32, #tpu.memory_space<vmem>>, vector<1x128xf32>
    %get3A_893 = vector.shape_cast %get3A_892 : vector<1x128xf32> to vector<128xf32>
    %broadcast_in_dim3A_894 = vector.shape_cast %get3A_893 : vector<128xf32> to vector<1x128xf32>
    %add3A_895 = vector.broadcast %broadcast_in_dim3A : vector<576x1xf32> to vector<576x128xf32>
    %add3A_896 = vector.broadcast %broadcast_in_dim3A_894 : vector<1x128xf32> to vector<576x128xf32>
    %add3A_897 = arith.addf %add3A_895, %add3A_896 : vector<576x128xf32>
    %slice3A_898 = vector.extract_strided_slice %dot_general3A_51 {offsets = [0, 0], sizes = [576, 128], strides = [1, 1]} : vector<576x1024xf32> to vector<576x128xf32>
    %sub3A_899 = arith.subf %add3A_897, %slice3A_898 : vector<576x128xf32>
    %lt3A_900 = arith.cmpf olt, %sub3A_899, %min3A_889 : vector<576x128xf32>
    %jit3A_901 = arith.constant 56 : i32
    %broadcast_in_dim3A_902 = vector.broadcast %jit3A_901 : i32 to vector<576x128xi32>
    %select_n3A_903 = arith.select %lt3A_900, %broadcast_in_dim3A_902, %select_n3A_888 : vector<576x128xi1>, vector<576x128xi32>
    %min3A_904 = arith.minimumf %sub3A_899, %min3A_889 : vector<576x128xf32>
    %get3A_905 = arith.constant 0 : index
    %get3A_906 = arith.constant 7296 : index
    %get3A_907 = vector.load %arg3[%get3A_905, %get3A_906] : memref<1x8192xf32, #tpu.memory_space<vmem>>, vector<1x128xf32>
    %get3A_908 = vector.shape_cast %get3A_907 : vector<1x128xf32> to vector<128xf32>
    %broadcast_in_dim3A_909 = vector.shape_cast %get3A_908 : vector<128xf32> to vector<1x128xf32>
    %add3A_910 = vector.broadcast %broadcast_in_dim3A : vector<576x1xf32> to vector<576x128xf32>
    %add3A_911 = vector.broadcast %broadcast_in_dim3A_909 : vector<1x128xf32> to vector<576x128xf32>
    %add3A_912 = arith.addf %add3A_910, %add3A_911 : vector<576x128xf32>
    %slice3A_913 = vector.extract_strided_slice %dot_general3A_51 {offsets = [0, 128], sizes = [576, 128], strides = [1, 1]} : vector<576x1024xf32> to vector<576x128xf32>
    %sub3A_914 = arith.subf %add3A_912, %slice3A_913 : vector<576x128xf32>
    %lt3A_915 = arith.cmpf olt, %sub3A_914, %min3A_904 : vector<576x128xf32>
    %jit3A_916 = arith.constant 57 : i32
    %broadcast_in_dim3A_917 = vector.broadcast %jit3A_916 : i32 to vector<576x128xi32>
    %select_n3A_918 = arith.select %lt3A_915, %broadcast_in_dim3A_917, %select_n3A_903 : vector<576x128xi1>, vector<576x128xi32>
    %min3A_919 = arith.minimumf %sub3A_914, %min3A_904 : vector<576x128xf32>
    %get3A_920 = arith.constant 0 : index
    %get3A_921 = arith.constant 7424 : index
    %get3A_922 = vector.load %arg3[%get3A_920, %get3A_921] : memref<1x8192xf32, #tpu.memory_space<vmem>>, vector<1x128xf32>
    %get3A_923 = vector.shape_cast %get3A_922 : vector<1x128xf32> to vector<128xf32>
    %broadcast_in_dim3A_924 = vector.shape_cast %get3A_923 : vector<128xf32> to vector<1x128xf32>
    %add3A_925 = vector.broadcast %broadcast_in_dim3A : vector<576x1xf32> to vector<576x128xf32>
    %add3A_926 = vector.broadcast %broadcast_in_dim3A_924 : vector<1x128xf32> to vector<576x128xf32>
    %add3A_927 = arith.addf %add3A_925, %add3A_926 : vector<576x128xf32>
    %slice3A_928 = vector.extract_strided_slice %dot_general3A_51 {offsets = [0, 256], sizes = [576, 128], strides = [1, 1]} : vector<576x1024xf32> to vector<576x128xf32>
    %sub3A_929 = arith.subf %add3A_927, %slice3A_928 : vector<576x128xf32>
    %lt3A_930 = arith.cmpf olt, %sub3A_929, %min3A_919 : vector<576x128xf32>
    %jit3A_931 = arith.constant 58 : i32
    %broadcast_in_dim3A_932 = vector.broadcast %jit3A_931 : i32 to vector<576x128xi32>
    %select_n3A_933 = arith.select %lt3A_930, %broadcast_in_dim3A_932, %select_n3A_918 : vector<576x128xi1>, vector<576x128xi32>
    %min3A_934 = arith.minimumf %sub3A_929, %min3A_919 : vector<576x128xf32>
    %get3A_935 = arith.constant 0 : index
    %get3A_936 = arith.constant 7552 : index
    %get3A_937 = vector.load %arg3[%get3A_935, %get3A_936] : memref<1x8192xf32, #tpu.memory_space<vmem>>, vector<1x128xf32>
    %get3A_938 = vector.shape_cast %get3A_937 : vector<1x128xf32> to vector<128xf32>
    %broadcast_in_dim3A_939 = vector.shape_cast %get3A_938 : vector<128xf32> to vector<1x128xf32>
    %add3A_940 = vector.broadcast %broadcast_in_dim3A : vector<576x1xf32> to vector<576x128xf32>
    %add3A_941 = vector.broadcast %broadcast_in_dim3A_939 : vector<1x128xf32> to vector<576x128xf32>
    %add3A_942 = arith.addf %add3A_940, %add3A_941 : vector<576x128xf32>
    %slice3A_943 = vector.extract_strided_slice %dot_general3A_51 {offsets = [0, 384], sizes = [576, 128], strides = [1, 1]} : vector<576x1024xf32> to vector<576x128xf32>
    %sub3A_944 = arith.subf %add3A_942, %slice3A_943 : vector<576x128xf32>
    %lt3A_945 = arith.cmpf olt, %sub3A_944, %min3A_934 : vector<576x128xf32>
    %jit3A_946 = arith.constant 59 : i32
    %broadcast_in_dim3A_947 = vector.broadcast %jit3A_946 : i32 to vector<576x128xi32>
    %select_n3A_948 = arith.select %lt3A_945, %broadcast_in_dim3A_947, %select_n3A_933 : vector<576x128xi1>, vector<576x128xi32>
    %min3A_949 = arith.minimumf %sub3A_944, %min3A_934 : vector<576x128xf32>
    %get3A_950 = arith.constant 0 : index
    %get3A_951 = arith.constant 7680 : index
    %get3A_952 = vector.load %arg3[%get3A_950, %get3A_951] : memref<1x8192xf32, #tpu.memory_space<vmem>>, vector<1x128xf32>
    %get3A_953 = vector.shape_cast %get3A_952 : vector<1x128xf32> to vector<128xf32>
    %broadcast_in_dim3A_954 = vector.shape_cast %get3A_953 : vector<128xf32> to vector<1x128xf32>
    %add3A_955 = vector.broadcast %broadcast_in_dim3A : vector<576x1xf32> to vector<576x128xf32>
    %add3A_956 = vector.broadcast %broadcast_in_dim3A_954 : vector<1x128xf32> to vector<576x128xf32>
    %add3A_957 = arith.addf %add3A_955, %add3A_956 : vector<576x128xf32>
    %slice3A_958 = vector.extract_strided_slice %dot_general3A_51 {offsets = [0, 512], sizes = [576, 128], strides = [1, 1]} : vector<576x1024xf32> to vector<576x128xf32>
    %sub3A_959 = arith.subf %add3A_957, %slice3A_958 : vector<576x128xf32>
    %lt3A_960 = arith.cmpf olt, %sub3A_959, %min3A_949 : vector<576x128xf32>
    %jit3A_961 = arith.constant 60 : i32
    %broadcast_in_dim3A_962 = vector.broadcast %jit3A_961 : i32 to vector<576x128xi32>
    %select_n3A_963 = arith.select %lt3A_960, %broadcast_in_dim3A_962, %select_n3A_948 : vector<576x128xi1>, vector<576x128xi32>
    %min3A_964 = arith.minimumf %sub3A_959, %min3A_949 : vector<576x128xf32>
    %get3A_965 = arith.constant 0 : index
    %get3A_966 = arith.constant 7808 : index
    %get3A_967 = vector.load %arg3[%get3A_965, %get3A_966] : memref<1x8192xf32, #tpu.memory_space<vmem>>, vector<1x128xf32>
    %get3A_968 = vector.shape_cast %get3A_967 : vector<1x128xf32> to vector<128xf32>
    %broadcast_in_dim3A_969 = vector.shape_cast %get3A_968 : vector<128xf32> to vector<1x128xf32>
    %add3A_970 = vector.broadcast %broadcast_in_dim3A : vector<576x1xf32> to vector<576x128xf32>
    %add3A_971 = vector.broadcast %broadcast_in_dim3A_969 : vector<1x128xf32> to vector<576x128xf32>
    %add3A_972 = arith.addf %add3A_970, %add3A_971 : vector<576x128xf32>
    %slice3A_973 = vector.extract_strided_slice %dot_general3A_51 {offsets = [0, 640], sizes = [576, 128], strides = [1, 1]} : vector<576x1024xf32> to vector<576x128xf32>
    %sub3A_974 = arith.subf %add3A_972, %slice3A_973 : vector<576x128xf32>
    %lt3A_975 = arith.cmpf olt, %sub3A_974, %min3A_964 : vector<576x128xf32>
    %jit3A_976 = arith.constant 61 : i32
    %broadcast_in_dim3A_977 = vector.broadcast %jit3A_976 : i32 to vector<576x128xi32>
    %select_n3A_978 = arith.select %lt3A_975, %broadcast_in_dim3A_977, %select_n3A_963 : vector<576x128xi1>, vector<576x128xi32>
    %min3A_979 = arith.minimumf %sub3A_974, %min3A_964 : vector<576x128xf32>
    %get3A_980 = arith.constant 0 : index
    %get3A_981 = arith.constant 7936 : index
    %get3A_982 = vector.load %arg3[%get3A_980, %get3A_981] : memref<1x8192xf32, #tpu.memory_space<vmem>>, vector<1x128xf32>
    %get3A_983 = vector.shape_cast %get3A_982 : vector<1x128xf32> to vector<128xf32>
    %broadcast_in_dim3A_984 = vector.shape_cast %get3A_983 : vector<128xf32> to vector<1x128xf32>
    %add3A_985 = vector.broadcast %broadcast_in_dim3A : vector<576x1xf32> to vector<576x128xf32>
    %add3A_986 = vector.broadcast %broadcast_in_dim3A_984 : vector<1x128xf32> to vector<576x128xf32>
    %add3A_987 = arith.addf %add3A_985, %add3A_986 : vector<576x128xf32>
    %slice3A_988 = vector.extract_strided_slice %dot_general3A_51 {offsets = [0, 768], sizes = [576, 128], strides = [1, 1]} : vector<576x1024xf32> to vector<576x128xf32>
    %sub3A_989 = arith.subf %add3A_987, %slice3A_988 : vector<576x128xf32>
    %lt3A_990 = arith.cmpf olt, %sub3A_989, %min3A_979 : vector<576x128xf32>
    %jit3A_991 = arith.constant 62 : i32
    %broadcast_in_dim3A_992 = vector.broadcast %jit3A_991 : i32 to vector<576x128xi32>
    %select_n3A_993 = arith.select %lt3A_990, %broadcast_in_dim3A_992, %select_n3A_978 : vector<576x128xi1>, vector<576x128xi32>
    %min3A_994 = arith.minimumf %sub3A_989, %min3A_979 : vector<576x128xf32>
    %get3A_995 = arith.constant 0 : index
    %get3A_996 = arith.constant 8064 : index
    %get3A_997 = vector.load %arg3[%get3A_995, %get3A_996] : memref<1x8192xf32, #tpu.memory_space<vmem>>, vector<1x128xf32>
    %get3A_998 = vector.shape_cast %get3A_997 : vector<1x128xf32> to vector<128xf32>
    %broadcast_in_dim3A_999 = vector.shape_cast %get3A_998 : vector<128xf32> to vector<1x128xf32>
    %add3A_1000 = vector.broadcast %broadcast_in_dim3A : vector<576x1xf32> to vector<576x128xf32>
    %add3A_1001 = vector.broadcast %broadcast_in_dim3A_999 : vector<1x128xf32> to vector<576x128xf32>
    %add3A_1002 = arith.addf %add3A_1000, %add3A_1001 : vector<576x128xf32>
    %slice3A_1003 = vector.extract_strided_slice %dot_general3A_51 {offsets = [0, 896], sizes = [576, 128], strides = [1, 1]} : vector<576x1024xf32> to vector<576x128xf32>
    %sub3A_1004 = arith.subf %add3A_1002, %slice3A_1003 : vector<576x128xf32>
    %lt3A_1005 = arith.cmpf olt, %sub3A_1004, %min3A_994 : vector<576x128xf32>
    %jit3A_1006 = arith.constant 63 : i32
    %broadcast_in_dim3A_1007 = vector.broadcast %jit3A_1006 : i32 to vector<576x128xi32>
    %select_n3A_1008 = arith.select %lt3A_1005, %broadcast_in_dim3A_1007, %select_n3A_993 : vector<576x128xi1>, vector<576x128xi32>
    %min3A_1009 = arith.minimumf %sub3A_1004, %min3A_994 : vector<576x128xf32>
    %reduce_min3A = arith.constant dense<0x7F800000> : vector<576xf32>
    %reduce_min3A_1010 = vector.multi_reduction <minimumf>, %min3A_1009, %reduce_min3A [1] : vector<576x128xf32> to vector<576xf32>
    %broadcast_in_dim3A_1011 = vector.shape_cast %reduce_min3A_1010 : vector<576xf32> to vector<576x1xf32>
    %mul3A_1012 = arith.constant 128 : i32
    %mul3A_1013 = vector.broadcast %mul3A_1012 : i32 to vector<576x128xi32>
    %mul3A_1014 = arith.muli %select_n3A_1008, %mul3A_1013 : vector<576x128xi32>
    %add3A_1015 = arith.addi %mul3A_1014, %iota3A : vector<576x128xi32>
    %eq3A = vector.broadcast %broadcast_in_dim3A_1011 : vector<576x1xf32> to vector<576x128xf32>
    %eq3A_1016 = arith.cmpf oeq, %min3A_1009, %eq3A : vector<576x128xf32>
    %jit3A_1017 = arith.constant 8192 : i32
    %broadcast_in_dim3A_1018 = vector.broadcast %jit3A_1017 : i32 to vector<576x128xi32>
    %select_n3A_1019 = arith.select %eq3A_1016, %add3A_1015, %broadcast_in_dim3A_1018 : vector<576x128xi1>, vector<576x128xi32>
    %reduce_min3A_1020 = arith.constant dense<2147483647> : vector<576xi32>
    %reduce_min3A_1021 = vector.multi_reduction <minsi>, %select_n3A_1019, %reduce_min3A_1020 [1] : vector<576x128xi32> to vector<576xi32>
    %swap3A = arith.constant 0 : index
    %swap3A_1022 = arith.constant 0 : index
    %swap3A_1023 = arith.constant 0 : index
    %swap3A_1024 = vector.load %arg4[%swap3A, %swap3A_1022, %swap3A_1023] : memref<1x1x576xi32, #tpu.memory_space<vmem>>, vector<1x1x576xi32>
    %swap3A_1025 = vector.shape_cast %swap3A_1024 : vector<1x1x576xi32> to vector<576xi32>
    %swap3A_1026 = vector.shape_cast %reduce_min3A_1021 : vector<576xi32> to vector<1x1x576xi32>
    tpu.vector_store %arg4[%swap3A, %swap3A_1022, %swap3A_1023], %swap3A_1026 {strides = array<i32>} : memref<1x1x576xi32, #tpu.memory_space<vmem>>, vector<1x1x576xi32>,
    return
  }
  func.func @transform_0(%arg0: i32) -> (i32, i32, i32) {
    %add3A = arith.constant 8 : i32
    %add3A_0 = arith.addi %arg0, %add3A : i32
    %c0_i32 = arith.constant 0 : i32
    %c0_i32_1 = arith.constant 0 : i32
    %c0_i32_2 = arith.constant 0 : i32
    return %add3A_0, %c0_i32, %c0_i32_1 : i32, i32, i32
  }
  func.func @transform_1(%arg0: i32) -> (i32, i32) {
    %c0_i32 = arith.constant 0 : i32
    %c0_i32_0 = arith.constant 0 : i32
    %c0_i32_1 = arith.constant 0 : i32
    return %c0_i32, %c0_i32_0 : i32, i32
  }
  func.func @transform_2(%arg0: i32) -> (i32, i32) {
    %c0_i32 = arith.constant 0 : i32
    %c0_i32_0 = arith.constant 0 : i32
    %c0_i32_1 = arith.constant 0 : i32
    return %c0_i32, %c0_i32_0 : i32, i32
  }
  func.func @transform_3(%arg0: i32) -> (i32, i32, i32) {
    %c0_i32 = arith.constant 0 : i32
    %c0_i32_0 = arith.constant 0 : i32
    %c0_i32_1 = arith.constant 0 : i32
    return %arg0, %c0_i32, %c0_i32_0 : i32, i32, i32
  }
}

module attributes {stable_mosaic.version = 14 : i64} {
  func.func @_bsq_body(%arg0: memref<8192x256xf32, #tpu.memory_space<vmem>>, %arg1: memref<1x8192xf32, #tpu.memory_space<vmem>>) attributes {dimension_semantics = [], scalar_prefetch = 0 : i64, scratch_operands = 0 : i64, tpu.core_type = #tpu.core_type<tc>} {
    %get3A = arith.constant 0 : index
    %get3A_0 = arith.constant 0 : index
    %get3A_1 = vector.load %arg0[%get3A, %get3A_0] : memref<8192x256xf32, #tpu.memory_space<vmem>>, vector<8192x256xf32>
    %mul3A = arith.mulf %get3A_1, %get3A_1 : vector<8192x256xf32>
    %reduce_sum3A = arith.constant dense<0.000000e+00> : vector<8192xf32>
    %reduce_sum3A_2 = vector.multi_reduction <add>, %mul3A, %reduce_sum3A [1] : vector<8192x256xf32> to vector<8192xf32>
    %swap3A = arith.constant 0 : index
    %swap3A_3 = arith.constant 0 : index
    %swap3A_4 = vector.load %arg1[%swap3A, %swap3A_3] : memref<1x8192xf32, #tpu.memory_space<vmem>>, vector<1x8192xf32>
    %swap3A_5 = vector.shape_cast %swap3A_4 : vector<1x8192xf32> to vector<8192xf32>
    %swap3A_6 = vector.shape_cast %reduce_sum3A_2 : vector<8192xf32> to vector<1x8192xf32>
    tpu.vector_store %arg1[%swap3A, %swap3A_3], %swap3A_6 {strides = array<i32>} : memref<1x8192xf32, #tpu.memory_space<vmem>>, vector<1x8192xf32>,
    return
  }
}

module attributes {stable_mosaic.version = 14 : i64} {
  func.func @_argmin_body(%arg0: i32, %arg1: memref<1x256x576xf32, #tpu.memory_space<vmem>>, %arg2: memref<8192x256xf32, #tpu.memory_space<vmem>>, %arg3: memref<1x8192xf32, #tpu.memory_space<vmem>>, %arg4: memref<1x1x576xi32, #tpu.memory_space<vmem>>) attributes {dimension_semantics = [#tpu.dimension_semantics<parallel>], iteration_bounds = array<i64: 8>, scalar_prefetch = 0 : i64, scratch_operands = 0 : i64, tpu.core_type = #tpu.core_type<tc>, window_params = [{transform_indices = @transform_0, window_bounds = array<i64: 1, 256, 576>}, {pipeline_mode = #tpu.pipeline_mode<synchronous>, transform_indices = @transform_1, window_bounds = array<i64: 8192, 256>}, {pipeline_mode = #tpu.pipeline_mode<synchronous>, transform_indices = @transform_2, window_bounds = array<i64: 1, 8192>}, {transform_indices = @transform_3, window_bounds = array<i64: 1, 1, 576>}]} {
    %get3A = arith.constant 0 : index
    %get3A_0 = arith.constant 0 : index
    %get3A_1 = arith.constant 0 : index
    %get3A_2 = vector.load %arg1[%get3A, %get3A_0, %get3A_1] : memref<1x256x576xf32, #tpu.memory_space<vmem>>, vector<1x256x576xf32>
    %get3A_3 = vector.shape_cast %get3A_2 : vector<1x256x576xf32> to vector<256x576xf32>
    %transpose3A = tpu.transpose %get3A_3, [1, 0] : vector<256x576xf32> -> vector<576x256xf32>
    %mul3A = arith.mulf %transpose3A, %transpose3A : vector<576x256xf32>
    %reduce_sum3A = arith.constant dense<0.000000e+00> : vector<576xf32>
    %reduce_sum3A_4 = vector.multi_reduction <add>, %mul3A, %reduce_sum3A [1] : vector<576x256xf32> to vector<576xf32>
    %broadcast_in_dim3A = vector.shape_cast %reduce_sum3A_4 : vector<576xf32> to vector<576x1xf32>
    %add3A = arith.addf %transpose3A, %transpose3A : vector<576x256xf32>
    %convert_element_type3A = arith.truncf %add3A : vector<576x256xf32> to vector<576x256xbf16>
    %get3A_5 = arith.constant 0 : index
    %get3A_6 = arith.constant 0 : index
    %get3A_7 = vector.load %arg2[%get3A_5, %get3A_6] : memref<8192x256xf32, #tpu.memory_space<vmem>>, vector<1024x256xf32>
    %convert_element_type3A_8 = arith.truncf %get3A_7 : vector<1024x256xf32> to vector<1024x256xbf16>
    %dot_general3A = arith.constant dense<0.000000e+00> : vector<576x1024xf32>
    %dot_general3A_9 = tpu.matmul %convert_element_type3A, %convert_element_type3A_8, %dot_general3A {dimension_numbers = #tpu.dot_dimension_numbers<[1], [1], [0], [0], [0, 0, 1, 0], [], []>, transpose_lhs_hint = false} : vector<576x256xbf16>, vector<1024x256xbf16>, vector<576x1024xf32> -> vector<576x1024xf32>
    %get3A_10 = arith.constant 1024 : index
    %get3A_11 = arith.constant 0 : index
    %get3A_12 = vector.load %arg2[%get3A_10, %get3A_11] : memref<8192x256xf32, #tpu.memory_space<vmem>>, vector<1024x256xf32>
    %convert_element_type3A_13 = arith.truncf %get3A_12 : vector<1024x256xf32> to vector<1024x256xbf16>
    %dot_general3A_14 = arith.constant dense<0.000000e+00> : vector<576x1024xf32>
    %dot_general3A_15 = tpu.matmul %convert_element_type3A, %convert_element_type3A_13, %dot_general3A_14 {dimension_numbers = #tpu.dot_dimension_numbers<[1], [1], [0], [0], [0, 0, 1, 0], [], []>, transpose_lhs_hint = false} : vector<576x256xbf16>, vector<1024x256xbf16>, vector<576x1024xf32> -> vector<576x1024xf32>
    %get3A_16 = arith.constant 2048 : index
    %get3A_17 = arith.constant 0 : index
    %get3A_18 = vector.load %arg2[%get3A_16, %get3A_17] : memref<8192x256xf32, #tpu.memory_space<vmem>>, vector<1024x256xf32>
    %convert_element_type3A_19 = arith.truncf %get3A_18 : vector<1024x256xf32> to vector<1024x256xbf16>
    %dot_general3A_20 = arith.constant dense<0.000000e+00> : vector<576x1024xf32>
    %dot_general3A_21 = tpu.matmul %convert_element_type3A, %convert_element_type3A_19, %dot_general3A_20 {dimension_numbers = #tpu.dot_dimension_numbers<[1], [1], [0], [0], [0, 0, 1, 0], [], []>, transpose_lhs_hint = false} : vector<576x256xbf16>, vector<1024x256xbf16>, vector<576x1024xf32> -> vector<576x1024xf32>
    %get3A_22 = arith.constant 3072 : index
    %get3A_23 = arith.constant 0 : index
    %get3A_24 = vector.load %arg2[%get3A_22, %get3A_23] : memref<8192x256xf32, #tpu.memory_space<vmem>>, vector<1024x256xf32>
    %convert_element_type3A_25 = arith.truncf %get3A_24 : vector<1024x256xf32> to vector<1024x256xbf16>
    %dot_general3A_26 = arith.constant dense<0.000000e+00> : vector<576x1024xf32>
    %dot_general3A_27 = tpu.matmul %convert_element_type3A, %convert_element_type3A_25, %dot_general3A_26 {dimension_numbers = #tpu.dot_dimension_numbers<[1], [1], [0], [0], [0, 0, 1, 0], [], []>, transpose_lhs_hint = false} : vector<576x256xbf16>, vector<1024x256xbf16>, vector<576x1024xf32> -> vector<576x1024xf32>
    %get3A_28 = arith.constant 4096 : index
    %get3A_29 = arith.constant 0 : index
    %get3A_30 = vector.load %arg2[%get3A_28, %get3A_29] : memref<8192x256xf32, #tpu.memory_space<vmem>>, vector<1024x256xf32>
    %convert_element_type3A_31 = arith.truncf %get3A_30 : vector<1024x256xf32> to vector<1024x256xbf16>
    %dot_general3A_32 = arith.constant dense<0.000000e+00> : vector<576x1024xf32>
    %dot_general3A_33 = tpu.matmul %convert_element_type3A, %convert_element_type3A_31, %dot_general3A_32 {dimension_numbers = #tpu.dot_dimension_numbers<[1], [1], [0], [0], [0, 0, 1, 0], [], []>, transpose_lhs_hint = false} : vector<576x256xbf16>, vector<1024x256xbf16>, vector<576x1024xf32> -> vector<576x1024xf32>
    %get3A_34 = arith.constant 5120 : index
    %get3A_35 = arith.constant 0 : index
    %get3A_36 = vector.load %arg2[%get3A_34, %get3A_35] : memref<8192x256xf32, #tpu.memory_space<vmem>>, vector<1024x256xf32>
    %convert_element_type3A_37 = arith.truncf %get3A_36 : vector<1024x256xf32> to vector<1024x256xbf16>
    %dot_general3A_38 = arith.constant dense<0.000000e+00> : vector<576x1024xf32>
    %dot_general3A_39 = tpu.matmul %convert_element_type3A, %convert_element_type3A_37, %dot_general3A_38 {dimension_numbers = #tpu.dot_dimension_numbers<[1], [1], [0], [0], [0, 0, 1, 0], [], []>, transpose_lhs_hint = false} : vector<576x256xbf16>, vector<1024x256xbf16>, vector<576x1024xf32> -> vector<576x1024xf32>
    %get3A_40 = arith.constant 6144 : index
    %get3A_41 = arith.constant 0 : index
    %get3A_42 = vector.load %arg2[%get3A_40, %get3A_41] : memref<8192x256xf32, #tpu.memory_space<vmem>>, vector<1024x256xf32>
    %convert_element_type3A_43 = arith.truncf %get3A_42 : vector<1024x256xf32> to vector<1024x256xbf16>
    %dot_general3A_44 = arith.constant dense<0.000000e+00> : vector<576x1024xf32>
    %dot_general3A_45 = tpu.matmul %convert_element_type3A, %convert_element_type3A_43, %dot_general3A_44 {dimension_numbers = #tpu.dot_dimension_numbers<[1], [1], [0], [0], [0, 0, 1, 0], [], []>, transpose_lhs_hint = false} : vector<576x256xbf16>, vector<1024x256xbf16>, vector<576x1024xf32> -> vector<576x1024xf32>
    %get3A_46 = arith.constant 7168 : index
    %get3A_47 = arith.constant 0 : index
    %get3A_48 = vector.load %arg2[%get3A_46, %get3A_47] : memref<8192x256xf32, #tpu.memory_space<vmem>>, vector<1024x256xf32>
    %convert_element_type3A_49 = arith.truncf %get3A_48 : vector<1024x256xf32> to vector<1024x256xbf16>
    %dot_general3A_50 = arith.constant dense<0.000000e+00> : vector<576x1024xf32>
    %dot_general3A_51 = tpu.matmul %convert_element_type3A, %convert_element_type3A_49, %dot_general3A_50 {dimension_numbers = #tpu.dot_dimension_numbers<[1], [1], [0], [0], [0, 0, 1, 0], [], []>, transpose_lhs_hint = false} : vector<576x256xbf16>, vector<1024x256xbf16>, vector<576x1024xf32> -> vector<576x1024xf32>
    %iota3A = tpu.iota {dimensions = array<i32: 1>} : vector<576x128xi32>
    %broadcast_in_dim3A_52 = arith.constant 0x7F800000 : f32
    %broadcast_in_dim3A_53 = vector.broadcast %broadcast_in_dim3A_52 : f32 to vector<576x128xf32>
    %broadcast_in_dim3A_54 = arith.constant 0 : i32
    %broadcast_in_dim3A_55 = vector.broadcast %broadcast_in_dim3A_54 : i32 to vector<576x128xi32>
    %get3A_56 = arith.constant 0 : index
    %get3A_57 = arith.constant 0 : index
    %get3A_58 = vector.load %arg3[%get3A_56, %get3A_57] : memref<1x8192xf32, #tpu.memory_space<vmem>>, vector<1x128xf32>
    %get3A_59 = vector.shape_cast %get3A_58 : vector<1x128xf32> to vector<128xf32>
    %broadcast_in_dim3A_60 = vector.shape_cast %get3A_59 : vector<128xf32> to vector<1x128xf32>
    %add3A_61 = vector.broadcast %broadcast_in_dim3A : vector<576x1xf32> to vector<576x128xf32>
    %add3A_62 = vector.broadcast %broadcast_in_dim3A_60 : vector<1x128xf32> to vector<576x128xf32>
    %add3A_63 = arith.addf %add3A_61, %add3A_62 : vector<576x128xf32>
    %slice3A = vector.extract_strided_slice %dot_general3A_9 {offsets = [0, 0], sizes = [576, 128], strides = [1, 1]} : vector<576x1024xf32> to vector<576x128xf32>
    %sub3A = arith.subf %add3A_63, %slice3A : vector<576x128xf32>
    %lt3A = arith.cmpf olt, %sub3A, %broadcast_in_dim3A_53 : vector<576x128xf32>
    %jit3A = arith.constant 0 : i32
    %broadcast_in_dim3A_64 = vector.broadcast %jit3A : i32 to vector<576x128xi32>
    %select_n3A = arith.select %lt3A, %broadcast_in_dim3A_64, %broadcast_in_dim3A_55 : vector<576x128xi1>, vector<576x128xi32>
    %min3A = arith.minimumf %sub3A, %broadcast_in_dim3A_53 : vector<576x128xf32>
    %get3A_65 = arith.constant 0 : index
    %get3A_66 = arith.constant 128 : index
    %get3A_67 = vector.load %arg3[%get3A_65, %get3A_66] : memref<1x8192xf32, #tpu.memory_space<vmem>>, vector<1x128xf32>
    %get3A_68 = vector.shape_cast %get3A_67 : vector<1x128xf32> to vector<128xf32>
    %broadcast_in_dim3A_69 = vector.shape_cast %get3A_68 : vector<128xf32> to vector<1x128xf32>
    %add3A_70 = vector.broadcast %broadcast_in_dim3A : vector<576x1xf32> to vector<576x128xf32>
    %add3A_71 = vector.broadcast %broadcast_in_dim3A_69 : vector<1x128xf32> to vector<576x128xf32>
    %add3A_72 = arith.addf %add3A_70, %add3A_71 : vector<576x128xf32>
    %slice3A_73 = vector.extract_strided_slice %dot_general3A_9 {offsets = [0, 128], sizes = [576, 128], strides = [1, 1]} : vector<576x1024xf32> to vector<576x128xf32>
    %sub3A_74 = arith.subf %add3A_72, %slice3A_73 : vector<576x128xf32>
    %lt3A_75 = arith.cmpf olt, %sub3A_74, %min3A : vector<576x128xf32>
    %jit3A_76 = arith.constant 1 : i32
    %broadcast_in_dim3A_77 = vector.broadcast %jit3A_76 : i32 to vector<576x128xi32>
    %select_n3A_78 = arith.select %lt3A_75, %broadcast_in_dim3A_77, %select_n3A : vector<576x128xi1>, vector<576x128xi32>
    %min3A_79 = arith.minimumf %sub3A_74, %min3A : vector<576x128xf32>
    %get3A_80 = arith.constant 0 : index
    %get3A_81 = arith.constant 256 : index
    %get3A_82 = vector.load %arg3[%get3A_80, %get3A_81] : memref<1x8192xf32, #tpu.memory_space<vmem>>, vector<1x128xf32>
    %get3A_83 = vector.shape_cast %get3A_82 : vector<1x128xf32> to vector<128xf32>
    %broadcast_in_dim3A_84 = vector.shape_cast %get3A_83 : vector<128xf32> to vector<1x128xf32>
    %add3A_85 = vector.broadcast %broadcast_in_dim3A : vector<576x1xf32> to vector<576x128xf32>
    %add3A_86 = vector.broadcast %broadcast_in_dim3A_84 : vector<1x128xf32> to vector<576x128xf32>
    %add3A_87 = arith.addf %add3A_85, %add3A_86 : vector<576x128xf32>
    %slice3A_88 = vector.extract_strided_slice %dot_general3A_9 {offsets = [0, 256], sizes = [576, 128], strides = [1, 1]} : vector<576x1024xf32> to vector<576x128xf32>
    %sub3A_89 = arith.subf %add3A_87, %slice3A_88 : vector<576x128xf32>
    %lt3A_90 = arith.cmpf olt, %sub3A_89, %min3A_79 : vector<576x128xf32>
    %jit3A_91 = arith.constant 2 : i32
    %broadcast_in_dim3A_92 = vector.broadcast %jit3A_91 : i32 to vector<576x128xi32>
    %select_n3A_93 = arith.select %lt3A_90, %broadcast_in_dim3A_92, %select_n3A_78 : vector<576x128xi1>, vector<576x128xi32>
    %min3A_94 = arith.minimumf %sub3A_89, %min3A_79 : vector<576x128xf32>
    %get3A_95 = arith.constant 0 : index
    %get3A_96 = arith.constant 384 : index
    %get3A_97 = vector.load %arg3[%get3A_95, %get3A_96] : memref<1x8192xf32, #tpu.memory_space<vmem>>, vector<1x128xf32>
    %get3A_98 = vector.shape_cast %get3A_97 : vector<1x128xf32> to vector<128xf32>
    %broadcast_in_dim3A_99 = vector.shape_cast %get3A_98 : vector<128xf32> to vector<1x128xf32>
    %add3A_100 = vector.broadcast %broadcast_in_dim3A : vector<576x1xf32> to vector<576x128xf32>
    %add3A_101 = vector.broadcast %broadcast_in_dim3A_99 : vector<1x128xf32> to vector<576x128xf32>
    %add3A_102 = arith.addf %add3A_100, %add3A_101 : vector<576x128xf32>
    %slice3A_103 = vector.extract_strided_slice %dot_general3A_9 {offsets = [0, 384], sizes = [576, 128], strides = [1, 1]} : vector<576x1024xf32> to vector<576x128xf32>
    %sub3A_104 = arith.subf %add3A_102, %slice3A_103 : vector<576x128xf32>
    %lt3A_105 = arith.cmpf olt, %sub3A_104, %min3A_94 : vector<576x128xf32>
    %jit3A_106 = arith.constant 3 : i32
    %broadcast_in_dim3A_107 = vector.broadcast %jit3A_106 : i32 to vector<576x128xi32>
    %select_n3A_108 = arith.select %lt3A_105, %broadcast_in_dim3A_107, %select_n3A_93 : vector<576x128xi1>, vector<576x128xi32>
    %min3A_109 = arith.minimumf %sub3A_104, %min3A_94 : vector<576x128xf32>
    %get3A_110 = arith.constant 0 : index
    %get3A_111 = arith.constant 512 : index
    %get3A_112 = vector.load %arg3[%get3A_110, %get3A_111] : memref<1x8192xf32, #tpu.memory_space<vmem>>, vector<1x128xf32>
    %get3A_113 = vector.shape_cast %get3A_112 : vector<1x128xf32> to vector<128xf32>
    %broadcast_in_dim3A_114 = vector.shape_cast %get3A_113 : vector<128xf32> to vector<1x128xf32>
    %add3A_115 = vector.broadcast %broadcast_in_dim3A : vector<576x1xf32> to vector<576x128xf32>
    %add3A_116 = vector.broadcast %broadcast_in_dim3A_114 : vector<1x128xf32> to vector<576x128xf32>
    %add3A_117 = arith.addf %add3A_115, %add3A_116 : vector<576x128xf32>
    %slice3A_118 = vector.extract_strided_slice %dot_general3A_9 {offsets = [0, 512], sizes = [576, 128], strides = [1, 1]} : vector<576x1024xf32> to vector<576x128xf32>
    %sub3A_119 = arith.subf %add3A_117, %slice3A_118 : vector<576x128xf32>
    %lt3A_120 = arith.cmpf olt, %sub3A_119, %min3A_109 : vector<576x128xf32>
    %jit3A_121 = arith.constant 4 : i32
    %broadcast_in_dim3A_122 = vector.broadcast %jit3A_121 : i32 to vector<576x128xi32>
    %select_n3A_123 = arith.select %lt3A_120, %broadcast_in_dim3A_122, %select_n3A_108 : vector<576x128xi1>, vector<576x128xi32>
    %min3A_124 = arith.minimumf %sub3A_119, %min3A_109 : vector<576x128xf32>
    %get3A_125 = arith.constant 0 : index
    %get3A_126 = arith.constant 640 : index
    %get3A_127 = vector.load %arg3[%get3A_125, %get3A_126] : memref<1x8192xf32, #tpu.memory_space<vmem>>, vector<1x128xf32>
    %get3A_128 = vector.shape_cast %get3A_127 : vector<1x128xf32> to vector<128xf32>
    %broadcast_in_dim3A_129 = vector.shape_cast %get3A_128 : vector<128xf32> to vector<1x128xf32>
    %add3A_130 = vector.broadcast %broadcast_in_dim3A : vector<576x1xf32> to vector<576x128xf32>
    %add3A_131 = vector.broadcast %broadcast_in_dim3A_129 : vector<1x128xf32> to vector<576x128xf32>
    %add3A_132 = arith.addf %add3A_130, %add3A_131 : vector<576x128xf32>
    %slice3A_133 = vector.extract_strided_slice %dot_general3A_9 {offsets = [0, 640], sizes = [576, 128], strides = [1, 1]} : vector<576x1024xf32> to vector<576x128xf32>
    %sub3A_134 = arith.subf %add3A_132, %slice3A_133 : vector<576x128xf32>
    %lt3A_135 = arith.cmpf olt, %sub3A_134, %min3A_124 : vector<576x128xf32>
    %jit3A_136 = arith.constant 5 : i32
    %broadcast_in_dim3A_137 = vector.broadcast %jit3A_136 : i32 to vector<576x128xi32>
    %select_n3A_138 = arith.select %lt3A_135, %broadcast_in_dim3A_137, %select_n3A_123 : vector<576x128xi1>, vector<576x128xi32>
    %min3A_139 = arith.minimumf %sub3A_134, %min3A_124 : vector<576x128xf32>
    %get3A_140 = arith.constant 0 : index
    %get3A_141 = arith.constant 768 : index
    %get3A_142 = vector.load %arg3[%get3A_140, %get3A_141] : memref<1x8192xf32, #tpu.memory_space<vmem>>, vector<1x128xf32>
    %get3A_143 = vector.shape_cast %get3A_142 : vector<1x128xf32> to vector<128xf32>
    %broadcast_in_dim3A_144 = vector.shape_cast %get3A_143 : vector<128xf32> to vector<1x128xf32>
    %add3A_145 = vector.broadcast %broadcast_in_dim3A : vector<576x1xf32> to vector<576x128xf32>
    %add3A_146 = vector.broadcast %broadcast_in_dim3A_144 : vector<1x128xf32> to vector<576x128xf32>
    %add3A_147 = arith.addf %add3A_145, %add3A_146 : vector<576x128xf32>
    %slice3A_148 = vector.extract_strided_slice %dot_general3A_9 {offsets = [0, 768], sizes = [576, 128], strides = [1, 1]} : vector<576x1024xf32> to vector<576x128xf32>
    %sub3A_149 = arith.subf %add3A_147, %slice3A_148 : vector<576x128xf32>
    %lt3A_150 = arith.cmpf olt, %sub3A_149, %min3A_139 : vector<576x128xf32>
    %jit3A_151 = arith.constant 6 : i32
    %broadcast_in_dim3A_152 = vector.broadcast %jit3A_151 : i32 to vector<576x128xi32>
    %select_n3A_153 = arith.select %lt3A_150, %broadcast_in_dim3A_152, %select_n3A_138 : vector<576x128xi1>, vector<576x128xi32>
    %min3A_154 = arith.minimumf %sub3A_149, %min3A_139 : vector<576x128xf32>
    %get3A_155 = arith.constant 0 : index
    %get3A_156 = arith.constant 896 : index
    %get3A_157 = vector.load %arg3[%get3A_155, %get3A_156] : memref<1x8192xf32, #tpu.memory_space<vmem>>, vector<1x128xf32>
    %get3A_158 = vector.shape_cast %get3A_157 : vector<1x128xf32> to vector<128xf32>
    %broadcast_in_dim3A_159 = vector.shape_cast %get3A_158 : vector<128xf32> to vector<1x128xf32>
    %add3A_160 = vector.broadcast %broadcast_in_dim3A : vector<576x1xf32> to vector<576x128xf32>
    %add3A_161 = vector.broadcast %broadcast_in_dim3A_159 : vector<1x128xf32> to vector<576x128xf32>
    %add3A_162 = arith.addf %add3A_160, %add3A_161 : vector<576x128xf32>
    %slice3A_163 = vector.extract_strided_slice %dot_general3A_9 {offsets = [0, 896], sizes = [576, 128], strides = [1, 1]} : vector<576x1024xf32> to vector<576x128xf32>
    %sub3A_164 = arith.subf %add3A_162, %slice3A_163 : vector<576x128xf32>
    %lt3A_165 = arith.cmpf olt, %sub3A_164, %min3A_154 : vector<576x128xf32>
    %jit3A_166 = arith.constant 7 : i32
    %broadcast_in_dim3A_167 = vector.broadcast %jit3A_166 : i32 to vector<576x128xi32>
    %select_n3A_168 = arith.select %lt3A_165, %broadcast_in_dim3A_167, %select_n3A_153 : vector<576x128xi1>, vector<576x128xi32>
    %min3A_169 = arith.minimumf %sub3A_164, %min3A_154 : vector<576x128xf32>
    %get3A_170 = arith.constant 0 : index
    %get3A_171 = arith.constant 1024 : index
    %get3A_172 = vector.load %arg3[%get3A_170, %get3A_171] : memref<1x8192xf32, #tpu.memory_space<vmem>>, vector<1x128xf32>
    %get3A_173 = vector.shape_cast %get3A_172 : vector<1x128xf32> to vector<128xf32>
    %broadcast_in_dim3A_174 = vector.shape_cast %get3A_173 : vector<128xf32> to vector<1x128xf32>
    %add3A_175 = vector.broadcast %broadcast_in_dim3A : vector<576x1xf32> to vector<576x128xf32>
    %add3A_176 = vector.broadcast %broadcast_in_dim3A_174 : vector<1x128xf32> to vector<576x128xf32>
    %add3A_177 = arith.addf %add3A_175, %add3A_176 : vector<576x128xf32>
    %slice3A_178 = vector.extract_strided_slice %dot_general3A_15 {offsets = [0, 0], sizes = [576, 128], strides = [1, 1]} : vector<576x1024xf32> to vector<576x128xf32>
    %sub3A_179 = arith.subf %add3A_177, %slice3A_178 : vector<576x128xf32>
    %lt3A_180 = arith.cmpf olt, %sub3A_179, %min3A_169 : vector<576x128xf32>
    %jit3A_181 = arith.constant 8 : i32
    %broadcast_in_dim3A_182 = vector.broadcast %jit3A_181 : i32 to vector<576x128xi32>
    %select_n3A_183 = arith.select %lt3A_180, %broadcast_in_dim3A_182, %select_n3A_168 : vector<576x128xi1>, vector<576x128xi32>
    %min3A_184 = arith.minimumf %sub3A_179, %min3A_169 : vector<576x128xf32>
    %get3A_185 = arith.constant 0 : index
    %get3A_186 = arith.constant 1152 : index
    %get3A_187 = vector.load %arg3[%get3A_185, %get3A_186] : memref<1x8192xf32, #tpu.memory_space<vmem>>, vector<1x128xf32>
    %get3A_188 = vector.shape_cast %get3A_187 : vector<1x128xf32> to vector<128xf32>
    %broadcast_in_dim3A_189 = vector.shape_cast %get3A_188 : vector<128xf32> to vector<1x128xf32>
    %add3A_190 = vector.broadcast %broadcast_in_dim3A : vector<576x1xf32> to vector<576x128xf32>
    %add3A_191 = vector.broadcast %broadcast_in_dim3A_189 : vector<1x128xf32> to vector<576x128xf32>
    %add3A_192 = arith.addf %add3A_190, %add3A_191 : vector<576x128xf32>
    %slice3A_193 = vector.extract_strided_slice %dot_general3A_15 {offsets = [0, 128], sizes = [576, 128], strides = [1, 1]} : vector<576x1024xf32> to vector<576x128xf32>
    %sub3A_194 = arith.subf %add3A_192, %slice3A_193 : vector<576x128xf32>
    %lt3A_195 = arith.cmpf olt, %sub3A_194, %min3A_184 : vector<576x128xf32>
    %jit3A_196 = arith.constant 9 : i32
    %broadcast_in_dim3A_197 = vector.broadcast %jit3A_196 : i32 to vector<576x128xi32>
    %select_n3A_198 = arith.select %lt3A_195, %broadcast_in_dim3A_197, %select_n3A_183 : vector<576x128xi1>, vector<576x128xi32>
    %min3A_199 = arith.minimumf %sub3A_194, %min3A_184 : vector<576x128xf32>
    %get3A_200 = arith.constant 0 : index
    %get3A_201 = arith.constant 1280 : index
    %get3A_202 = vector.load %arg3[%get3A_200, %get3A_201] : memref<1x8192xf32, #tpu.memory_space<vmem>>, vector<1x128xf32>
    %get3A_203 = vector.shape_cast %get3A_202 : vector<1x128xf32> to vector<128xf32>
    %broadcast_in_dim3A_204 = vector.shape_cast %get3A_203 : vector<128xf32> to vector<1x128xf32>
    %add3A_205 = vector.broadcast %broadcast_in_dim3A : vector<576x1xf32> to vector<576x128xf32>
    %add3A_206 = vector.broadcast %broadcast_in_dim3A_204 : vector<1x128xf32> to vector<576x128xf32>
    %add3A_207 = arith.addf %add3A_205, %add3A_206 : vector<576x128xf32>
    %slice3A_208 = vector.extract_strided_slice %dot_general3A_15 {offsets = [0, 256], sizes = [576, 128], strides = [1, 1]} : vector<576x1024xf32> to vector<576x128xf32>
    %sub3A_209 = arith.subf %add3A_207, %slice3A_208 : vector<576x128xf32>
    %lt3A_210 = arith.cmpf olt, %sub3A_209, %min3A_199 : vector<576x128xf32>
    %jit3A_211 = arith.constant 10 : i32
    %broadcast_in_dim3A_212 = vector.broadcast %jit3A_211 : i32 to vector<576x128xi32>
    %select_n3A_213 = arith.select %lt3A_210, %broadcast_in_dim3A_212, %select_n3A_198 : vector<576x128xi1>, vector<576x128xi32>
    %min3A_214 = arith.minimumf %sub3A_209, %min3A_199 : vector<576x128xf32>
    %get3A_215 = arith.constant 0 : index
    %get3A_216 = arith.constant 1408 : index
    %get3A_217 = vector.load %arg3[%get3A_215, %get3A_216] : memref<1x8192xf32, #tpu.memory_space<vmem>>, vector<1x128xf32>
    %get3A_218 = vector.shape_cast %get3A_217 : vector<1x128xf32> to vector<128xf32>
    %broadcast_in_dim3A_219 = vector.shape_cast %get3A_218 : vector<128xf32> to vector<1x128xf32>
    %add3A_220 = vector.broadcast %broadcast_in_dim3A : vector<576x1xf32> to vector<576x128xf32>
    %add3A_221 = vector.broadcast %broadcast_in_dim3A_219 : vector<1x128xf32> to vector<576x128xf32>
    %add3A_222 = arith.addf %add3A_220, %add3A_221 : vector<576x128xf32>
    %slice3A_223 = vector.extract_strided_slice %dot_general3A_15 {offsets = [0, 384], sizes = [576, 128], strides = [1, 1]} : vector<576x1024xf32> to vector<576x128xf32>
    %sub3A_224 = arith.subf %add3A_222, %slice3A_223 : vector<576x128xf32>
    %lt3A_225 = arith.cmpf olt, %sub3A_224, %min3A_214 : vector<576x128xf32>
    %jit3A_226 = arith.constant 11 : i32
    %broadcast_in_dim3A_227 = vector.broadcast %jit3A_226 : i32 to vector<576x128xi32>
    %select_n3A_228 = arith.select %lt3A_225, %broadcast_in_dim3A_227, %select_n3A_213 : vector<576x128xi1>, vector<576x128xi32>
    %min3A_229 = arith.minimumf %sub3A_224, %min3A_214 : vector<576x128xf32>
    %get3A_230 = arith.constant 0 : index
    %get3A_231 = arith.constant 1536 : index
    %get3A_232 = vector.load %arg3[%get3A_230, %get3A_231] : memref<1x8192xf32, #tpu.memory_space<vmem>>, vector<1x128xf32>
    %get3A_233 = vector.shape_cast %get3A_232 : vector<1x128xf32> to vector<128xf32>
    %broadcast_in_dim3A_234 = vector.shape_cast %get3A_233 : vector<128xf32> to vector<1x128xf32>
    %add3A_235 = vector.broadcast %broadcast_in_dim3A : vector<576x1xf32> to vector<576x128xf32>
    %add3A_236 = vector.broadcast %broadcast_in_dim3A_234 : vector<1x128xf32> to vector<576x128xf32>
    %add3A_237 = arith.addf %add3A_235, %add3A_236 : vector<576x128xf32>
    %slice3A_238 = vector.extract_strided_slice %dot_general3A_15 {offsets = [0, 512], sizes = [576, 128], strides = [1, 1]} : vector<576x1024xf32> to vector<576x128xf32>
    %sub3A_239 = arith.subf %add3A_237, %slice3A_238 : vector<576x128xf32>
    %lt3A_240 = arith.cmpf olt, %sub3A_239, %min3A_229 : vector<576x128xf32>
    %jit3A_241 = arith.constant 12 : i32
    %broadcast_in_dim3A_242 = vector.broadcast %jit3A_241 : i32 to vector<576x128xi32>
    %select_n3A_243 = arith.select %lt3A_240, %broadcast_in_dim3A_242, %select_n3A_228 : vector<576x128xi1>, vector<576x128xi32>
    %min3A_244 = arith.minimumf %sub3A_239, %min3A_229 : vector<576x128xf32>
    %get3A_245 = arith.constant 0 : index
    %get3A_246 = arith.constant 1664 : index
    %get3A_247 = vector.load %arg3[%get3A_245, %get3A_246] : memref<1x8192xf32, #tpu.memory_space<vmem>>, vector<1x128xf32>
    %get3A_248 = vector.shape_cast %get3A_247 : vector<1x128xf32> to vector<128xf32>
    %broadcast_in_dim3A_249 = vector.shape_cast %get3A_248 : vector<128xf32> to vector<1x128xf32>
    %add3A_250 = vector.broadcast %broadcast_in_dim3A : vector<576x1xf32> to vector<576x128xf32>
    %add3A_251 = vector.broadcast %broadcast_in_dim3A_249 : vector<1x128xf32> to vector<576x128xf32>
    %add3A_252 = arith.addf %add3A_250, %add3A_251 : vector<576x128xf32>
    %slice3A_253 = vector.extract_strided_slice %dot_general3A_15 {offsets = [0, 640], sizes = [576, 128], strides = [1, 1]} : vector<576x1024xf32> to vector<576x128xf32>
    %sub3A_254 = arith.subf %add3A_252, %slice3A_253 : vector<576x128xf32>
    %lt3A_255 = arith.cmpf olt, %sub3A_254, %min3A_244 : vector<576x128xf32>
    %jit3A_256 = arith.constant 13 : i32
    %broadcast_in_dim3A_257 = vector.broadcast %jit3A_256 : i32 to vector<576x128xi32>
    %select_n3A_258 = arith.select %lt3A_255, %broadcast_in_dim3A_257, %select_n3A_243 : vector<576x128xi1>, vector<576x128xi32>
    %min3A_259 = arith.minimumf %sub3A_254, %min3A_244 : vector<576x128xf32>
    %get3A_260 = arith.constant 0 : index
    %get3A_261 = arith.constant 1792 : index
    %get3A_262 = vector.load %arg3[%get3A_260, %get3A_261] : memref<1x8192xf32, #tpu.memory_space<vmem>>, vector<1x128xf32>
    %get3A_263 = vector.shape_cast %get3A_262 : vector<1x128xf32> to vector<128xf32>
    %broadcast_in_dim3A_264 = vector.shape_cast %get3A_263 : vector<128xf32> to vector<1x128xf32>
    %add3A_265 = vector.broadcast %broadcast_in_dim3A : vector<576x1xf32> to vector<576x128xf32>
    %add3A_266 = vector.broadcast %broadcast_in_dim3A_264 : vector<1x128xf32> to vector<576x128xf32>
    %add3A_267 = arith.addf %add3A_265, %add3A_266 : vector<576x128xf32>
    %slice3A_268 = vector.extract_strided_slice %dot_general3A_15 {offsets = [0, 768], sizes = [576, 128], strides = [1, 1]} : vector<576x1024xf32> to vector<576x128xf32>
    %sub3A_269 = arith.subf %add3A_267, %slice3A_268 : vector<576x128xf32>
    %lt3A_270 = arith.cmpf olt, %sub3A_269, %min3A_259 : vector<576x128xf32>
    %jit3A_271 = arith.constant 14 : i32
    %broadcast_in_dim3A_272 = vector.broadcast %jit3A_271 : i32 to vector<576x128xi32>
    %select_n3A_273 = arith.select %lt3A_270, %broadcast_in_dim3A_272, %select_n3A_258 : vector<576x128xi1>, vector<576x128xi32>
    %min3A_274 = arith.minimumf %sub3A_269, %min3A_259 : vector<576x128xf32>
    %get3A_275 = arith.constant 0 : index
    %get3A_276 = arith.constant 1920 : index
    %get3A_277 = vector.load %arg3[%get3A_275, %get3A_276] : memref<1x8192xf32, #tpu.memory_space<vmem>>, vector<1x128xf32>
    %get3A_278 = vector.shape_cast %get3A_277 : vector<1x128xf32> to vector<128xf32>
    %broadcast_in_dim3A_279 = vector.shape_cast %get3A_278 : vector<128xf32> to vector<1x128xf32>
    %add3A_280 = vector.broadcast %broadcast_in_dim3A : vector<576x1xf32> to vector<576x128xf32>
    %add3A_281 = vector.broadcast %broadcast_in_dim3A_279 : vector<1x128xf32> to vector<576x128xf32>
    %add3A_282 = arith.addf %add3A_280, %add3A_281 : vector<576x128xf32>
    %slice3A_283 = vector.extract_strided_slice %dot_general3A_15 {offsets = [0, 896], sizes = [576, 128], strides = [1, 1]} : vector<576x1024xf32> to vector<576x128xf32>
    %sub3A_284 = arith.subf %add3A_282, %slice3A_283 : vector<576x128xf32>
    %lt3A_285 = arith.cmpf olt, %sub3A_284, %min3A_274 : vector<576x128xf32>
    %jit3A_286 = arith.constant 15 : i32
    %broadcast_in_dim3A_287 = vector.broadcast %jit3A_286 : i32 to vector<576x128xi32>
    %select_n3A_288 = arith.select %lt3A_285, %broadcast_in_dim3A_287, %select_n3A_273 : vector<576x128xi1>, vector<576x128xi32>
    %min3A_289 = arith.minimumf %sub3A_284, %min3A_274 : vector<576x128xf32>
    %get3A_290 = arith.constant 0 : index
    %get3A_291 = arith.constant 2048 : index
    %get3A_292 = vector.load %arg3[%get3A_290, %get3A_291] : memref<1x8192xf32, #tpu.memory_space<vmem>>, vector<1x128xf32>
    %get3A_293 = vector.shape_cast %get3A_292 : vector<1x128xf32> to vector<128xf32>
    %broadcast_in_dim3A_294 = vector.shape_cast %get3A_293 : vector<128xf32> to vector<1x128xf32>
    %add3A_295 = vector.broadcast %broadcast_in_dim3A : vector<576x1xf32> to vector<576x128xf32>
    %add3A_296 = vector.broadcast %broadcast_in_dim3A_294 : vector<1x128xf32> to vector<576x128xf32>
    %add3A_297 = arith.addf %add3A_295, %add3A_296 : vector<576x128xf32>
    %slice3A_298 = vector.extract_strided_slice %dot_general3A_21 {offsets = [0, 0], sizes = [576, 128], strides = [1, 1]} : vector<576x1024xf32> to vector<576x128xf32>
    %sub3A_299 = arith.subf %add3A_297, %slice3A_298 : vector<576x128xf32>
    %lt3A_300 = arith.cmpf olt, %sub3A_299, %min3A_289 : vector<576x128xf32>
    %jit3A_301 = arith.constant 16 : i32
    %broadcast_in_dim3A_302 = vector.broadcast %jit3A_301 : i32 to vector<576x128xi32>
    %select_n3A_303 = arith.select %lt3A_300, %broadcast_in_dim3A_302, %select_n3A_288 : vector<576x128xi1>, vector<576x128xi32>
    %min3A_304 = arith.minimumf %sub3A_299, %min3A_289 : vector<576x128xf32>
    %get3A_305 = arith.constant 0 : index
    %get3A_306 = arith.constant 2176 : index
    %get3A_307 = vector.load %arg3[%get3A_305, %get3A_306] : memref<1x8192xf32, #tpu.memory_space<vmem>>, vector<1x128xf32>
    %get3A_308 = vector.shape_cast %get3A_307 : vector<1x128xf32> to vector<128xf32>
    %broadcast_in_dim3A_309 = vector.shape_cast %get3A_308 : vector<128xf32> to vector<1x128xf32>
    %add3A_310 = vector.broadcast %broadcast_in_dim3A : vector<576x1xf32> to vector<576x128xf32>
    %add3A_311 = vector.broadcast %broadcast_in_dim3A_309 : vector<1x128xf32> to vector<576x128xf32>
    %add3A_312 = arith.addf %add3A_310, %add3A_311 : vector<576x128xf32>
    %slice3A_313 = vector.extract_strided_slice %dot_general3A_21 {offsets = [0, 128], sizes = [576, 128], strides = [1, 1]} : vector<576x1024xf32> to vector<576x128xf32>
    %sub3A_314 = arith.subf %add3A_312, %slice3A_313 : vector<576x128xf32>
    %lt3A_315 = arith.cmpf olt, %sub3A_314, %min3A_304 : vector<576x128xf32>
    %jit3A_316 = arith.constant 17 : i32
    %broadcast_in_dim3A_317 = vector.broadcast %jit3A_316 : i32 to vector<576x128xi32>
    %select_n3A_318 = arith.select %lt3A_315, %broadcast_in_dim3A_317, %select_n3A_303 : vector<576x128xi1>, vector<576x128xi32>
    %min3A_319 = arith.minimumf %sub3A_314, %min3A_304 : vector<576x128xf32>
    %get3A_320 = arith.constant 0 : index
    %get3A_321 = arith.constant 2304 : index
    %get3A_322 = vector.load %arg3[%get3A_320, %get3A_321] : memref<1x8192xf32, #tpu.memory_space<vmem>>, vector<1x128xf32>
    %get3A_323 = vector.shape_cast %get3A_322 : vector<1x128xf32> to vector<128xf32>
    %broadcast_in_dim3A_324 = vector.shape_cast %get3A_323 : vector<128xf32> to vector<1x128xf32>
    %add3A_325 = vector.broadcast %broadcast_in_dim3A : vector<576x1xf32> to vector<576x128xf32>
    %add3A_326 = vector.broadcast %broadcast_in_dim3A_324 : vector<1x128xf32> to vector<576x128xf32>
    %add3A_327 = arith.addf %add3A_325, %add3A_326 : vector<576x128xf32>
    %slice3A_328 = vector.extract_strided_slice %dot_general3A_21 {offsets = [0, 256], sizes = [576, 128], strides = [1, 1]} : vector<576x1024xf32> to vector<576x128xf32>
    %sub3A_329 = arith.subf %add3A_327, %slice3A_328 : vector<576x128xf32>
    %lt3A_330 = arith.cmpf olt, %sub3A_329, %min3A_319 : vector<576x128xf32>
    %jit3A_331 = arith.constant 18 : i32
    %broadcast_in_dim3A_332 = vector.broadcast %jit3A_331 : i32 to vector<576x128xi32>
    %select_n3A_333 = arith.select %lt3A_330, %broadcast_in_dim3A_332, %select_n3A_318 : vector<576x128xi1>, vector<576x128xi32>
    %min3A_334 = arith.minimumf %sub3A_329, %min3A_319 : vector<576x128xf32>
    %get3A_335 = arith.constant 0 : index
    %get3A_336 = arith.constant 2432 : index
    %get3A_337 = vector.load %arg3[%get3A_335, %get3A_336] : memref<1x8192xf32, #tpu.memory_space<vmem>>, vector<1x128xf32>
    %get3A_338 = vector.shape_cast %get3A_337 : vector<1x128xf32> to vector<128xf32>
    %broadcast_in_dim3A_339 = vector.shape_cast %get3A_338 : vector<128xf32> to vector<1x128xf32>
    %add3A_340 = vector.broadcast %broadcast_in_dim3A : vector<576x1xf32> to vector<576x128xf32>
    %add3A_341 = vector.broadcast %broadcast_in_dim3A_339 : vector<1x128xf32> to vector<576x128xf32>
    %add3A_342 = arith.addf %add3A_340, %add3A_341 : vector<576x128xf32>
    %slice3A_343 = vector.extract_strided_slice %dot_general3A_21 {offsets = [0, 384], sizes = [576, 128], strides = [1, 1]} : vector<576x1024xf32> to vector<576x128xf32>
    %sub3A_344 = arith.subf %add3A_342, %slice3A_343 : vector<576x128xf32>
    %lt3A_345 = arith.cmpf olt, %sub3A_344, %min3A_334 : vector<576x128xf32>
    %jit3A_346 = arith.constant 19 : i32
    %broadcast_in_dim3A_347 = vector.broadcast %jit3A_346 : i32 to vector<576x128xi32>
    %select_n3A_348 = arith.select %lt3A_345, %broadcast_in_dim3A_347, %select_n3A_333 : vector<576x128xi1>, vector<576x128xi32>
    %min3A_349 = arith.minimumf %sub3A_344, %min3A_334 : vector<576x128xf32>
    %get3A_350 = arith.constant 0 : index
    %get3A_351 = arith.constant 2560 : index
    %get3A_352 = vector.load %arg3[%get3A_350, %get3A_351] : memref<1x8192xf32, #tpu.memory_space<vmem>>, vector<1x128xf32>
    %get3A_353 = vector.shape_cast %get3A_352 : vector<1x128xf32> to vector<128xf32>
    %broadcast_in_dim3A_354 = vector.shape_cast %get3A_353 : vector<128xf32> to vector<1x128xf32>
    %add3A_355 = vector.broadcast %broadcast_in_dim3A : vector<576x1xf32> to vector<576x128xf32>
    %add3A_356 = vector.broadcast %broadcast_in_dim3A_354 : vector<1x128xf32> to vector<576x128xf32>
    %add3A_357 = arith.addf %add3A_355, %add3A_356 : vector<576x128xf32>
    %slice3A_358 = vector.extract_strided_slice %dot_general3A_21 {offsets = [0, 512], sizes = [576, 128], strides = [1, 1]} : vector<576x1024xf32> to vector<576x128xf32>
    %sub3A_359 = arith.subf %add3A_357, %slice3A_358 : vector<576x128xf32>
    %lt3A_360 = arith.cmpf olt, %sub3A_359, %min3A_349 : vector<576x128xf32>
    %jit3A_361 = arith.constant 20 : i32
    %broadcast_in_dim3A_362 = vector.broadcast %jit3A_361 : i32 to vector<576x128xi32>
    %select_n3A_363 = arith.select %lt3A_360, %broadcast_in_dim3A_362, %select_n3A_348 : vector<576x128xi1>, vector<576x128xi32>
    %min3A_364 = arith.minimumf %sub3A_359, %min3A_349 : vector<576x128xf32>
    %get3A_365 = arith.constant 0 : index
    %get3A_366 = arith.constant 2688 : index
    %get3A_367 = vector.load %arg3[%get3A_365, %get3A_366] : memref<1x8192xf32, #tpu.memory_space<vmem>>, vector<1x128xf32>
    %get3A_368 = vector.shape_cast %get3A_367 : vector<1x128xf32> to vector<128xf32>
    %broadcast_in_dim3A_369 = vector.shape_cast %get3A_368 : vector<128xf32> to vector<1x128xf32>
    %add3A_370 = vector.broadcast %broadcast_in_dim3A : vector<576x1xf32> to vector<576x128xf32>
    %add3A_371 = vector.broadcast %broadcast_in_dim3A_369 : vector<1x128xf32> to vector<576x128xf32>
    %add3A_372 = arith.addf %add3A_370, %add3A_371 : vector<576x128xf32>
    %slice3A_373 = vector.extract_strided_slice %dot_general3A_21 {offsets = [0, 640], sizes = [576, 128], strides = [1, 1]} : vector<576x1024xf32> to vector<576x128xf32>
    %sub3A_374 = arith.subf %add3A_372, %slice3A_373 : vector<576x128xf32>
    %lt3A_375 = arith.cmpf olt, %sub3A_374, %min3A_364 : vector<576x128xf32>
    %jit3A_376 = arith.constant 21 : i32
    %broadcast_in_dim3A_377 = vector.broadcast %jit3A_376 : i32 to vector<576x128xi32>
    %select_n3A_378 = arith.select %lt3A_375, %broadcast_in_dim3A_377, %select_n3A_363 : vector<576x128xi1>, vector<576x128xi32>
    %min3A_379 = arith.minimumf %sub3A_374, %min3A_364 : vector<576x128xf32>
    %get3A_380 = arith.constant 0 : index
    %get3A_381 = arith.constant 2816 : index
    %get3A_382 = vector.load %arg3[%get3A_380, %get3A_381] : memref<1x8192xf32, #tpu.memory_space<vmem>>, vector<1x128xf32>
    %get3A_383 = vector.shape_cast %get3A_382 : vector<1x128xf32> to vector<128xf32>
    %broadcast_in_dim3A_384 = vector.shape_cast %get3A_383 : vector<128xf32> to vector<1x128xf32>
    %add3A_385 = vector.broadcast %broadcast_in_dim3A : vector<576x1xf32> to vector<576x128xf32>
    %add3A_386 = vector.broadcast %broadcast_in_dim3A_384 : vector<1x128xf32> to vector<576x128xf32>
    %add3A_387 = arith.addf %add3A_385, %add3A_386 : vector<576x128xf32>
    %slice3A_388 = vector.extract_strided_slice %dot_general3A_21 {offsets = [0, 768], sizes = [576, 128], strides = [1, 1]} : vector<576x1024xf32> to vector<576x128xf32>
    %sub3A_389 = arith.subf %add3A_387, %slice3A_388 : vector<576x128xf32>
    %lt3A_390 = arith.cmpf olt, %sub3A_389, %min3A_379 : vector<576x128xf32>
    %jit3A_391 = arith.constant 22 : i32
    %broadcast_in_dim3A_392 = vector.broadcast %jit3A_391 : i32 to vector<576x128xi32>
    %select_n3A_393 = arith.select %lt3A_390, %broadcast_in_dim3A_392, %select_n3A_378 : vector<576x128xi1>, vector<576x128xi32>
    %min3A_394 = arith.minimumf %sub3A_389, %min3A_379 : vector<576x128xf32>
    %get3A_395 = arith.constant 0 : index
    %get3A_396 = arith.constant 2944 : index
    %get3A_397 = vector.load %arg3[%get3A_395, %get3A_396] : memref<1x8192xf32, #tpu.memory_space<vmem>>, vector<1x128xf32>
    %get3A_398 = vector.shape_cast %get3A_397 : vector<1x128xf32> to vector<128xf32>
    %broadcast_in_dim3A_399 = vector.shape_cast %get3A_398 : vector<128xf32> to vector<1x128xf32>
    %add3A_400 = vector.broadcast %broadcast_in_dim3A : vector<576x1xf32> to vector<576x128xf32>
    %add3A_401 = vector.broadcast %broadcast_in_dim3A_399 : vector<1x128xf32> to vector<576x128xf32>
    %add3A_402 = arith.addf %add3A_400, %add3A_401 : vector<576x128xf32>
    %slice3A_403 = vector.extract_strided_slice %dot_general3A_21 {offsets = [0, 896], sizes = [576, 128], strides = [1, 1]} : vector<576x1024xf32> to vector<576x128xf32>
    %sub3A_404 = arith.subf %add3A_402, %slice3A_403 : vector<576x128xf32>
    %lt3A_405 = arith.cmpf olt, %sub3A_404, %min3A_394 : vector<576x128xf32>
    %jit3A_406 = arith.constant 23 : i32
    %broadcast_in_dim3A_407 = vector.broadcast %jit3A_406 : i32 to vector<576x128xi32>
    %select_n3A_408 = arith.select %lt3A_405, %broadcast_in_dim3A_407, %select_n3A_393 : vector<576x128xi1>, vector<576x128xi32>
    %min3A_409 = arith.minimumf %sub3A_404, %min3A_394 : vector<576x128xf32>
    %get3A_410 = arith.constant 0 : index
    %get3A_411 = arith.constant 3072 : index
    %get3A_412 = vector.load %arg3[%get3A_410, %get3A_411] : memref<1x8192xf32, #tpu.memory_space<vmem>>, vector<1x128xf32>
    %get3A_413 = vector.shape_cast %get3A_412 : vector<1x128xf32> to vector<128xf32>
    %broadcast_in_dim3A_414 = vector.shape_cast %get3A_413 : vector<128xf32> to vector<1x128xf32>
    %add3A_415 = vector.broadcast %broadcast_in_dim3A : vector<576x1xf32> to vector<576x128xf32>
    %add3A_416 = vector.broadcast %broadcast_in_dim3A_414 : vector<1x128xf32> to vector<576x128xf32>
    %add3A_417 = arith.addf %add3A_415, %add3A_416 : vector<576x128xf32>
    %slice3A_418 = vector.extract_strided_slice %dot_general3A_27 {offsets = [0, 0], sizes = [576, 128], strides = [1, 1]} : vector<576x1024xf32> to vector<576x128xf32>
    %sub3A_419 = arith.subf %add3A_417, %slice3A_418 : vector<576x128xf32>
    %lt3A_420 = arith.cmpf olt, %sub3A_419, %min3A_409 : vector<576x128xf32>
    %jit3A_421 = arith.constant 24 : i32
    %broadcast_in_dim3A_422 = vector.broadcast %jit3A_421 : i32 to vector<576x128xi32>
    %select_n3A_423 = arith.select %lt3A_420, %broadcast_in_dim3A_422, %select_n3A_408 : vector<576x128xi1>, vector<576x128xi32>
    %min3A_424 = arith.minimumf %sub3A_419, %min3A_409 : vector<576x128xf32>
    %get3A_425 = arith.constant 0 : index
    %get3A_426 = arith.constant 3200 : index
    %get3A_427 = vector.load %arg3[%get3A_425, %get3A_426] : memref<1x8192xf32, #tpu.memory_space<vmem>>, vector<1x128xf32>
    %get3A_428 = vector.shape_cast %get3A_427 : vector<1x128xf32> to vector<128xf32>
    %broadcast_in_dim3A_429 = vector.shape_cast %get3A_428 : vector<128xf32> to vector<1x128xf32>
    %add3A_430 = vector.broadcast %broadcast_in_dim3A : vector<576x1xf32> to vector<576x128xf32>
    %add3A_431 = vector.broadcast %broadcast_in_dim3A_429 : vector<1x128xf32> to vector<576x128xf32>
    %add3A_432 = arith.addf %add3A_430, %add3A_431 : vector<576x128xf32>
    %slice3A_433 = vector.extract_strided_slice %dot_general3A_27 {offsets = [0, 128], sizes = [576, 128], strides = [1, 1]} : vector<576x1024xf32> to vector<576x128xf32>
    %sub3A_434 = arith.subf %add3A_432, %slice3A_433 : vector<576x128xf32>
    %lt3A_435 = arith.cmpf olt, %sub3A_434, %min3A_424 : vector<576x128xf32>
    %jit3A_436 = arith.constant 25 : i32
    %broadcast_in_dim3A_437 = vector.broadcast %jit3A_436 : i32 to vector<576x128xi32>
    %select_n3A_438 = arith.select %lt3A_435, %broadcast_in_dim3A_437, %select_n3A_423 : vector<576x128xi1>, vector<576x128xi32>
    %min3A_439 = arith.minimumf %sub3A_434, %min3A_424 : vector<576x128xf32>
    %get3A_440 = arith.constant 0 : index
    %get3A_441 = arith.constant 3328 : index
    %get3A_442 = vector.load %arg3[%get3A_440, %get3A_441] : memref<1x8192xf32, #tpu.memory_space<vmem>>, vector<1x128xf32>
    %get3A_443 = vector.shape_cast %get3A_442 : vector<1x128xf32> to vector<128xf32>
    %broadcast_in_dim3A_444 = vector.shape_cast %get3A_443 : vector<128xf32> to vector<1x128xf32>
    %add3A_445 = vector.broadcast %broadcast_in_dim3A : vector<576x1xf32> to vector<576x128xf32>
    %add3A_446 = vector.broadcast %broadcast_in_dim3A_444 : vector<1x128xf32> to vector<576x128xf32>
    %add3A_447 = arith.addf %add3A_445, %add3A_446 : vector<576x128xf32>
    %slice3A_448 = vector.extract_strided_slice %dot_general3A_27 {offsets = [0, 256], sizes = [576, 128], strides = [1, 1]} : vector<576x1024xf32> to vector<576x128xf32>
    %sub3A_449 = arith.subf %add3A_447, %slice3A_448 : vector<576x128xf32>
    %lt3A_450 = arith.cmpf olt, %sub3A_449, %min3A_439 : vector<576x128xf32>
    %jit3A_451 = arith.constant 26 : i32
    %broadcast_in_dim3A_452 = vector.broadcast %jit3A_451 : i32 to vector<576x128xi32>
    %select_n3A_453 = arith.select %lt3A_450, %broadcast_in_dim3A_452, %select_n3A_438 : vector<576x128xi1>, vector<576x128xi32>
    %min3A_454 = arith.minimumf %sub3A_449, %min3A_439 : vector<576x128xf32>
    %get3A_455 = arith.constant 0 : index
    %get3A_456 = arith.constant 3456 : index
    %get3A_457 = vector.load %arg3[%get3A_455, %get3A_456] : memref<1x8192xf32, #tpu.memory_space<vmem>>, vector<1x128xf32>
    %get3A_458 = vector.shape_cast %get3A_457 : vector<1x128xf32> to vector<128xf32>
    %broadcast_in_dim3A_459 = vector.shape_cast %get3A_458 : vector<128xf32> to vector<1x128xf32>
    %add3A_460 = vector.broadcast %broadcast_in_dim3A : vector<576x1xf32> to vector<576x128xf32>
    %add3A_461 = vector.broadcast %broadcast_in_dim3A_459 : vector<1x128xf32> to vector<576x128xf32>
    %add3A_462 = arith.addf %add3A_460, %add3A_461 : vector<576x128xf32>
    %slice3A_463 = vector.extract_strided_slice %dot_general3A_27 {offsets = [0, 384], sizes = [576, 128], strides = [1, 1]} : vector<576x1024xf32> to vector<576x128xf32>
    %sub3A_464 = arith.subf %add3A_462, %slice3A_463 : vector<576x128xf32>
    %lt3A_465 = arith.cmpf olt, %sub3A_464, %min3A_454 : vector<576x128xf32>
    %jit3A_466 = arith.constant 27 : i32
    %broadcast_in_dim3A_467 = vector.broadcast %jit3A_466 : i32 to vector<576x128xi32>
    %select_n3A_468 = arith.select %lt3A_465, %broadcast_in_dim3A_467, %select_n3A_453 : vector<576x128xi1>, vector<576x128xi32>
    %min3A_469 = arith.minimumf %sub3A_464, %min3A_454 : vector<576x128xf32>
    %get3A_470 = arith.constant 0 : index
    %get3A_471 = arith.constant 3584 : index
    %get3A_472 = vector.load %arg3[%get3A_470, %get3A_471] : memref<1x8192xf32, #tpu.memory_space<vmem>>, vector<1x128xf32>
    %get3A_473 = vector.shape_cast %get3A_472 : vector<1x128xf32> to vector<128xf32>
    %broadcast_in_dim3A_474 = vector.shape_cast %get3A_473 : vector<128xf32> to vector<1x128xf32>
    %add3A_475 = vector.broadcast %broadcast_in_dim3A : vector<576x1xf32> to vector<576x128xf32>
    %add3A_476 = vector.broadcast %broadcast_in_dim3A_474 : vector<1x128xf32> to vector<576x128xf32>
    %add3A_477 = arith.addf %add3A_475, %add3A_476 : vector<576x128xf32>
    %slice3A_478 = vector.extract_strided_slice %dot_general3A_27 {offsets = [0, 512], sizes = [576, 128], strides = [1, 1]} : vector<576x1024xf32> to vector<576x128xf32>
    %sub3A_479 = arith.subf %add3A_477, %slice3A_478 : vector<576x128xf32>
    %lt3A_480 = arith.cmpf olt, %sub3A_479, %min3A_469 : vector<576x128xf32>
    %jit3A_481 = arith.constant 28 : i32
    %broadcast_in_dim3A_482 = vector.broadcast %jit3A_481 : i32 to vector<576x128xi32>
    %select_n3A_483 = arith.select %lt3A_480, %broadcast_in_dim3A_482, %select_n3A_468 : vector<576x128xi1>, vector<576x128xi32>
    %min3A_484 = arith.minimumf %sub3A_479, %min3A_469 : vector<576x128xf32>
    %get3A_485 = arith.constant 0 : index
    %get3A_486 = arith.constant 3712 : index
    %get3A_487 = vector.load %arg3[%get3A_485, %get3A_486] : memref<1x8192xf32, #tpu.memory_space<vmem>>, vector<1x128xf32>
    %get3A_488 = vector.shape_cast %get3A_487 : vector<1x128xf32> to vector<128xf32>
    %broadcast_in_dim3A_489 = vector.shape_cast %get3A_488 : vector<128xf32> to vector<1x128xf32>
    %add3A_490 = vector.broadcast %broadcast_in_dim3A : vector<576x1xf32> to vector<576x128xf32>
    %add3A_491 = vector.broadcast %broadcast_in_dim3A_489 : vector<1x128xf32> to vector<576x128xf32>
    %add3A_492 = arith.addf %add3A_490, %add3A_491 : vector<576x128xf32>
    %slice3A_493 = vector.extract_strided_slice %dot_general3A_27 {offsets = [0, 640], sizes = [576, 128], strides = [1, 1]} : vector<576x1024xf32> to vector<576x128xf32>
    %sub3A_494 = arith.subf %add3A_492, %slice3A_493 : vector<576x128xf32>
    %lt3A_495 = arith.cmpf olt, %sub3A_494, %min3A_484 : vector<576x128xf32>
    %jit3A_496 = arith.constant 29 : i32
    %broadcast_in_dim3A_497 = vector.broadcast %jit3A_496 : i32 to vector<576x128xi32>
    %select_n3A_498 = arith.select %lt3A_495, %broadcast_in_dim3A_497, %select_n3A_483 : vector<576x128xi1>, vector<576x128xi32>
    %min3A_499 = arith.minimumf %sub3A_494, %min3A_484 : vector<576x128xf32>
    %get3A_500 = arith.constant 0 : index
    %get3A_501 = arith.constant 3840 : index
    %get3A_502 = vector.load %arg3[%get3A_500, %get3A_501] : memref<1x8192xf32, #tpu.memory_space<vmem>>, vector<1x128xf32>
    %get3A_503 = vector.shape_cast %get3A_502 : vector<1x128xf32> to vector<128xf32>
    %broadcast_in_dim3A_504 = vector.shape_cast %get3A_503 : vector<128xf32> to vector<1x128xf32>
    %add3A_505 = vector.broadcast %broadcast_in_dim3A : vector<576x1xf32> to vector<576x128xf32>
    %add3A_506 = vector.broadcast %broadcast_in_dim3A_504 : vector<1x128xf32> to vector<576x128xf32>
    %add3A_507 = arith.addf %add3A_505, %add3A_506 : vector<576x128xf32>
    %slice3A_508 = vector.extract_strided_slice %dot_general3A_27 {offsets = [0, 768], sizes = [576, 128], strides = [1, 1]} : vector<576x1024xf32> to vector<576x128xf32>
    %sub3A_509 = arith.subf %add3A_507, %slice3A_508 : vector<576x128xf32>
    %lt3A_510 = arith.cmpf olt, %sub3A_509, %min3A_499 : vector<576x128xf32>
    %jit3A_511 = arith.constant 30 : i32
    %broadcast_in_dim3A_512 = vector.broadcast %jit3A_511 : i32 to vector<576x128xi32>
    %select_n3A_513 = arith.select %lt3A_510, %broadcast_in_dim3A_512, %select_n3A_498 : vector<576x128xi1>, vector<576x128xi32>
    %min3A_514 = arith.minimumf %sub3A_509, %min3A_499 : vector<576x128xf32>
    %get3A_515 = arith.constant 0 : index
    %get3A_516 = arith.constant 3968 : index
    %get3A_517 = vector.load %arg3[%get3A_515, %get3A_516] : memref<1x8192xf32, #tpu.memory_space<vmem>>, vector<1x128xf32>
    %get3A_518 = vector.shape_cast %get3A_517 : vector<1x128xf32> to vector<128xf32>
    %broadcast_in_dim3A_519 = vector.shape_cast %get3A_518 : vector<128xf32> to vector<1x128xf32>
    %add3A_520 = vector.broadcast %broadcast_in_dim3A : vector<576x1xf32> to vector<576x128xf32>
    %add3A_521 = vector.broadcast %broadcast_in_dim3A_519 : vector<1x128xf32> to vector<576x128xf32>
    %add3A_522 = arith.addf %add3A_520, %add3A_521 : vector<576x128xf32>
    %slice3A_523 = vector.extract_strided_slice %dot_general3A_27 {offsets = [0, 896], sizes = [576, 128], strides = [1, 1]} : vector<576x1024xf32> to vector<576x128xf32>
    %sub3A_524 = arith.subf %add3A_522, %slice3A_523 : vector<576x128xf32>
    %lt3A_525 = arith.cmpf olt, %sub3A_524, %min3A_514 : vector<576x128xf32>
    %jit3A_526 = arith.constant 31 : i32
    %broadcast_in_dim3A_527 = vector.broadcast %jit3A_526 : i32 to vector<576x128xi32>
    %select_n3A_528 = arith.select %lt3A_525, %broadcast_in_dim3A_527, %select_n3A_513 : vector<576x128xi1>, vector<576x128xi32>
    %min3A_529 = arith.minimumf %sub3A_524, %min3A_514 : vector<576x128xf32>
    %get3A_530 = arith.constant 0 : index
    %get3A_531 = arith.constant 4096 : index
    %get3A_532 = vector.load %arg3[%get3A_530, %get3A_531] : memref<1x8192xf32, #tpu.memory_space<vmem>>, vector<1x128xf32>
    %get3A_533 = vector.shape_cast %get3A_532 : vector<1x128xf32> to vector<128xf32>
    %broadcast_in_dim3A_534 = vector.shape_cast %get3A_533 : vector<128xf32> to vector<1x128xf32>
    %add3A_535 = vector.broadcast %broadcast_in_dim3A : vector<576x1xf32> to vector<576x128xf32>
    %add3A_536 = vector.broadcast %broadcast_in_dim3A_534 : vector<1x128xf32> to vector<576x128xf32>
    %add3A_537 = arith.addf %add3A_535, %add3A_536 : vector<576x128xf32>
    %slice3A_538 = vector.extract_strided_slice %dot_general3A_33 {offsets = [0, 0], sizes = [576, 128], strides = [1, 1]} : vector<576x1024xf32> to vector<576x128xf32>
    %sub3A_539 = arith.subf %add3A_537, %slice3A_538 : vector<576x128xf32>
    %lt3A_540 = arith.cmpf olt, %sub3A_539, %min3A_529 : vector<576x128xf32>
    %jit3A_541 = arith.constant 32 : i32
    %broadcast_in_dim3A_542 = vector.broadcast %jit3A_541 : i32 to vector<576x128xi32>
    %select_n3A_543 = arith.select %lt3A_540, %broadcast_in_dim3A_542, %select_n3A_528 : vector<576x128xi1>, vector<576x128xi32>
    %min3A_544 = arith.minimumf %sub3A_539, %min3A_529 : vector<576x128xf32>
    %get3A_545 = arith.constant 0 : index
    %get3A_546 = arith.constant 4224 : index
    %get3A_547 = vector.load %arg3[%get3A_545, %get3A_546] : memref<1x8192xf32, #tpu.memory_space<vmem>>, vector<1x128xf32>
    %get3A_548 = vector.shape_cast %get3A_547 : vector<1x128xf32> to vector<128xf32>
    %broadcast_in_dim3A_549 = vector.shape_cast %get3A_548 : vector<128xf32> to vector<1x128xf32>
    %add3A_550 = vector.broadcast %broadcast_in_dim3A : vector<576x1xf32> to vector<576x128xf32>
    %add3A_551 = vector.broadcast %broadcast_in_dim3A_549 : vector<1x128xf32> to vector<576x128xf32>
    %add3A_552 = arith.addf %add3A_550, %add3A_551 : vector<576x128xf32>
    %slice3A_553 = vector.extract_strided_slice %dot_general3A_33 {offsets = [0, 128], sizes = [576, 128], strides = [1, 1]} : vector<576x1024xf32> to vector<576x128xf32>
    %sub3A_554 = arith.subf %add3A_552, %slice3A_553 : vector<576x128xf32>
    %lt3A_555 = arith.cmpf olt, %sub3A_554, %min3A_544 : vector<576x128xf32>
    %jit3A_556 = arith.constant 33 : i32
    %broadcast_in_dim3A_557 = vector.broadcast %jit3A_556 : i32 to vector<576x128xi32>
    %select_n3A_558 = arith.select %lt3A_555, %broadcast_in_dim3A_557, %select_n3A_543 : vector<576x128xi1>, vector<576x128xi32>
    %min3A_559 = arith.minimumf %sub3A_554, %min3A_544 : vector<576x128xf32>
    %get3A_560 = arith.constant 0 : index
    %get3A_561 = arith.constant 4352 : index
    %get3A_562 = vector.load %arg3[%get3A_560, %get3A_561] : memref<1x8192xf32, #tpu.memory_space<vmem>>, vector<1x128xf32>
    %get3A_563 = vector.shape_cast %get3A_562 : vector<1x128xf32> to vector<128xf32>
    %broadcast_in_dim3A_564 = vector.shape_cast %get3A_563 : vector<128xf32> to vector<1x128xf32>
    %add3A_565 = vector.broadcast %broadcast_in_dim3A : vector<576x1xf32> to vector<576x128xf32>
    %add3A_566 = vector.broadcast %broadcast_in_dim3A_564 : vector<1x128xf32> to vector<576x128xf32>
    %add3A_567 = arith.addf %add3A_565, %add3A_566 : vector<576x128xf32>
    %slice3A_568 = vector.extract_strided_slice %dot_general3A_33 {offsets = [0, 256], sizes = [576, 128], strides = [1, 1]} : vector<576x1024xf32> to vector<576x128xf32>
    %sub3A_569 = arith.subf %add3A_567, %slice3A_568 : vector<576x128xf32>
    %lt3A_570 = arith.cmpf olt, %sub3A_569, %min3A_559 : vector<576x128xf32>
    %jit3A_571 = arith.constant 34 : i32
    %broadcast_in_dim3A_572 = vector.broadcast %jit3A_571 : i32 to vector<576x128xi32>
    %select_n3A_573 = arith.select %lt3A_570, %broadcast_in_dim3A_572, %select_n3A_558 : vector<576x128xi1>, vector<576x128xi32>
    %min3A_574 = arith.minimumf %sub3A_569, %min3A_559 : vector<576x128xf32>
    %get3A_575 = arith.constant 0 : index
    %get3A_576 = arith.constant 4480 : index
    %get3A_577 = vector.load %arg3[%get3A_575, %get3A_576] : memref<1x8192xf32, #tpu.memory_space<vmem>>, vector<1x128xf32>
    %get3A_578 = vector.shape_cast %get3A_577 : vector<1x128xf32> to vector<128xf32>
    %broadcast_in_dim3A_579 = vector.shape_cast %get3A_578 : vector<128xf32> to vector<1x128xf32>
    %add3A_580 = vector.broadcast %broadcast_in_dim3A : vector<576x1xf32> to vector<576x128xf32>
    %add3A_581 = vector.broadcast %broadcast_in_dim3A_579 : vector<1x128xf32> to vector<576x128xf32>
    %add3A_582 = arith.addf %add3A_580, %add3A_581 : vector<576x128xf32>
    %slice3A_583 = vector.extract_strided_slice %dot_general3A_33 {offsets = [0, 384], sizes = [576, 128], strides = [1, 1]} : vector<576x1024xf32> to vector<576x128xf32>
    %sub3A_584 = arith.subf %add3A_582, %slice3A_583 : vector<576x128xf32>
    %lt3A_585 = arith.cmpf olt, %sub3A_584, %min3A_574 : vector<576x128xf32>
    %jit3A_586 = arith.constant 35 : i32
    %broadcast_in_dim3A_587 = vector.broadcast %jit3A_586 : i32 to vector<576x128xi32>
    %select_n3A_588 = arith.select %lt3A_585, %broadcast_in_dim3A_587, %select_n3A_573 : vector<576x128xi1>, vector<576x128xi32>
    %min3A_589 = arith.minimumf %sub3A_584, %min3A_574 : vector<576x128xf32>
    %get3A_590 = arith.constant 0 : index
    %get3A_591 = arith.constant 4608 : index
    %get3A_592 = vector.load %arg3[%get3A_590, %get3A_591] : memref<1x8192xf32, #tpu.memory_space<vmem>>, vector<1x128xf32>
    %get3A_593 = vector.shape_cast %get3A_592 : vector<1x128xf32> to vector<128xf32>
    %broadcast_in_dim3A_594 = vector.shape_cast %get3A_593 : vector<128xf32> to vector<1x128xf32>
    %add3A_595 = vector.broadcast %broadcast_in_dim3A : vector<576x1xf32> to vector<576x128xf32>
    %add3A_596 = vector.broadcast %broadcast_in_dim3A_594 : vector<1x128xf32> to vector<576x128xf32>
    %add3A_597 = arith.addf %add3A_595, %add3A_596 : vector<576x128xf32>
    %slice3A_598 = vector.extract_strided_slice %dot_general3A_33 {offsets = [0, 512], sizes = [576, 128], strides = [1, 1]} : vector<576x1024xf32> to vector<576x128xf32>
    %sub3A_599 = arith.subf %add3A_597, %slice3A_598 : vector<576x128xf32>
    %lt3A_600 = arith.cmpf olt, %sub3A_599, %min3A_589 : vector<576x128xf32>
    %jit3A_601 = arith.constant 36 : i32
    %broadcast_in_dim3A_602 = vector.broadcast %jit3A_601 : i32 to vector<576x128xi32>
    %select_n3A_603 = arith.select %lt3A_600, %broadcast_in_dim3A_602, %select_n3A_588 : vector<576x128xi1>, vector<576x128xi32>
    %min3A_604 = arith.minimumf %sub3A_599, %min3A_589 : vector<576x128xf32>
    %get3A_605 = arith.constant 0 : index
    %get3A_606 = arith.constant 4736 : index
    %get3A_607 = vector.load %arg3[%get3A_605, %get3A_606] : memref<1x8192xf32, #tpu.memory_space<vmem>>, vector<1x128xf32>
    %get3A_608 = vector.shape_cast %get3A_607 : vector<1x128xf32> to vector<128xf32>
    %broadcast_in_dim3A_609 = vector.shape_cast %get3A_608 : vector<128xf32> to vector<1x128xf32>
    %add3A_610 = vector.broadcast %broadcast_in_dim3A : vector<576x1xf32> to vector<576x128xf32>
    %add3A_611 = vector.broadcast %broadcast_in_dim3A_609 : vector<1x128xf32> to vector<576x128xf32>
    %add3A_612 = arith.addf %add3A_610, %add3A_611 : vector<576x128xf32>
    %slice3A_613 = vector.extract_strided_slice %dot_general3A_33 {offsets = [0, 640], sizes = [576, 128], strides = [1, 1]} : vector<576x1024xf32> to vector<576x128xf32>
    %sub3A_614 = arith.subf %add3A_612, %slice3A_613 : vector<576x128xf32>
    %lt3A_615 = arith.cmpf olt, %sub3A_614, %min3A_604 : vector<576x128xf32>
    %jit3A_616 = arith.constant 37 : i32
    %broadcast_in_dim3A_617 = vector.broadcast %jit3A_616 : i32 to vector<576x128xi32>
    %select_n3A_618 = arith.select %lt3A_615, %broadcast_in_dim3A_617, %select_n3A_603 : vector<576x128xi1>, vector<576x128xi32>
    %min3A_619 = arith.minimumf %sub3A_614, %min3A_604 : vector<576x128xf32>
    %get3A_620 = arith.constant 0 : index
    %get3A_621 = arith.constant 4864 : index
    %get3A_622 = vector.load %arg3[%get3A_620, %get3A_621] : memref<1x8192xf32, #tpu.memory_space<vmem>>, vector<1x128xf32>
    %get3A_623 = vector.shape_cast %get3A_622 : vector<1x128xf32> to vector<128xf32>
    %broadcast_in_dim3A_624 = vector.shape_cast %get3A_623 : vector<128xf32> to vector<1x128xf32>
    %add3A_625 = vector.broadcast %broadcast_in_dim3A : vector<576x1xf32> to vector<576x128xf32>
    %add3A_626 = vector.broadcast %broadcast_in_dim3A_624 : vector<1x128xf32> to vector<576x128xf32>
    %add3A_627 = arith.addf %add3A_625, %add3A_626 : vector<576x128xf32>
    %slice3A_628 = vector.extract_strided_slice %dot_general3A_33 {offsets = [0, 768], sizes = [576, 128], strides = [1, 1]} : vector<576x1024xf32> to vector<576x128xf32>
    %sub3A_629 = arith.subf %add3A_627, %slice3A_628 : vector<576x128xf32>
    %lt3A_630 = arith.cmpf olt, %sub3A_629, %min3A_619 : vector<576x128xf32>
    %jit3A_631 = arith.constant 38 : i32
    %broadcast_in_dim3A_632 = vector.broadcast %jit3A_631 : i32 to vector<576x128xi32>
    %select_n3A_633 = arith.select %lt3A_630, %broadcast_in_dim3A_632, %select_n3A_618 : vector<576x128xi1>, vector<576x128xi32>
    %min3A_634 = arith.minimumf %sub3A_629, %min3A_619 : vector<576x128xf32>
    %get3A_635 = arith.constant 0 : index
    %get3A_636 = arith.constant 4992 : index
    %get3A_637 = vector.load %arg3[%get3A_635, %get3A_636] : memref<1x8192xf32, #tpu.memory_space<vmem>>, vector<1x128xf32>
    %get3A_638 = vector.shape_cast %get3A_637 : vector<1x128xf32> to vector<128xf32>
    %broadcast_in_dim3A_639 = vector.shape_cast %get3A_638 : vector<128xf32> to vector<1x128xf32>
    %add3A_640 = vector.broadcast %broadcast_in_dim3A : vector<576x1xf32> to vector<576x128xf32>
    %add3A_641 = vector.broadcast %broadcast_in_dim3A_639 : vector<1x128xf32> to vector<576x128xf32>
    %add3A_642 = arith.addf %add3A_640, %add3A_641 : vector<576x128xf32>
    %slice3A_643 = vector.extract_strided_slice %dot_general3A_33 {offsets = [0, 896], sizes = [576, 128], strides = [1, 1]} : vector<576x1024xf32> to vector<576x128xf32>
    %sub3A_644 = arith.subf %add3A_642, %slice3A_643 : vector<576x128xf32>
    %lt3A_645 = arith.cmpf olt, %sub3A_644, %min3A_634 : vector<576x128xf32>
    %jit3A_646 = arith.constant 39 : i32
    %broadcast_in_dim3A_647 = vector.broadcast %jit3A_646 : i32 to vector<576x128xi32>
    %select_n3A_648 = arith.select %lt3A_645, %broadcast_in_dim3A_647, %select_n3A_633 : vector<576x128xi1>, vector<576x128xi32>
    %min3A_649 = arith.minimumf %sub3A_644, %min3A_634 : vector<576x128xf32>
    %get3A_650 = arith.constant 0 : index
    %get3A_651 = arith.constant 5120 : index
    %get3A_652 = vector.load %arg3[%get3A_650, %get3A_651] : memref<1x8192xf32, #tpu.memory_space<vmem>>, vector<1x128xf32>
    %get3A_653 = vector.shape_cast %get3A_652 : vector<1x128xf32> to vector<128xf32>
    %broadcast_in_dim3A_654 = vector.shape_cast %get3A_653 : vector<128xf32> to vector<1x128xf32>
    %add3A_655 = vector.broadcast %broadcast_in_dim3A : vector<576x1xf32> to vector<576x128xf32>
    %add3A_656 = vector.broadcast %broadcast_in_dim3A_654 : vector<1x128xf32> to vector<576x128xf32>
    %add3A_657 = arith.addf %add3A_655, %add3A_656 : vector<576x128xf32>
    %slice3A_658 = vector.extract_strided_slice %dot_general3A_39 {offsets = [0, 0], sizes = [576, 128], strides = [1, 1]} : vector<576x1024xf32> to vector<576x128xf32>
    %sub3A_659 = arith.subf %add3A_657, %slice3A_658 : vector<576x128xf32>
    %lt3A_660 = arith.cmpf olt, %sub3A_659, %min3A_649 : vector<576x128xf32>
    %jit3A_661 = arith.constant 40 : i32
    %broadcast_in_dim3A_662 = vector.broadcast %jit3A_661 : i32 to vector<576x128xi32>
    %select_n3A_663 = arith.select %lt3A_660, %broadcast_in_dim3A_662, %select_n3A_648 : vector<576x128xi1>, vector<576x128xi32>
    %min3A_664 = arith.minimumf %sub3A_659, %min3A_649 : vector<576x128xf32>
    %get3A_665 = arith.constant 0 : index
    %get3A_666 = arith.constant 5248 : index
    %get3A_667 = vector.load %arg3[%get3A_665, %get3A_666] : memref<1x8192xf32, #tpu.memory_space<vmem>>, vector<1x128xf32>
    %get3A_668 = vector.shape_cast %get3A_667 : vector<1x128xf32> to vector<128xf32>
    %broadcast_in_dim3A_669 = vector.shape_cast %get3A_668 : vector<128xf32> to vector<1x128xf32>
    %add3A_670 = vector.broadcast %broadcast_in_dim3A : vector<576x1xf32> to vector<576x128xf32>
    %add3A_671 = vector.broadcast %broadcast_in_dim3A_669 : vector<1x128xf32> to vector<576x128xf32>
    %add3A_672 = arith.addf %add3A_670, %add3A_671 : vector<576x128xf32>
    %slice3A_673 = vector.extract_strided_slice %dot_general3A_39 {offsets = [0, 128], sizes = [576, 128], strides = [1, 1]} : vector<576x1024xf32> to vector<576x128xf32>
    %sub3A_674 = arith.subf %add3A_672, %slice3A_673 : vector<576x128xf32>
    %lt3A_675 = arith.cmpf olt, %sub3A_674, %min3A_664 : vector<576x128xf32>
    %jit3A_676 = arith.constant 41 : i32
    %broadcast_in_dim3A_677 = vector.broadcast %jit3A_676 : i32 to vector<576x128xi32>
    %select_n3A_678 = arith.select %lt3A_675, %broadcast_in_dim3A_677, %select_n3A_663 : vector<576x128xi1>, vector<576x128xi32>
    %min3A_679 = arith.minimumf %sub3A_674, %min3A_664 : vector<576x128xf32>
    %get3A_680 = arith.constant 0 : index
    %get3A_681 = arith.constant 5376 : index
    %get3A_682 = vector.load %arg3[%get3A_680, %get3A_681] : memref<1x8192xf32, #tpu.memory_space<vmem>>, vector<1x128xf32>
    %get3A_683 = vector.shape_cast %get3A_682 : vector<1x128xf32> to vector<128xf32>
    %broadcast_in_dim3A_684 = vector.shape_cast %get3A_683 : vector<128xf32> to vector<1x128xf32>
    %add3A_685 = vector.broadcast %broadcast_in_dim3A : vector<576x1xf32> to vector<576x128xf32>
    %add3A_686 = vector.broadcast %broadcast_in_dim3A_684 : vector<1x128xf32> to vector<576x128xf32>
    %add3A_687 = arith.addf %add3A_685, %add3A_686 : vector<576x128xf32>
    %slice3A_688 = vector.extract_strided_slice %dot_general3A_39 {offsets = [0, 256], sizes = [576, 128], strides = [1, 1]} : vector<576x1024xf32> to vector<576x128xf32>
    %sub3A_689 = arith.subf %add3A_687, %slice3A_688 : vector<576x128xf32>
    %lt3A_690 = arith.cmpf olt, %sub3A_689, %min3A_679 : vector<576x128xf32>
    %jit3A_691 = arith.constant 42 : i32
    %broadcast_in_dim3A_692 = vector.broadcast %jit3A_691 : i32 to vector<576x128xi32>
    %select_n3A_693 = arith.select %lt3A_690, %broadcast_in_dim3A_692, %select_n3A_678 : vector<576x128xi1>, vector<576x128xi32>
    %min3A_694 = arith.minimumf %sub3A_689, %min3A_679 : vector<576x128xf32>
    %get3A_695 = arith.constant 0 : index
    %get3A_696 = arith.constant 5504 : index
    %get3A_697 = vector.load %arg3[%get3A_695, %get3A_696] : memref<1x8192xf32, #tpu.memory_space<vmem>>, vector<1x128xf32>
    %get3A_698 = vector.shape_cast %get3A_697 : vector<1x128xf32> to vector<128xf32>
    %broadcast_in_dim3A_699 = vector.shape_cast %get3A_698 : vector<128xf32> to vector<1x128xf32>
    %add3A_700 = vector.broadcast %broadcast_in_dim3A : vector<576x1xf32> to vector<576x128xf32>
    %add3A_701 = vector.broadcast %broadcast_in_dim3A_699 : vector<1x128xf32> to vector<576x128xf32>
    %add3A_702 = arith.addf %add3A_700, %add3A_701 : vector<576x128xf32>
    %slice3A_703 = vector.extract_strided_slice %dot_general3A_39 {offsets = [0, 384], sizes = [576, 128], strides = [1, 1]} : vector<576x1024xf32> to vector<576x128xf32>
    %sub3A_704 = arith.subf %add3A_702, %slice3A_703 : vector<576x128xf32>
    %lt3A_705 = arith.cmpf olt, %sub3A_704, %min3A_694 : vector<576x128xf32>
    %jit3A_706 = arith.constant 43 : i32
    %broadcast_in_dim3A_707 = vector.broadcast %jit3A_706 : i32 to vector<576x128xi32>
    %select_n3A_708 = arith.select %lt3A_705, %broadcast_in_dim3A_707, %select_n3A_693 : vector<576x128xi1>, vector<576x128xi32>
    %min3A_709 = arith.minimumf %sub3A_704, %min3A_694 : vector<576x128xf32>
    %get3A_710 = arith.constant 0 : index
    %get3A_711 = arith.constant 5632 : index
    %get3A_712 = vector.load %arg3[%get3A_710, %get3A_711] : memref<1x8192xf32, #tpu.memory_space<vmem>>, vector<1x128xf32>
    %get3A_713 = vector.shape_cast %get3A_712 : vector<1x128xf32> to vector<128xf32>
    %broadcast_in_dim3A_714 = vector.shape_cast %get3A_713 : vector<128xf32> to vector<1x128xf32>
    %add3A_715 = vector.broadcast %broadcast_in_dim3A : vector<576x1xf32> to vector<576x128xf32>
    %add3A_716 = vector.broadcast %broadcast_in_dim3A_714 : vector<1x128xf32> to vector<576x128xf32>
    %add3A_717 = arith.addf %add3A_715, %add3A_716 : vector<576x128xf32>
    %slice3A_718 = vector.extract_strided_slice %dot_general3A_39 {offsets = [0, 512], sizes = [576, 128], strides = [1, 1]} : vector<576x1024xf32> to vector<576x128xf32>
    %sub3A_719 = arith.subf %add3A_717, %slice3A_718 : vector<576x128xf32>
    %lt3A_720 = arith.cmpf olt, %sub3A_719, %min3A_709 : vector<576x128xf32>
    %jit3A_721 = arith.constant 44 : i32
    %broadcast_in_dim3A_722 = vector.broadcast %jit3A_721 : i32 to vector<576x128xi32>
    %select_n3A_723 = arith.select %lt3A_720, %broadcast_in_dim3A_722, %select_n3A_708 : vector<576x128xi1>, vector<576x128xi32>
    %min3A_724 = arith.minimumf %sub3A_719, %min3A_709 : vector<576x128xf32>
    %get3A_725 = arith.constant 0 : index
    %get3A_726 = arith.constant 5760 : index
    %get3A_727 = vector.load %arg3[%get3A_725, %get3A_726] : memref<1x8192xf32, #tpu.memory_space<vmem>>, vector<1x128xf32>
    %get3A_728 = vector.shape_cast %get3A_727 : vector<1x128xf32> to vector<128xf32>
    %broadcast_in_dim3A_729 = vector.shape_cast %get3A_728 : vector<128xf32> to vector<1x128xf32>
    %add3A_730 = vector.broadcast %broadcast_in_dim3A : vector<576x1xf32> to vector<576x128xf32>
    %add3A_731 = vector.broadcast %broadcast_in_dim3A_729 : vector<1x128xf32> to vector<576x128xf32>
    %add3A_732 = arith.addf %add3A_730, %add3A_731 : vector<576x128xf32>
    %slice3A_733 = vector.extract_strided_slice %dot_general3A_39 {offsets = [0, 640], sizes = [576, 128], strides = [1, 1]} : vector<576x1024xf32> to vector<576x128xf32>
    %sub3A_734 = arith.subf %add3A_732, %slice3A_733 : vector<576x128xf32>
    %lt3A_735 = arith.cmpf olt, %sub3A_734, %min3A_724 : vector<576x128xf32>
    %jit3A_736 = arith.constant 45 : i32
    %broadcast_in_dim3A_737 = vector.broadcast %jit3A_736 : i32 to vector<576x128xi32>
    %select_n3A_738 = arith.select %lt3A_735, %broadcast_in_dim3A_737, %select_n3A_723 : vector<576x128xi1>, vector<576x128xi32>
    %min3A_739 = arith.minimumf %sub3A_734, %min3A_724 : vector<576x128xf32>
    %get3A_740 = arith.constant 0 : index
    %get3A_741 = arith.constant 5888 : index
    %get3A_742 = vector.load %arg3[%get3A_740, %get3A_741] : memref<1x8192xf32, #tpu.memory_space<vmem>>, vector<1x128xf32>
    %get3A_743 = vector.shape_cast %get3A_742 : vector<1x128xf32> to vector<128xf32>
    %broadcast_in_dim3A_744 = vector.shape_cast %get3A_743 : vector<128xf32> to vector<1x128xf32>
    %add3A_745 = vector.broadcast %broadcast_in_dim3A : vector<576x1xf32> to vector<576x128xf32>
    %add3A_746 = vector.broadcast %broadcast_in_dim3A_744 : vector<1x128xf32> to vector<576x128xf32>
    %add3A_747 = arith.addf %add3A_745, %add3A_746 : vector<576x128xf32>
    %slice3A_748 = vector.extract_strided_slice %dot_general3A_39 {offsets = [0, 768], sizes = [576, 128], strides = [1, 1]} : vector<576x1024xf32> to vector<576x128xf32>
    %sub3A_749 = arith.subf %add3A_747, %slice3A_748 : vector<576x128xf32>
    %lt3A_750 = arith.cmpf olt, %sub3A_749, %min3A_739 : vector<576x128xf32>
    %jit3A_751 = arith.constant 46 : i32
    %broadcast_in_dim3A_752 = vector.broadcast %jit3A_751 : i32 to vector<576x128xi32>
    %select_n3A_753 = arith.select %lt3A_750, %broadcast_in_dim3A_752, %select_n3A_738 : vector<576x128xi1>, vector<576x128xi32>
    %min3A_754 = arith.minimumf %sub3A_749, %min3A_739 : vector<576x128xf32>
    %get3A_755 = arith.constant 0 : index
    %get3A_756 = arith.constant 6016 : index
    %get3A_757 = vector.load %arg3[%get3A_755, %get3A_756] : memref<1x8192xf32, #tpu.memory_space<vmem>>, vector<1x128xf32>
    %get3A_758 = vector.shape_cast %get3A_757 : vector<1x128xf32> to vector<128xf32>
    %broadcast_in_dim3A_759 = vector.shape_cast %get3A_758 : vector<128xf32> to vector<1x128xf32>
    %add3A_760 = vector.broadcast %broadcast_in_dim3A : vector<576x1xf32> to vector<576x128xf32>
    %add3A_761 = vector.broadcast %broadcast_in_dim3A_759 : vector<1x128xf32> to vector<576x128xf32>
    %add3A_762 = arith.addf %add3A_760, %add3A_761 : vector<576x128xf32>
    %slice3A_763 = vector.extract_strided_slice %dot_general3A_39 {offsets = [0, 896], sizes = [576, 128], strides = [1, 1]} : vector<576x1024xf32> to vector<576x128xf32>
    %sub3A_764 = arith.subf %add3A_762, %slice3A_763 : vector<576x128xf32>
    %lt3A_765 = arith.cmpf olt, %sub3A_764, %min3A_754 : vector<576x128xf32>
    %jit3A_766 = arith.constant 47 : i32
    %broadcast_in_dim3A_767 = vector.broadcast %jit3A_766 : i32 to vector<576x128xi32>
    %select_n3A_768 = arith.select %lt3A_765, %broadcast_in_dim3A_767, %select_n3A_753 : vector<576x128xi1>, vector<576x128xi32>
    %min3A_769 = arith.minimumf %sub3A_764, %min3A_754 : vector<576x128xf32>
    %get3A_770 = arith.constant 0 : index
    %get3A_771 = arith.constant 6144 : index
    %get3A_772 = vector.load %arg3[%get3A_770, %get3A_771] : memref<1x8192xf32, #tpu.memory_space<vmem>>, vector<1x128xf32>
    %get3A_773 = vector.shape_cast %get3A_772 : vector<1x128xf32> to vector<128xf32>
    %broadcast_in_dim3A_774 = vector.shape_cast %get3A_773 : vector<128xf32> to vector<1x128xf32>
    %add3A_775 = vector.broadcast %broadcast_in_dim3A : vector<576x1xf32> to vector<576x128xf32>
    %add3A_776 = vector.broadcast %broadcast_in_dim3A_774 : vector<1x128xf32> to vector<576x128xf32>
    %add3A_777 = arith.addf %add3A_775, %add3A_776 : vector<576x128xf32>
    %slice3A_778 = vector.extract_strided_slice %dot_general3A_45 {offsets = [0, 0], sizes = [576, 128], strides = [1, 1]} : vector<576x1024xf32> to vector<576x128xf32>
    %sub3A_779 = arith.subf %add3A_777, %slice3A_778 : vector<576x128xf32>
    %lt3A_780 = arith.cmpf olt, %sub3A_779, %min3A_769 : vector<576x128xf32>
    %jit3A_781 = arith.constant 48 : i32
    %broadcast_in_dim3A_782 = vector.broadcast %jit3A_781 : i32 to vector<576x128xi32>
    %select_n3A_783 = arith.select %lt3A_780, %broadcast_in_dim3A_782, %select_n3A_768 : vector<576x128xi1>, vector<576x128xi32>
    %min3A_784 = arith.minimumf %sub3A_779, %min3A_769 : vector<576x128xf32>
    %get3A_785 = arith.constant 0 : index
    %get3A_786 = arith.constant 6272 : index
    %get3A_787 = vector.load %arg3[%get3A_785, %get3A_786] : memref<1x8192xf32, #tpu.memory_space<vmem>>, vector<1x128xf32>
    %get3A_788 = vector.shape_cast %get3A_787 : vector<1x128xf32> to vector<128xf32>
    %broadcast_in_dim3A_789 = vector.shape_cast %get3A_788 : vector<128xf32> to vector<1x128xf32>
    %add3A_790 = vector.broadcast %broadcast_in_dim3A : vector<576x1xf32> to vector<576x128xf32>
    %add3A_791 = vector.broadcast %broadcast_in_dim3A_789 : vector<1x128xf32> to vector<576x128xf32>
    %add3A_792 = arith.addf %add3A_790, %add3A_791 : vector<576x128xf32>
    %slice3A_793 = vector.extract_strided_slice %dot_general3A_45 {offsets = [0, 128], sizes = [576, 128], strides = [1, 1]} : vector<576x1024xf32> to vector<576x128xf32>
    %sub3A_794 = arith.subf %add3A_792, %slice3A_793 : vector<576x128xf32>
    %lt3A_795 = arith.cmpf olt, %sub3A_794, %min3A_784 : vector<576x128xf32>
    %jit3A_796 = arith.constant 49 : i32
    %broadcast_in_dim3A_797 = vector.broadcast %jit3A_796 : i32 to vector<576x128xi32>
    %select_n3A_798 = arith.select %lt3A_795, %broadcast_in_dim3A_797, %select_n3A_783 : vector<576x128xi1>, vector<576x128xi32>
    %min3A_799 = arith.minimumf %sub3A_794, %min3A_784 : vector<576x128xf32>
    %get3A_800 = arith.constant 0 : index
    %get3A_801 = arith.constant 6400 : index
    %get3A_802 = vector.load %arg3[%get3A_800, %get3A_801] : memref<1x8192xf32, #tpu.memory_space<vmem>>, vector<1x128xf32>
    %get3A_803 = vector.shape_cast %get3A_802 : vector<1x128xf32> to vector<128xf32>
    %broadcast_in_dim3A_804 = vector.shape_cast %get3A_803 : vector<128xf32> to vector<1x128xf32>
    %add3A_805 = vector.broadcast %broadcast_in_dim3A : vector<576x1xf32> to vector<576x128xf32>
    %add3A_806 = vector.broadcast %broadcast_in_dim3A_804 : vector<1x128xf32> to vector<576x128xf32>
    %add3A_807 = arith.addf %add3A_805, %add3A_806 : vector<576x128xf32>
    %slice3A_808 = vector.extract_strided_slice %dot_general3A_45 {offsets = [0, 256], sizes = [576, 128], strides = [1, 1]} : vector<576x1024xf32> to vector<576x128xf32>
    %sub3A_809 = arith.subf %add3A_807, %slice3A_808 : vector<576x128xf32>
    %lt3A_810 = arith.cmpf olt, %sub3A_809, %min3A_799 : vector<576x128xf32>
    %jit3A_811 = arith.constant 50 : i32
    %broadcast_in_dim3A_812 = vector.broadcast %jit3A_811 : i32 to vector<576x128xi32>
    %select_n3A_813 = arith.select %lt3A_810, %broadcast_in_dim3A_812, %select_n3A_798 : vector<576x128xi1>, vector<576x128xi32>
    %min3A_814 = arith.minimumf %sub3A_809, %min3A_799 : vector<576x128xf32>
    %get3A_815 = arith.constant 0 : index
    %get3A_816 = arith.constant 6528 : index
    %get3A_817 = vector.load %arg3[%get3A_815, %get3A_816] : memref<1x8192xf32, #tpu.memory_space<vmem>>, vector<1x128xf32>
    %get3A_818 = vector.shape_cast %get3A_817 : vector<1x128xf32> to vector<128xf32>
    %broadcast_in_dim3A_819 = vector.shape_cast %get3A_818 : vector<128xf32> to vector<1x128xf32>
    %add3A_820 = vector.broadcast %broadcast_in_dim3A : vector<576x1xf32> to vector<576x128xf32>
    %add3A_821 = vector.broadcast %broadcast_in_dim3A_819 : vector<1x128xf32> to vector<576x128xf32>
    %add3A_822 = arith.addf %add3A_820, %add3A_821 : vector<576x128xf32>
    %slice3A_823 = vector.extract_strided_slice %dot_general3A_45 {offsets = [0, 384], sizes = [576, 128], strides = [1, 1]} : vector<576x1024xf32> to vector<576x128xf32>
    %sub3A_824 = arith.subf %add3A_822, %slice3A_823 : vector<576x128xf32>
    %lt3A_825 = arith.cmpf olt, %sub3A_824, %min3A_814 : vector<576x128xf32>
    %jit3A_826 = arith.constant 51 : i32
    %broadcast_in_dim3A_827 = vector.broadcast %jit3A_826 : i32 to vector<576x128xi32>
    %select_n3A_828 = arith.select %lt3A_825, %broadcast_in_dim3A_827, %select_n3A_813 : vector<576x128xi1>, vector<576x128xi32>
    %min3A_829 = arith.minimumf %sub3A_824, %min3A_814 : vector<576x128xf32>
    %get3A_830 = arith.constant 0 : index
    %get3A_831 = arith.constant 6656 : index
    %get3A_832 = vector.load %arg3[%get3A_830, %get3A_831] : memref<1x8192xf32, #tpu.memory_space<vmem>>, vector<1x128xf32>
    %get3A_833 = vector.shape_cast %get3A_832 : vector<1x128xf32> to vector<128xf32>
    %broadcast_in_dim3A_834 = vector.shape_cast %get3A_833 : vector<128xf32> to vector<1x128xf32>
    %add3A_835 = vector.broadcast %broadcast_in_dim3A : vector<576x1xf32> to vector<576x128xf32>
    %add3A_836 = vector.broadcast %broadcast_in_dim3A_834 : vector<1x128xf32> to vector<576x128xf32>
    %add3A_837 = arith.addf %add3A_835, %add3A_836 : vector<576x128xf32>
    %slice3A_838 = vector.extract_strided_slice %dot_general3A_45 {offsets = [0, 512], sizes = [576, 128], strides = [1, 1]} : vector<576x1024xf32> to vector<576x128xf32>
    %sub3A_839 = arith.subf %add3A_837, %slice3A_838 : vector<576x128xf32>
    %lt3A_840 = arith.cmpf olt, %sub3A_839, %min3A_829 : vector<576x128xf32>
    %jit3A_841 = arith.constant 52 : i32
    %broadcast_in_dim3A_842 = vector.broadcast %jit3A_841 : i32 to vector<576x128xi32>
    %select_n3A_843 = arith.select %lt3A_840, %broadcast_in_dim3A_842, %select_n3A_828 : vector<576x128xi1>, vector<576x128xi32>
    %min3A_844 = arith.minimumf %sub3A_839, %min3A_829 : vector<576x128xf32>
    %get3A_845 = arith.constant 0 : index
    %get3A_846 = arith.constant 6784 : index
    %get3A_847 = vector.load %arg3[%get3A_845, %get3A_846] : memref<1x8192xf32, #tpu.memory_space<vmem>>, vector<1x128xf32>
    %get3A_848 = vector.shape_cast %get3A_847 : vector<1x128xf32> to vector<128xf32>
    %broadcast_in_dim3A_849 = vector.shape_cast %get3A_848 : vector<128xf32> to vector<1x128xf32>
    %add3A_850 = vector.broadcast %broadcast_in_dim3A : vector<576x1xf32> to vector<576x128xf32>
    %add3A_851 = vector.broadcast %broadcast_in_dim3A_849 : vector<1x128xf32> to vector<576x128xf32>
    %add3A_852 = arith.addf %add3A_850, %add3A_851 : vector<576x128xf32>
    %slice3A_853 = vector.extract_strided_slice %dot_general3A_45 {offsets = [0, 640], sizes = [576, 128], strides = [1, 1]} : vector<576x1024xf32> to vector<576x128xf32>
    %sub3A_854 = arith.subf %add3A_852, %slice3A_853 : vector<576x128xf32>
    %lt3A_855 = arith.cmpf olt, %sub3A_854, %min3A_844 : vector<576x128xf32>
    %jit3A_856 = arith.constant 53 : i32
    %broadcast_in_dim3A_857 = vector.broadcast %jit3A_856 : i32 to vector<576x128xi32>
    %select_n3A_858 = arith.select %lt3A_855, %broadcast_in_dim3A_857, %select_n3A_843 : vector<576x128xi1>, vector<576x128xi32>
    %min3A_859 = arith.minimumf %sub3A_854, %min3A_844 : vector<576x128xf32>
    %get3A_860 = arith.constant 0 : index
    %get3A_861 = arith.constant 6912 : index
    %get3A_862 = vector.load %arg3[%get3A_860, %get3A_861] : memref<1x8192xf32, #tpu.memory_space<vmem>>, vector<1x128xf32>
    %get3A_863 = vector.shape_cast %get3A_862 : vector<1x128xf32> to vector<128xf32>
    %broadcast_in_dim3A_864 = vector.shape_cast %get3A_863 : vector<128xf32> to vector<1x128xf32>
    %add3A_865 = vector.broadcast %broadcast_in_dim3A : vector<576x1xf32> to vector<576x128xf32>
    %add3A_866 = vector.broadcast %broadcast_in_dim3A_864 : vector<1x128xf32> to vector<576x128xf32>
    %add3A_867 = arith.addf %add3A_865, %add3A_866 : vector<576x128xf32>
    %slice3A_868 = vector.extract_strided_slice %dot_general3A_45 {offsets = [0, 768], sizes = [576, 128], strides = [1, 1]} : vector<576x1024xf32> to vector<576x128xf32>
    %sub3A_869 = arith.subf %add3A_867, %slice3A_868 : vector<576x128xf32>
    %lt3A_870 = arith.cmpf olt, %sub3A_869, %min3A_859 : vector<576x128xf32>
    %jit3A_871 = arith.constant 54 : i32
    %broadcast_in_dim3A_872 = vector.broadcast %jit3A_871 : i32 to vector<576x128xi32>
    %select_n3A_873 = arith.select %lt3A_870, %broadcast_in_dim3A_872, %select_n3A_858 : vector<576x128xi1>, vector<576x128xi32>
    %min3A_874 = arith.minimumf %sub3A_869, %min3A_859 : vector<576x128xf32>
    %get3A_875 = arith.constant 0 : index
    %get3A_876 = arith.constant 7040 : index
    %get3A_877 = vector.load %arg3[%get3A_875, %get3A_876] : memref<1x8192xf32, #tpu.memory_space<vmem>>, vector<1x128xf32>
    %get3A_878 = vector.shape_cast %get3A_877 : vector<1x128xf32> to vector<128xf32>
    %broadcast_in_dim3A_879 = vector.shape_cast %get3A_878 : vector<128xf32> to vector<1x128xf32>
    %add3A_880 = vector.broadcast %broadcast_in_dim3A : vector<576x1xf32> to vector<576x128xf32>
    %add3A_881 = vector.broadcast %broadcast_in_dim3A_879 : vector<1x128xf32> to vector<576x128xf32>
    %add3A_882 = arith.addf %add3A_880, %add3A_881 : vector<576x128xf32>
    %slice3A_883 = vector.extract_strided_slice %dot_general3A_45 {offsets = [0, 896], sizes = [576, 128], strides = [1, 1]} : vector<576x1024xf32> to vector<576x128xf32>
    %sub3A_884 = arith.subf %add3A_882, %slice3A_883 : vector<576x128xf32>
    %lt3A_885 = arith.cmpf olt, %sub3A_884, %min3A_874 : vector<576x128xf32>
    %jit3A_886 = arith.constant 55 : i32
    %broadcast_in_dim3A_887 = vector.broadcast %jit3A_886 : i32 to vector<576x128xi32>
    %select_n3A_888 = arith.select %lt3A_885, %broadcast_in_dim3A_887, %select_n3A_873 : vector<576x128xi1>, vector<576x128xi32>
    %min3A_889 = arith.minimumf %sub3A_884, %min3A_874 : vector<576x128xf32>
    %get3A_890 = arith.constant 0 : index
    %get3A_891 = arith.constant 7168 : index
    %get3A_892 = vector.load %arg3[%get3A_890, %get3A_891] : memref<1x8192xf32, #tpu.memory_space<vmem>>, vector<1x128xf32>
    %get3A_893 = vector.shape_cast %get3A_892 : vector<1x128xf32> to vector<128xf32>
    %broadcast_in_dim3A_894 = vector.shape_cast %get3A_893 : vector<128xf32> to vector<1x128xf32>
    %add3A_895 = vector.broadcast %broadcast_in_dim3A : vector<576x1xf32> to vector<576x128xf32>
    %add3A_896 = vector.broadcast %broadcast_in_dim3A_894 : vector<1x128xf32> to vector<576x128xf32>
    %add3A_897 = arith.addf %add3A_895, %add3A_896 : vector<576x128xf32>
    %slice3A_898 = vector.extract_strided_slice %dot_general3A_51 {offsets = [0, 0], sizes = [576, 128], strides = [1, 1]} : vector<576x1024xf32> to vector<576x128xf32>
    %sub3A_899 = arith.subf %add3A_897, %slice3A_898 : vector<576x128xf32>
    %lt3A_900 = arith.cmpf olt, %sub3A_899, %min3A_889 : vector<576x128xf32>
    %jit3A_901 = arith.constant 56 : i32
    %broadcast_in_dim3A_902 = vector.broadcast %jit3A_901 : i32 to vector<576x128xi32>
    %select_n3A_903 = arith.select %lt3A_900, %broadcast_in_dim3A_902, %select_n3A_888 : vector<576x128xi1>, vector<576x128xi32>
    %min3A_904 = arith.minimumf %sub3A_899, %min3A_889 : vector<576x128xf32>
    %get3A_905 = arith.constant 0 : index
    %get3A_906 = arith.constant 7296 : index
    %get3A_907 = vector.load %arg3[%get3A_905, %get3A_906] : memref<1x8192xf32, #tpu.memory_space<vmem>>, vector<1x128xf32>
    %get3A_908 = vector.shape_cast %get3A_907 : vector<1x128xf32> to vector<128xf32>
    %broadcast_in_dim3A_909 = vector.shape_cast %get3A_908 : vector<128xf32> to vector<1x128xf32>
    %add3A_910 = vector.broadcast %broadcast_in_dim3A : vector<576x1xf32> to vector<576x128xf32>
    %add3A_911 = vector.broadcast %broadcast_in_dim3A_909 : vector<1x128xf32> to vector<576x128xf32>
    %add3A_912 = arith.addf %add3A_910, %add3A_911 : vector<576x128xf32>
    %slice3A_913 = vector.extract_strided_slice %dot_general3A_51 {offsets = [0, 128], sizes = [576, 128], strides = [1, 1]} : vector<576x1024xf32> to vector<576x128xf32>
    %sub3A_914 = arith.subf %add3A_912, %slice3A_913 : vector<576x128xf32>
    %lt3A_915 = arith.cmpf olt, %sub3A_914, %min3A_904 : vector<576x128xf32>
    %jit3A_916 = arith.constant 57 : i32
    %broadcast_in_dim3A_917 = vector.broadcast %jit3A_916 : i32 to vector<576x128xi32>
    %select_n3A_918 = arith.select %lt3A_915, %broadcast_in_dim3A_917, %select_n3A_903 : vector<576x128xi1>, vector<576x128xi32>
    %min3A_919 = arith.minimumf %sub3A_914, %min3A_904 : vector<576x128xf32>
    %get3A_920 = arith.constant 0 : index
    %get3A_921 = arith.constant 7424 : index
    %get3A_922 = vector.load %arg3[%get3A_920, %get3A_921] : memref<1x8192xf32, #tpu.memory_space<vmem>>, vector<1x128xf32>
    %get3A_923 = vector.shape_cast %get3A_922 : vector<1x128xf32> to vector<128xf32>
    %broadcast_in_dim3A_924 = vector.shape_cast %get3A_923 : vector<128xf32> to vector<1x128xf32>
    %add3A_925 = vector.broadcast %broadcast_in_dim3A : vector<576x1xf32> to vector<576x128xf32>
    %add3A_926 = vector.broadcast %broadcast_in_dim3A_924 : vector<1x128xf32> to vector<576x128xf32>
    %add3A_927 = arith.addf %add3A_925, %add3A_926 : vector<576x128xf32>
    %slice3A_928 = vector.extract_strided_slice %dot_general3A_51 {offsets = [0, 256], sizes = [576, 128], strides = [1, 1]} : vector<576x1024xf32> to vector<576x128xf32>
    %sub3A_929 = arith.subf %add3A_927, %slice3A_928 : vector<576x128xf32>
    %lt3A_930 = arith.cmpf olt, %sub3A_929, %min3A_919 : vector<576x128xf32>
    %jit3A_931 = arith.constant 58 : i32
    %broadcast_in_dim3A_932 = vector.broadcast %jit3A_931 : i32 to vector<576x128xi32>
    %select_n3A_933 = arith.select %lt3A_930, %broadcast_in_dim3A_932, %select_n3A_918 : vector<576x128xi1>, vector<576x128xi32>
    %min3A_934 = arith.minimumf %sub3A_929, %min3A_919 : vector<576x128xf32>
    %get3A_935 = arith.constant 0 : index
    %get3A_936 = arith.constant 7552 : index
    %get3A_937 = vector.load %arg3[%get3A_935, %get3A_936] : memref<1x8192xf32, #tpu.memory_space<vmem>>, vector<1x128xf32>
    %get3A_938 = vector.shape_cast %get3A_937 : vector<1x128xf32> to vector<128xf32>
    %broadcast_in_dim3A_939 = vector.shape_cast %get3A_938 : vector<128xf32> to vector<1x128xf32>
    %add3A_940 = vector.broadcast %broadcast_in_dim3A : vector<576x1xf32> to vector<576x128xf32>
    %add3A_941 = vector.broadcast %broadcast_in_dim3A_939 : vector<1x128xf32> to vector<576x128xf32>
    %add3A_942 = arith.addf %add3A_940, %add3A_941 : vector<576x128xf32>
    %slice3A_943 = vector.extract_strided_slice %dot_general3A_51 {offsets = [0, 384], sizes = [576, 128], strides = [1, 1]} : vector<576x1024xf32> to vector<576x128xf32>
    %sub3A_944 = arith.subf %add3A_942, %slice3A_943 : vector<576x128xf32>
    %lt3A_945 = arith.cmpf olt, %sub3A_944, %min3A_934 : vector<576x128xf32>
    %jit3A_946 = arith.constant 59 : i32
    %broadcast_in_dim3A_947 = vector.broadcast %jit3A_946 : i32 to vector<576x128xi32>
    %select_n3A_948 = arith.select %lt3A_945, %broadcast_in_dim3A_947, %select_n3A_933 : vector<576x128xi1>, vector<576x128xi32>
    %min3A_949 = arith.minimumf %sub3A_944, %min3A_934 : vector<576x128xf32>
    %get3A_950 = arith.constant 0 : index
    %get3A_951 = arith.constant 7680 : index
    %get3A_952 = vector.load %arg3[%get3A_950, %get3A_951] : memref<1x8192xf32, #tpu.memory_space<vmem>>, vector<1x128xf32>
    %get3A_953 = vector.shape_cast %get3A_952 : vector<1x128xf32> to vector<128xf32>
    %broadcast_in_dim3A_954 = vector.shape_cast %get3A_953 : vector<128xf32> to vector<1x128xf32>
    %add3A_955 = vector.broadcast %broadcast_in_dim3A : vector<576x1xf32> to vector<576x128xf32>
    %add3A_956 = vector.broadcast %broadcast_in_dim3A_954 : vector<1x128xf32> to vector<576x128xf32>
    %add3A_957 = arith.addf %add3A_955, %add3A_956 : vector<576x128xf32>
    %slice3A_958 = vector.extract_strided_slice %dot_general3A_51 {offsets = [0, 512], sizes = [576, 128], strides = [1, 1]} : vector<576x1024xf32> to vector<576x128xf32>
    %sub3A_959 = arith.subf %add3A_957, %slice3A_958 : vector<576x128xf32>
    %lt3A_960 = arith.cmpf olt, %sub3A_959, %min3A_949 : vector<576x128xf32>
    %jit3A_961 = arith.constant 60 : i32
    %broadcast_in_dim3A_962 = vector.broadcast %jit3A_961 : i32 to vector<576x128xi32>
    %select_n3A_963 = arith.select %lt3A_960, %broadcast_in_dim3A_962, %select_n3A_948 : vector<576x128xi1>, vector<576x128xi32>
    %min3A_964 = arith.minimumf %sub3A_959, %min3A_949 : vector<576x128xf32>
    %get3A_965 = arith.constant 0 : index
    %get3A_966 = arith.constant 7808 : index
    %get3A_967 = vector.load %arg3[%get3A_965, %get3A_966] : memref<1x8192xf32, #tpu.memory_space<vmem>>, vector<1x128xf32>
    %get3A_968 = vector.shape_cast %get3A_967 : vector<1x128xf32> to vector<128xf32>
    %broadcast_in_dim3A_969 = vector.shape_cast %get3A_968 : vector<128xf32> to vector<1x128xf32>
    %add3A_970 = vector.broadcast %broadcast_in_dim3A : vector<576x1xf32> to vector<576x128xf32>
    %add3A_971 = vector.broadcast %broadcast_in_dim3A_969 : vector<1x128xf32> to vector<576x128xf32>
    %add3A_972 = arith.addf %add3A_970, %add3A_971 : vector<576x128xf32>
    %slice3A_973 = vector.extract_strided_slice %dot_general3A_51 {offsets = [0, 640], sizes = [576, 128], strides = [1, 1]} : vector<576x1024xf32> to vector<576x128xf32>
    %sub3A_974 = arith.subf %add3A_972, %slice3A_973 : vector<576x128xf32>
    %lt3A_975 = arith.cmpf olt, %sub3A_974, %min3A_964 : vector<576x128xf32>
    %jit3A_976 = arith.constant 61 : i32
    %broadcast_in_dim3A_977 = vector.broadcast %jit3A_976 : i32 to vector<576x128xi32>
    %select_n3A_978 = arith.select %lt3A_975, %broadcast_in_dim3A_977, %select_n3A_963 : vector<576x128xi1>, vector<576x128xi32>
    %min3A_979 = arith.minimumf %sub3A_974, %min3A_964 : vector<576x128xf32>
    %get3A_980 = arith.constant 0 : index
    %get3A_981 = arith.constant 7936 : index
    %get3A_982 = vector.load %arg3[%get3A_980, %get3A_981] : memref<1x8192xf32, #tpu.memory_space<vmem>>, vector<1x128xf32>
    %get3A_983 = vector.shape_cast %get3A_982 : vector<1x128xf32> to vector<128xf32>
    %broadcast_in_dim3A_984 = vector.shape_cast %get3A_983 : vector<128xf32> to vector<1x128xf32>
    %add3A_985 = vector.broadcast %broadcast_in_dim3A : vector<576x1xf32> to vector<576x128xf32>
    %add3A_986 = vector.broadcast %broadcast_in_dim3A_984 : vector<1x128xf32> to vector<576x128xf32>
    %add3A_987 = arith.addf %add3A_985, %add3A_986 : vector<576x128xf32>
    %slice3A_988 = vector.extract_strided_slice %dot_general3A_51 {offsets = [0, 768], sizes = [576, 128], strides = [1, 1]} : vector<576x1024xf32> to vector<576x128xf32>
    %sub3A_989 = arith.subf %add3A_987, %slice3A_988 : vector<576x128xf32>
    %lt3A_990 = arith.cmpf olt, %sub3A_989, %min3A_979 : vector<576x128xf32>
    %jit3A_991 = arith.constant 62 : i32
    %broadcast_in_dim3A_992 = vector.broadcast %jit3A_991 : i32 to vector<576x128xi32>
    %select_n3A_993 = arith.select %lt3A_990, %broadcast_in_dim3A_992, %select_n3A_978 : vector<576x128xi1>, vector<576x128xi32>
    %min3A_994 = arith.minimumf %sub3A_989, %min3A_979 : vector<576x128xf32>
    %get3A_995 = arith.constant 0 : index
    %get3A_996 = arith.constant 8064 : index
    %get3A_997 = vector.load %arg3[%get3A_995, %get3A_996] : memref<1x8192xf32, #tpu.memory_space<vmem>>, vector<1x128xf32>
    %get3A_998 = vector.shape_cast %get3A_997 : vector<1x128xf32> to vector<128xf32>
    %broadcast_in_dim3A_999 = vector.shape_cast %get3A_998 : vector<128xf32> to vector<1x128xf32>
    %add3A_1000 = vector.broadcast %broadcast_in_dim3A : vector<576x1xf32> to vector<576x128xf32>
    %add3A_1001 = vector.broadcast %broadcast_in_dim3A_999 : vector<1x128xf32> to vector<576x128xf32>
    %add3A_1002 = arith.addf %add3A_1000, %add3A_1001 : vector<576x128xf32>
    %slice3A_1003 = vector.extract_strided_slice %dot_general3A_51 {offsets = [0, 896], sizes = [576, 128], strides = [1, 1]} : vector<576x1024xf32> to vector<576x128xf32>
    %sub3A_1004 = arith.subf %add3A_1002, %slice3A_1003 : vector<576x128xf32>
    %lt3A_1005 = arith.cmpf olt, %sub3A_1004, %min3A_994 : vector<576x128xf32>
    %jit3A_1006 = arith.constant 63 : i32
    %broadcast_in_dim3A_1007 = vector.broadcast %jit3A_1006 : i32 to vector<576x128xi32>
    %select_n3A_1008 = arith.select %lt3A_1005, %broadcast_in_dim3A_1007, %select_n3A_993 : vector<576x128xi1>, vector<576x128xi32>
    %min3A_1009 = arith.minimumf %sub3A_1004, %min3A_994 : vector<576x128xf32>
    %reduce_min3A = arith.constant dense<0x7F800000> : vector<576xf32>
    %reduce_min3A_1010 = vector.multi_reduction <minimumf>, %min3A_1009, %reduce_min3A [1] : vector<576x128xf32> to vector<576xf32>
    %broadcast_in_dim3A_1011 = vector.shape_cast %reduce_min3A_1010 : vector<576xf32> to vector<576x1xf32>
    %mul3A_1012 = arith.constant 128 : i32
    %mul3A_1013 = vector.broadcast %mul3A_1012 : i32 to vector<576x128xi32>
    %mul3A_1014 = arith.muli %select_n3A_1008, %mul3A_1013 : vector<576x128xi32>
    %add3A_1015 = arith.addi %mul3A_1014, %iota3A : vector<576x128xi32>
    %eq3A = vector.broadcast %broadcast_in_dim3A_1011 : vector<576x1xf32> to vector<576x128xf32>
    %eq3A_1016 = arith.cmpf oeq, %min3A_1009, %eq3A : vector<576x128xf32>
    %jit3A_1017 = arith.constant 8192 : i32
    %broadcast_in_dim3A_1018 = vector.broadcast %jit3A_1017 : i32 to vector<576x128xi32>
    %select_n3A_1019 = arith.select %eq3A_1016, %add3A_1015, %broadcast_in_dim3A_1018 : vector<576x128xi1>, vector<576x128xi32>
    %reduce_min3A_1020 = arith.constant dense<2147483647> : vector<576xi32>
    %reduce_min3A_1021 = vector.multi_reduction <minsi>, %select_n3A_1019, %reduce_min3A_1020 [1] : vector<576x128xi32> to vector<576xi32>
    %swap3A = arith.constant 0 : index
    %swap3A_1022 = arith.constant 0 : index
    %swap3A_1023 = arith.constant 0 : index
    %swap3A_1024 = vector.load %arg4[%swap3A, %swap3A_1022, %swap3A_1023] : memref<1x1x576xi32, #tpu.memory_space<vmem>>, vector<1x1x576xi32>
    %swap3A_1025 = vector.shape_cast %swap3A_1024 : vector<1x1x576xi32> to vector<576xi32>
    %swap3A_1026 = vector.shape_cast %reduce_min3A_1021 : vector<576xi32> to vector<1x1x576xi32>
    tpu.vector_store %arg4[%swap3A, %swap3A_1022, %swap3A_1023], %swap3A_1026 {strides = array<i32>} : memref<1x1x576xi32, #tpu.memory_space<vmem>>, vector<1x1x576xi32>,
    return
  }
  func.func @transform_0(%arg0: i32) -> (i32, i32, i32) {
    %add3A = arith.constant 0 : i32
    %add3A_0 = arith.addi %arg0, %add3A : i32
    %c0_i32 = arith.constant 0 : i32
    %c0_i32_1 = arith.constant 0 : i32
    %c0_i32_2 = arith.constant 0 : i32
    return %add3A_0, %c0_i32, %c0_i32_1 : i32, i32, i32
  }
  func.func @transform_1(%arg0: i32) -> (i32, i32) {
    %c0_i32 = arith.constant 0 : i32
    %c0_i32_0 = arith.constant 0 : i32
    %c0_i32_1 = arith.constant 0 : i32
    return %c0_i32, %c0_i32_0 : i32, i32
  }
  func.func @transform_2(%arg0: i32) -> (i32, i32) {
    %c0_i32 = arith.constant 0 : i32
    %c0_i32_0 = arith.constant 0 : i32
    %c0_i32_1 = arith.constant 0 : i32
    return %c0_i32, %c0_i32_0 : i32, i32
  }
  func.func @transform_3(%arg0: i32) -> (i32, i32, i32) {
    %c0_i32 = arith.constant 0 : i32
    %c0_i32_0 = arith.constant 0 : i32
    %c0_i32_1 = arith.constant 0 : i32
    return %arg0, %c0_i32, %c0_i32_0 : i32, i32, i32
  }
}

module attributes {stable_mosaic.version = 14 : i64} {
  func.func @_finish_body(%arg0: i32, %arg1: memref<1x256x576xf32, #tpu.memory_space<vmem>>, %arg2: memref<1x576x256xf32, #tpu.memory_space<vmem>>, %arg3: memref<1x576x256xf32, #tpu.memory_space<vmem>>, %arg4: memref<2x8192xf32, #tpu.memory_space<vmem>>, %arg5: memref<2x8192xf32, #tpu.memory_space<vmem>>, %arg6: memref<1x256x576xf32, #tpu.memory_space<vmem>>, %arg7: memref<1x1xf32, #tpu.memory_space<smem>>, %arg8: memref<1x1xf32, #tpu.memory_space<smem>>, %arg9: memref<1x1xf32, #tpu.memory_space<smem>>) attributes {dimension_semantics = [#tpu.dimension_semantics<arbitrary>], iteration_bounds = array<i64: 16>, scalar_prefetch = 0 : i64, scratch_operands = 1 : i64, tpu.core_type = #tpu.core_type<tc>, window_params = [{transform_indices = @transform_0, window_bounds = array<i64: 1, 256, 576>}, {transform_indices = @transform_1, window_bounds = array<i64: 1, 576, 256>}, {transform_indices = @transform_2, window_bounds = array<i64: 1, 576, 256>}, {pipeline_mode = #tpu.pipeline_mode<synchronous>, transform_indices = @transform_3, window_bounds = array<i64: 2, 8192>}, {pipeline_mode = #tpu.pipeline_mode<synchronous>, transform_indices = @transform_4, window_bounds = array<i64: 2, 8192>}, {transform_indices = @transform_5, window_bounds = array<i64: 1, 256, 576>}, {transform_indices = @transform_6, window_bounds = array<i64: 1, 1>}, {transform_indices = @transform_7, window_bounds = array<i64: 1, 1>}]} {
    %get3A = arith.constant 0 : index
    %get3A_0 = arith.constant 0 : index
    %get3A_1 = arith.constant 0 : index
    %get3A_2 = vector.load %arg1[%get3A, %get3A_0, %get3A_1] : memref<1x256x576xf32, #tpu.memory_space<vmem>>, vector<1x256x576xf32>
    %get3A_3 = vector.shape_cast %get3A_2 : vector<1x256x576xf32> to vector<256x576xf32>
    %lt3A = arith.constant 8 : i32
    %lt3A_4 = arith.cmpi slt, %arg0, %lt3A : i32
    %get3A_5 = arith.constant 0 : index
    %get3A_6 = arith.constant 0 : index
    %get3A_7 = arith.constant 0 : index
    %get3A_8 = vector.load %arg2[%get3A_5, %get3A_6, %get3A_7] : memref<1x576x256xf32, #tpu.memory_space<vmem>>, vector<1x576x256xf32>
    %get3A_9 = vector.shape_cast %get3A_8 : vector<1x576x256xf32> to vector<576x256xf32>
    %get3A_10 = arith.constant 0 : index
    %get3A_11 = arith.constant 0 : index
    %get3A_12 = arith.constant 0 : index
    %get3A_13 = vector.load %arg3[%get3A_10, %get3A_11, %get3A_12] : memref<1x576x256xf32, #tpu.memory_space<vmem>>, vector<1x576x256xf32>
    %get3A_14 = vector.shape_cast %get3A_13 : vector<1x576x256xf32> to vector<576x256xf32>
    %select_n3A = arith.select %lt3A_4, %get3A_9, %get3A_14 : vector<576x256xf32>
    %transpose3A = tpu.transpose %select_n3A, [1, 0] : vector<576x256xf32> -> vector<256x576xf32>
    %sub3A = arith.subf %transpose3A, %get3A_3 : vector<256x576xf32>
    %add3A = arith.addf %get3A_3, %sub3A : vector<256x576xf32>
    %swap3A = arith.constant 0 : index
    %swap3A_15 = arith.constant 0 : index
    %swap3A_16 = arith.constant 0 : index
    %swap3A_17 = vector.load %arg6[%swap3A, %swap3A_15, %swap3A_16] : memref<1x256x576xf32, #tpu.memory_space<vmem>>, vector<1x256x576xf32>
    %swap3A_18 = vector.shape_cast %swap3A_17 : vector<1x256x576xf32> to vector<256x576xf32>
    %swap3A_19 = vector.shape_cast %add3A : vector<256x576xf32> to vector<1x256x576xf32>
    tpu.vector_store %arg6[%swap3A, %swap3A_15, %swap3A_16], %swap3A_19 {strides = array<i32>} : memref<1x256x576xf32, #tpu.memory_space<vmem>>, vector<1x256x576xf32>,
    %mul3A = arith.mulf %sub3A, %sub3A : vector<256x576xf32>
    %reduce_sum3A = vector.shape_cast %mul3A : vector<256x576xf32> to vector<1x256x576xf32>
    %reduce_sum3A_20 = arith.constant dense<0.000000e+00> : vector<1xf32>
    %reduce_sum3A_21 = vector.multi_reduction <add>, %reduce_sum3A, %reduce_sum3A_20 [1, 2] : vector<1x256x576xf32> to vector<1xf32>
    %reduce_sum3A_22 = vector.shape_cast %reduce_sum3A_21 : vector<1xf32> to vector<1x1x1xf32>
    %reduce_sum3A_23 = vector.extract %reduce_sum3A_22[0, 0, 0] : f32 from vector<1x1x1xf32>
    %eq3A = arith.constant 0 : i32
    %eq3A_24 = arith.cmpi eq, %arg0, %eq3A : i32
    %convert_element_type3A = arith.extui %eq3A_24 : i1 to i32
    %cond3A = arith.constant 0 : i32
    %cond3A_25 = arith.cmpi ne, %convert_element_type3A, %cond3A : i32
    scf.if %cond3A_25 {
      %swap3A_38 = arith.constant 0.000000e+00 : f32
      %swap3A_39 = arith.constant 0 : index
      %swap3A_40 = arith.constant 0 : index
      %swap3A_41 = memref.load %arg9[%swap3A_39, %swap3A_40] : memref<1x1xf32, #tpu.memory_space<smem>>
      memref.store %swap3A_38, %arg9[%swap3A_39, %swap3A_40] : memref<1x1xf32, #tpu.memory_space<smem>>
    } else {
    }
    %get3A_26 = arith.constant 0 : index
    %get3A_27 = arith.constant 0 : index
    %get3A_28 = memref.load %arg9[%get3A_26, %get3A_27] : memref<1x1xf32, #tpu.memory_space<smem>>
    %add3A_29 = arith.addf %get3A_28, %reduce_sum3A_23 : f32
    %swap3A_30 = arith.constant 0 : index
    %swap3A_31 = arith.constant 0 : index
    %swap3A_32 = memref.load %arg9[%swap3A_30, %swap3A_31] : memref<1x1xf32, #tpu.memory_space<smem>>
    memref.store %add3A_29, %arg9[%swap3A_30, %swap3A_31] : memref<1x1xf32, #tpu.memory_space<smem>>
    %eq3A_33 = arith.constant 15 : i32
    %eq3A_34 = arith.cmpi eq, %arg0, %eq3A_33 : i32
    %convert_element_type3A_35 = arith.extui %eq3A_34 : i1 to i32
    %cond3A_36 = arith.constant 0 : i32
    %cond3A_37 = arith.cmpi ne, %convert_element_type3A_35, %cond3A_36 : i32
    scf.if %cond3A_37 {
      %get3A_38 = arith.constant 0 : index
      %get3A_39 = arith.constant 0 : index
      %get3A_40 = memref.load %arg9[%get3A_38, %get3A_39] : memref<1x1xf32, #tpu.memory_space<smem>>
      %div3A = arith.constant 0x4A100000 : f32
      %div3A_41 = arith.divf %get3A_40, %div3A : f32
      %mul3A_42 = arith.constant 2.500000e-01 : f32
      %mul3A_43 = arith.mulf %mul3A_42, %div3A_41 : f32
      %add3A_44 = arith.addf %div3A_41, %mul3A_43 : f32
      %swap3A_45 = arith.constant 0 : index
      %swap3A_46 = arith.constant 0 : index
      %swap3A_47 = memref.load %arg7[%swap3A_45, %swap3A_46] : memref<1x1xf32, #tpu.memory_space<smem>>
      memref.store %add3A_44, %arg7[%swap3A_45, %swap3A_46] : memref<1x1xf32, #tpu.memory_space<smem>>
      %get3A_48 = arith.constant 0 : index
      %get3A_49 = arith.constant 0 : index
      %get3A_50 = vector.load %arg4[%get3A_48, %get3A_49] : memref<2x8192xf32, #tpu.memory_space<vmem>>, vector<1x8192xf32>
      %get3A_51 = vector.shape_cast %get3A_50 : vector<1x8192xf32> to vector<8192xf32>
      %get3A_52 = arith.constant 1 : index
      %get3A_53 = arith.constant 0 : index
      %get3A_54 = vector.load %arg4[%get3A_52, %get3A_53] : memref<2x8192xf32, #tpu.memory_space<vmem>>, vector<1x8192xf32>
      %get3A_55 = vector.shape_cast %get3A_54 : vector<1x8192xf32> to vector<8192xf32>
      %add3A_56 = arith.addf %get3A_51, %get3A_55 : vector<8192xf32>
      %get3A_57 = arith.constant 0 : index
      %get3A_58 = arith.constant 0 : index
      %get3A_59 = vector.load %arg5[%get3A_57, %get3A_58] : memref<2x8192xf32, #tpu.memory_space<vmem>>, vector<1x8192xf32>
      %get3A_60 = vector.shape_cast %get3A_59 : vector<1x8192xf32> to vector<8192xf32>
      %get3A_61 = arith.constant 1 : index
      %get3A_62 = arith.constant 0 : index
      %get3A_63 = vector.load %arg5[%get3A_61, %get3A_62] : memref<2x8192xf32, #tpu.memory_space<vmem>>, vector<1x8192xf32>
      %get3A_64 = vector.shape_cast %get3A_63 : vector<1x8192xf32> to vector<8192xf32>
      %add3A_65 = arith.addf %get3A_60, %get3A_64 : vector<8192xf32>
      %add3A_66 = arith.addf %add3A_56, %add3A_65 : vector<8192xf32>
      %div3A_67 = arith.constant 9.216000e+03 : f32
      %div3A_68 = vector.broadcast %div3A_67 : f32 to vector<8192xf32>
      %div3A_69 = arith.divf %add3A_66, %div3A_68 : vector<8192xf32>
      %add3A_70 = arith.constant 1.000000e-10 : f32
      %add3A_71 = vector.broadcast %add3A_70 : f32 to vector<8192xf32>
      %add3A_72 = arith.addf %div3A_69, %add3A_71 : vector<8192xf32>
      %log3A = math.log %add3A_72 : vector<8192xf32>
      %mul3A_73 = arith.mulf %div3A_69, %log3A : vector<8192xf32>
      %reduce_sum3A_74 = vector.shape_cast %mul3A_73 : vector<8192xf32> to vector<1x8192xf32>
      %reduce_sum3A_75 = arith.constant dense<0.000000e+00> : vector<1xf32>
      %reduce_sum3A_76 = vector.multi_reduction <add>, %reduce_sum3A_74, %reduce_sum3A_75 [1] : vector<1x8192xf32> to vector<1xf32>
      %reduce_sum3A_77 = vector.shape_cast %reduce_sum3A_76 : vector<1xf32> to vector<1x1xf32>
      %reduce_sum3A_78 = vector.extract %reduce_sum3A_77[0, 0] : f32 from vector<1x1xf32>
      %neg3A = arith.constant 0.000000e+00 : f32
      %neg3A_79 = arith.subf %neg3A, %reduce_sum3A_78 : f32
      %exp3A = math.exp %neg3A_79 : f32
      %swap3A_80 = arith.constant 0 : index
      %swap3A_81 = arith.constant 0 : index
      %swap3A_82 = memref.load %arg8[%swap3A_80, %swap3A_81] : memref<1x1xf32, #tpu.memory_space<smem>>
      memref.store %exp3A, %arg8[%swap3A_80, %swap3A_81] : memref<1x1xf32, #tpu.memory_space<smem>>
    } else {
    }
    return
  }
  func.func @transform_0(%arg0: i32) -> (i32, i32, i32) {
    %c0_i32 = arith.constant 0 : i32
    %c0_i32_0 = arith.constant 0 : i32
    %c0_i32_1 = arith.constant 0 : i32
    return %arg0, %c0_i32, %c0_i32_0 : i32, i32, i32
  }
  func.func @transform_1(%arg0: i32) -> (i32, i32, i32) {
    %min3A = arith.constant 7 : i32
    %min3A_0 = arith.minsi %arg0, %min3A : i32
    %c0_i32 = arith.constant 0 : i32
    %c0_i32_1 = arith.constant 0 : i32
    %c0_i32_2 = arith.constant 0 : i32
    return %min3A_0, %c0_i32, %c0_i32_1 : i32, i32, i32
  }
  func.func @transform_2(%arg0: i32) -> (i32, i32, i32) {
    %sub3A = arith.constant 8 : i32
    %sub3A_0 = arith.subi %arg0, %sub3A : i32
    %max3A = arith.constant 0 : i32
    %max3A_1 = arith.maxsi %sub3A_0, %max3A : i32
    %c0_i32 = arith.constant 0 : i32
    %c0_i32_2 = arith.constant 0 : i32
    %c0_i32_3 = arith.constant 0 : i32
    return %max3A_1, %c0_i32, %c0_i32_2 : i32, i32, i32
  }
  func.func @transform_3(%arg0: i32) -> (i32, i32) {
    %c0_i32 = arith.constant 0 : i32
    %c0_i32_0 = arith.constant 0 : i32
    %c0_i32_1 = arith.constant 0 : i32
    return %c0_i32, %c0_i32_0 : i32, i32
  }
  func.func @transform_4(%arg0: i32) -> (i32, i32) {
    %c0_i32 = arith.constant 0 : i32
    %c0_i32_0 = arith.constant 0 : i32
    %c0_i32_1 = arith.constant 0 : i32
    return %c0_i32, %c0_i32_0 : i32, i32
  }
  func.func @transform_5(%arg0: i32) -> (i32, i32, i32) {
    %c0_i32 = arith.constant 0 : i32
    %c0_i32_0 = arith.constant 0 : i32
    %c0_i32_1 = arith.constant 0 : i32
    return %arg0, %c0_i32, %c0_i32_0 : i32, i32, i32
  }
  func.func @transform_6(%arg0: i32) -> (i32, i32) {
    %c0_i32 = arith.constant 0 : i32
    %c0_i32_0 = arith.constant 0 : i32
    %c0_i32_1 = arith.constant 0 : i32
    return %c0_i32, %c0_i32_0 : i32, i32
  }
  func.func @transform_7(%arg0: i32) -> (i32, i32) {
    %c0_i32 = arith.constant 0 : i32
    %c0_i32_0 = arith.constant 0 : i32
    %c0_i32_1 = arith.constant 0 : i32
    return %c0_i32, %c0_i32_0 : i32, i32
  }
}

</mosaic_0001>

<sc_bundles>
// kernel: kernel.11.cloned.1.call-start
scs
__scs_entry_jumppad:
0x0: {  	(pc) =	sbr.rel $0x88, $3  }
0x1: {  	(tag) =	ssettag $0x0;
	lr =	simm.s32 $0x1  }
0x2: {  	[smem:$0x3F9F] =	sst lr;
	_ =	strace $0xD0000000  }
0x3: {  	_ = 	snop  }
0x4: {  	_ = 	snop  }
0x5: {  	_ = 	snop  }
0x6: {  	_ = 	snop  }
0x7: {  	_ = 	snop  }
__scs_overlays_trampoline_lowered:
0x8: {  	[smem:$0x3FAE] =	sst s0  }
0x9: {  	[smem:$0x3FAF] =	sst s1  }
0xa: {  	[smem:$0x3FB0] =	sst s2  }
0xb: {  	[smem:$0x3FB1] =	sst s3  }
0xc: {  	[smem:$0x3FB2] =	sst s4  }
0xd: {  	[smem:$0x3FB3] =	sst s5  }
0xe: {  	[smem:$0x3FB4] =	sst s6  }
0xf: {  	[smem:$0x3FB5] =	sst s7  }
0x10: {  	[smem:$0x3FB6] =	sst s8  }
0x11: {  	[smem:$0x3FB7] =	sst s9;
	s0 =	simm.s32 @!p0 $0x0  }
0x12: {  	s1 =	sld [smem:$0x3F9D];
	s0 =	simm.s32 @p0 $0x1  }
0x13: {  	[smem:$0x3FB8] =	sst s0;
	s0 =	simm.s32 @!p1 $0x0  }
0x14: {  	s2 =	sld [smem:$0x3F9C];
	s0 =	simm.s32 @p1 $0x1  }
0x15: {  	[smem:$0x3FB9] =	sst s0;
	s0 =	simm.s32 @!p2 $0x0  }
0x16: {  	s3 =	sld [smem:$0x3FDB];
	s0 =	simm.s32 @p2 $0x1  }
0x17: {  	s4 =	simm.s32 $0x1BF5;
	[smem:$0x3FBB] =	sst s0  }
0x18: {  	s0 =	sld [smem:$0x3F9E];
	_ =	swait.ge [sflag:s4], $0x0  }
0x19: {  	s7 =	sld [smem:$0x3F9F]  }
0x1a: {  	s8 =	sadd.s32 $0xFFFFE003, lr  }
0x1b: {  	s9 =	sadd.s32 $0xFFFFFEF7, lr;
	s5 =	simm.s32 $0xFFFFFFFF;
	p2 =	slt.u32 s8, $0xFFFFF086  }
0x1c: {  	p1 =	slt.u32 s9, $0xF7A;
	s5 =	simm.s32 @!p2 $0x0  }
0x1d: {  	s5 =	simm.s32 @p1 $0x1;
	p0 =	seq.s32 s7, s2  }
0x1e: {  	s7 =	smul.u32 @!p0 $0xF7A, s2;
	p2 =	seq.s32 @!p0 s5, $0x0  }
0x1f: {  	s9 =	smul.u32 $0xF7A, s1;
	s8 =	simm.s32 @!p0 $0x1BF5;
	p2 =	por !p2, p0  }
0x20: {  	[sflag:s8] =	ssyncset.s32 @!p0 $0xFFFFF086;
	s6 =	sadd.s32 @!p0 s3, s7;
	s7 =	simm.s32 @!p0 $0x108  }
0x21: {  	s3 =	sadd.s32 s3, s9;
	s6 =	sadd.s32 @!p0 $0x88, s6;
	s7 =	simm.s32 @p2 $0x1082  }
0x22: {  	[simem:s7], [sflag:s8] =	dma.local @!p0 [hbm:s6], $0xF7A  }
0x23: {  	s9 =	sor.u32 $0xD0000000, s2;
	s6 =	simm.s32 $0x108;
	_ =	swait.ge @!p0 [sflag:s8], $0x0  }
0x24: {  	s3 =	sadd.s32 $0x88, s3;
	s6 =	simm.s32 @!p1 $0x1082;
	[sflag:s4] =	ssyncset.s32 $0xFFFFF086  }
0x25: {  	[simem:s6], [sflag:s4] =	dma.local [hbm:s3], $0xF7A  }
0x26: {  	[smem:$0x3F9F] =	sst s1;
	(tag) =	ssettag s2;
	_ =	strace s9  }
0x27: {  	s1 =	sld [smem:$0x3FAF]  }
0x28: {  	s2 =	sld [smem:$0x3FB0]  }
0x29: {  	s4 =	sld [smem:$0x3FB2]  }
0x2a: {  	p0 =	seq.s32 s5, $0x0;
	s5 =	sld [smem:$0x3FB3]  }
0x2b: {  	s6 =	sld [smem:$0x3FB4]  }
0x2c: {  	s7 =	sld [smem:$0x3FB5]  }
0x2d: {  	s3 =	simm.s32 $0x108;
	s8 =	sld [smem:$0x3FB6]  }
0x2e: {  	s3 =	simm.s32 @!p0 $0x1082;
	s9 =	sld [smem:$0x3FB7]  }
0x2f: {  	lr =	sadd.s32 s0, s3;
	s0 =	sld [smem:$0x3FAE]  }
0x30: {  	s3 =	sld [smem:$0x3FB1]  }
0x31: {  	[smem:$0x3FBA] =	sst s10  }
0x32: {  	s10 =	sld [smem:$0x3FB8];
	_ =	sdelay $0x3  }
0x33: {  	p0 =	seq.s32 s10, $0x1;
	s10 =	sld [smem:$0x3FBA];
	_ =	sdelay $0x3  }
0x34: {  	[smem:$0x3FBA] =	sst s10  }
0x35: {  	s10 =	sld [smem:$0x3FB9];
	_ =	sdelay $0x3  }
0x36: {  	p1 =	seq.s32 s10, $0x1;
	s10 =	sld [smem:$0x3FBA];
	_ =	sdelay $0x3  }
0x37: {  	[smem:$0x3FBA] =	sst s10  }
0x38: {  	s10 =	sld [smem:$0x3FBB]  }
0x39: {  	_ = 	snop;
	(pc) =	sbr.ind lr, $3  }
0x3a: {  	_ = 	snop  }
0x3b: {  	_ = 	snop  }
0x3c: {  	p2 =	seq.s32 s10, $0x1;
	s10 =	sld [smem:$0x3FBA]  }
0x3d: {  	_ =	shalt  }
0x3e: {  	_ =	shalt  }
0x3f: {  	_ =	shalt  }
0x40: {  	_ =	shalt  }
0x41: {  	_ =	shalt  }
0x42: {  	_ =	shalt  }
0x43: {  	_ =	shalt  }
0x44: {  	_ =	shalt  }
0x45: {  	_ =	shalt  }
0x46: {  	_ =	shalt  }
0x47: {  	_ =	shalt  }
0x48: {  	_ =	shalt  }
0x49: {  	_ =	shalt  }
0x4a: {  	_ =	shalt  }
0x4b: {  	_ =	shalt  }
0x4c: {  	_ =	shalt  }
0x4d: {  	_ =	shalt  }
0x4e: {  	_ =	shalt  }
0x4f: {  	_ =	shalt  }
0x50: {  	_ =	shalt  }
0x51: {  	_ =	shalt  }
0x52: {  	_ =	shalt  }
0x53: {  	_ =	shalt  }
0x54: {  	_ =	shalt  }
0x55: {  	_ =	shalt  }
0x56: {  	_ =	shalt  }
0x57: {  	_ =	shalt  }
0x58: {  	_ =	shalt  }
0x59: {  	_ =	shalt  }
0x5a: {  	_ =	shalt  }
0x5b: {  	_ =	shalt  }
0x5c: {  	_ =	shalt  }
0x5d: {  	_ =	shalt  }
0x5e: {  	_ =	shalt  }
0x5f: {  	_ =	shalt  }
0x60: {  	_ =	shalt  }
0x61: {  	_ =	shalt  }
0x62: {  	_ =	shalt  }
0x63: {  	_ =	shalt  }
0x64: {  	_ =	shalt  }
0x65: {  	_ =	shalt  }
0x66: {  	_ =	shalt  }
0x67: {  	_ =	shalt  }
0x68: {  	_ =	shalt  }
0x69: {  	_ =	shalt  }
0x6a: {  	_ =	shalt  }
0x6b: {  	_ =	shalt  }
0x6c: {  	_ =	shalt  }
0x6d: {  	_ =	shalt  }
0x6e: {  	_ =	shalt  }
0x6f: {  	_ =	shalt  }
0x70: {  	_ =	shalt  }
0x71: {  	_ =	shalt  }
0x72: {  	_ =	shalt  }
0x73: {  	_ =	shalt  }
0x74: {  	_ =	shalt  }
0x75: {  	_ =	shalt  }
0x76: {  	_ =	shalt  }
0x77: {  	_ =	shalt  }
0x78: {  	_ =	shalt  }
0x79: {  	_ =	shalt  }
0x7a: {  	_ =	shalt  }
0x7b: {  	_ =	shalt  }
0x7c: {  	_ =	shalt  }
0x7d: {  	_ =	shalt  }
0x7e: {  	_ =	shalt  }
0x7f: {  	_ =	shalt  }
0x80: {  	_ =	shalt  }
0x81: {  	_ =	shalt  }
0x82: {  	_ =	shalt  }
0x83: {  	_ =	shalt  }
0x84: {  	_ =	shalt  }
0x85: {  	_ =	shalt  }
0x86: {  	_ =	shalt  }
0x87: {  	_ =	shalt  }
.Lfunc_end0:
.L_simem_size_0:
called_computation.1_lowered:
.L_overlay_start_0:
0x88: {  	s2 =	sld [smem:$0x3FD9]  }
0x89: {  	s3 =	sld [smem:$0x3FFE];
	_ =	sdelay $0x1  }
0x8a: {  	s1 =	srdreg.scid  }
0x8b: {  	s0 =	sand.u32 $0x1, s1  }
0x8c: {  	s17 =	sshll.u32 s0, $0xA;
	s2 =	sadd.s32 s3, s2  }
0x8d: {  	s2 =	sadd.s32 s2, s17  }
0x8e: {  	[smem:$0x3FC6] =	sst s2  }
0x8f: {  	_ = 	snop  }
0x90: {  	s2 =	sld [smem:$0x3FC8];
	(tm) =	ssettm $0x1  }
0x91: {  	s18 =	sld [smem:$0x3FFB];
	_ =	sdelay $0x3  }
0x92: {  	_ =	strace s18  }
0x93: {  	s3 =	sld [smem:$0x3FFC];
	_ =	sdelay $0x3  }
0x94: {  	_ =	strace s3  }
0x95: {  	s3 =	sld [smem:$0x3FFD];
	_ =	sdelay $0x3  }
0x96: {  	_ =	strace s3  }
0x97: {  	_ =	strace $0x8FFFFFFF  }
0x98: {  	s19 =	sld [smem:$0x3FDB];
	_ =	sdelay $0x1  }
0x99: {  	s4 =	simm.s32 $_scs_section_size  }
0x9a: {  	s5 =	simm.s32 $_size__tile_overlayer_lowered;
	s6 =	simm.s32 $_tile_overlayer_lowered  }
0x9b: {  	s22 =	simm.s32 $0x1BFF;
	s21 =	sshll.u32 s6, $0x1;
	s3 =	sadd.s32 s4, s19  }
0x9c: {  	s7 =	simm.s32 $0x0;
	s20 =	sshll.u32 s5, $0x1;
	s5 =	sadd.s32 s21, s3  }
0x9d: {  	[timem:s7], [sflag:s22] =	dma.local [hbm:s5], s20  }
0x9e: {  	_ =	swait.ge [sflag:s22], s20  }
0x9f: {  	s4 =	ssub.s32 $0x0, s20;
	[sflag:s22] =	ssyncset.done $0x0  }
0xa0: {  	[sflag:s22] =	ssyncadd.s32 s4;
	_ =	sdelay $0x1  }
0xa1: {  	s23 =	simm.s32 $0x1B8B  }
0xa2: {  	_ =	swait.ge [sflag:s23], $0x1  }
0xa3: {  	[sflag:s23] =	ssyncset.done $0x0  }
0xa4: {  	s25 =	simm.s32 $0x1B8E;
	s24 =	sld [smem:$0x3FFE];
	[sflag:s23] =	ssyncadd.s32 $0xFFFFFFFF  }
0xa5: {  	s26 =	simm.s32 $execute0_lowered;
	[smem:$0x3FD2] =	sst s25  }
0xa6: {  	s5 =	sshll.u32 s26, $0x1;
	_ =	strace $0x80000046;
	[dreg:$0x1] =	wrdreg $0xFFFFFFFF  }
0xa7: {  	s28 =	simm.s32 $_size_execute0_lowered;
	s3 =	sadd.s32 s3, s5;
	[dreg:$0x0] =	wrdreg $0x0  }
0xa8: {  	s5 =	sshll.u32 s28, $0x1;
	[dreg:$0x2] =	wrdreg s3  }
0xa9: {  	[dreg:$0x3] =	wrdreg s5  }
0xaa: {  	[dreg:$0x4] =	wrdreg $0xC0  }
0xab: {  	_ =	task [dreg:s7], $0x5FFFF  }
0xac: {  	[dreg:$0x1] =	wrdreg $0xFFFFFFFF  }
0xad: {  	[dreg:$0x0] =	wrdreg $0x60  }
0xae: {  	[dreg:$0x2] =	wrdreg s2  }
0xaf: {  	[dreg:$0x3] =	wrdreg s24  }
0xb0: {  	[dreg:$0x4] =	wrdreg $0x94800  }
0xb1: {  	[dreg:$0x5] =	wrdreg $0xA  }
0xb2: {  	_ =	task.clear_ibuf [dreg:s7], $0x6FFFF;
	_ =	strace $0x90000046  }
0xb3: {  	s29 =	simm.s32 $0xA;
	_ =	strace $0x80000048  }
0xb4: {  	_ =	swait.ge [sflag:s29], $0x1  }
0xb5: {  	[sflag:s29] =	ssyncadd.s32 $0xFFFFFFFF  }
0xb6: {  	_ =	strace $0x90000048  }
0xb7: {  	_ =	sfence  }
0xb8: {  	s30 =	sld [smem:$0x0];
	_ =	sdelay $0x2  }
0xb9: {  	s31 =	sshll.u32 s1, $0xD;
	s1 =	sshrl.u32 s1, $0x2  }
0xba: {  	s3 =	sand.u32 $0x4000, s31;
	s1 =	sadd.s32 s1, s30  }
0xbb: {  	s0 =	sor.u32 s3, s0;
	s1 =	sshll.u32 s1, $0x11  }
0xbc: {  	s0 =	sor.u32 s1, s0  }
0xbd: {  	s0 =	sadd.s32 $0x8F2B, s0  }
0xbe: {  	[sflag:s0] =	ssyncadd.remote.s32 $0x1  }
0xbf: {  	_ =	sfence.sel $0xFFFF  }
0xc0: {  	[dreg:$0x0] =	wrdreg $0xFFFFFFFF;
	(pc) =	sbr.abs _section_cstart, $3  }
0xc1: {  	[dreg:$0x1] =	wrdreg $0xFFFFFFFF  }
0xc2: {  	_ =	task.clear_ibuf [dreg:s7], $0x2FFFF;
	_ =	strace $0x9FFFFFFF  }
0xc3: {  	(tm) =	ssettm $0x7FFFFFFF  }
tec
execute0_lowered:
.L_overlay_start_1:
0x0: {  	(tag) =	ssettag $0x1  }
0x1: {  	s1 =	rddreg [dreg:$0x0]  }
0x2: {  	s4 =	rddreg [dreg:$0x1]  }
0x3: {  	s2 =	rddreg [dreg:$0x2]  }
0x4: {  	s5 =	srdreg.scid;
	s6 =	stileid.u32;
	s3 =	simm.s32 $0x0  }
0x5: {  	s23 =	simm.s32 $0xA00;
	s25 =	simm.s32 $0x1200;
	s26 =	simm.s32 $0x1A00  }
0x6: {  	s28 =	simm.s32 $0x2200;
	s29 =	simm.s32 $0x2A00;
	s30 =	simm.s32 $0x3200  }
0x7: {  	s31 =	simm.s32 $0x3A00;
	s12 =	simm.s32 $0x6200;
	s13 =	simm.s32 $0x6A00  }
0x8: {  	s14 =	simm.s32 $0x7200;
	s15 =	simm.s32 $0x7A00;
	[smem:$0x7FF] =	sst s3  }
0x9: {  	s5 =	sand.u32 $0x1, s5;
	_ =	strace $0x80000047;
	[dreg:$0x9] =	wrdreg s23  }
0xa: {  	s7 =	sshll.u32 s6, $0x1;
	s8 =	sadd.s32 $0x51C00, s4;
	[dreg:$0xa] =	wrdreg s25  }
0xb: {  	s10 =	sadd.s32 $0x52000, s4;
	s16 =	sshll.u32 s6, $0x9;
	[dreg:$0xb] =	wrdreg s26  }
0xc: {  	p0 =	sne.s32 s6, $0x0;
	s6 =	simm.s32 $0x3;
	[dreg:$0xc] =	wrdreg s28  }
0xd: {  	s7 =	sor.u32 s5, s7;
	s11 =	sshll.u32 s5, $0x4;
	[dreg:$0xd] =	wrdreg s29  }
0xe: {  	s17 =	sadd.s32 s16, s2;
	s5 =	ssub.s32 $0x2, s5;
	[dreg:$0xe] =	wrdreg s30  }
0xf: {  	[dreg:$0xf] =	wrdreg s31;
	s16 =	simm.s32 $0x8200;
	s9 =	smul.u32 $0x1200, s7  }
0x10: {  	s23 =	simm.s32 $0x9280;
	s25 =	simm.s32 $0x9200;
	s7 =	smul.u32 $0x90, s7  }
0x11: {  	s4 =	sadd.s32 s11, s4;
	[dreg:$0x5] =	wrdreg s17;
	s24 =	sshrl.u32 s5, $0x1  }
0x12: {  	s11 =	simm.s32 $0x5A00;
	s17 =	simm.s32 $0x8A00;
	s4 =	sadd.s32 $0x76000, s4  }
0x13: {  	s5 =	ssub.s32 s5, s24;
	s24 =	simm.s32 $0x48;
	s9 =	sadd.s32 s10, s9  }
0x14: {  	s18 =	sadd.s32 $0x48, s7;
	[dreg:$0x6] =	wrdreg s4;
	s7 =	sshrl.u32 s7, $0x3  }
0x15: {  	s5 =	smax.u32 s5, $0x1;
	[dreg:$0x4] =	wrdreg s9;
	s19 =	sshll.u32 s18, $0x5  }
0x16: {  	s21 =	sshrl.u32 s18, $0x3;
	s4 =	sadd.s32 s8, s7;
	s7 =	simm.s32 $0x200  }
0x17: {  	s9 =	simm.s32 $0x4A00;
	s18 =	simm.s32 $0x1;
	s20 =	sadd.s32 s10, s19  }
0x18: {  	v2 =	vlaneseq.u32;
	vm0 =	vmmov $0xffff;
	s22 =	sadd.s32 s8, s21;
	s8 =	simm.s32 $0x4200;
	s10 =	simm.s32 $0x5200  }
0x19: {  	v3 =	vimm.f32 $1.000000000e+00;
	v4 =	vimm.f32 $0.0e+00;
	v1 =	vshrl.u32 v2, $0x3;
	s19 =	simm.s32 $0x4;
	s21 =	simm.s32 $0x100;
	[dreg:$0x7] =	wrdreg s20  }
0x1a: {  	v0 =	vand.u32 $0x7, v2;
	v2 =	vor.u32 $0x8, v2;
	v1 =	vmul.u32 $0x8, v1;
	[dreg:$0x8] =	wrdreg s22;
	s20 =	simm.s32 $0x2;
	s22 =	simm.s32 $0x180  }
.LBB2_1:
0x1b: {  	[tilespmem:s3], [sflag:$0x3] =	stream.linear.gather [hbm4b:s4+s3], $0x90, $0x38;
	[tilespmem:$0x9680] =	vst v63  }
0x1c: {  	_ =	swait.ge [sflag:s6], $0x90  }
0x1d: {  	[sflag:s6] =	ssyncset.done $0x0  }
0x1e: {  	[sflag:s6] =	ssyncadd.s32 $0xFFFFFF70  }
0x1f: {  	v5 =	vld [tilespmem:$0x0];
	_ =	sdelay $0x4  }
0x20: {  	v6 =	vshll.u32 v5, $0x1  }
0x21: {  	v5 =	vand.u32 $0x7, v5;
	v6 =	vand.u32 $0xFFFFFFF0, v6  }
0x22: {  	v5 =	vor.u32 v5, v6  }
0x23: {  	v6 =	vperm.xlane v5, v0;
	_ =	sdelay $0x1  }
0x24: {  	v5 =	vperm.xlane v5, v2;
	v6 =	vadd.s32 v1, v6;
	_ =	sdelay $0x1  }
0x25: {  	v5 =	vadd.s32 v1, v5;
	_ =	sdelay $0x2  }
0x26: {  	[tilespmem:s7], [sflag:$0x1] =	stream.indirect_vreg.gather [hbm4b:s1+s3], $0x80, v6, vm0, $0xb8;
	[tilespmem:$0x9680] =	vst v63  }
0x27: {  	s26 =	rddreg [dreg:$0x9]  }
0x28: {  	[tilespmem:s26], [sflag:$0x1] =	stream.indirect_vreg.gather [hbm4b:s1+s3], $0x80, v5, vm0, $0xb8;
	[tilespmem:$0x9680] =	vst v63  }
0x29: {  	v5 =	vld [tilespmem:$0x10];
	_ =	sdelay $0x4  }
0x2a: {  	v6 =	vshll.u32 v5, $0x1  }
0x2b: {  	v5 =	vand.u32 $0x7, v5;
	v6 =	vand.u32 $0xFFFFFFF0, v6  }
0x2c: {  	v5 =	vor.u32 v5, v6  }
0x2d: {  	v6 =	vperm.xlane v5, v0;
	_ =	sdelay $0x1  }
0x2e: {  	v5 =	vperm.xlane v5, v2;
	v6 =	vadd.s32 v1, v6;
	_ =	sdelay $0x1  }
0x2f: {  	v5 =	vadd.s32 v1, v5;
	_ =	sdelay $0x1  }
0x30: {  	s0 =	rddreg [dreg:$0xa]  }
0x31: {  	[tilespmem:s0], [sflag:$0x1] =	stream.indirect_vreg.gather [hbm4b:s1+s3], $0x80, v6, vm0, $0xb8;
	[tilespmem:$0x9680] =	vst v63  }
0x32: {  	s28 =	rddreg [dreg:$0xb]  }
0x33: {  	[tilespmem:s28], [sflag:$0x1] =	stream.indirect_vreg.gather [hbm4b:s1+s3], $0x80, v5, vm0, $0xb8;
	[tilespmem:$0x9680] =	vst v63  }
0x34: {  	v5 =	vld [tilespmem:$0x20];
	_ =	sdelay $0x4  }
0x35: {  	v6 =	vshll.u32 v5, $0x1  }
0x36: {  	v5 =	vand.u32 $0x7, v5;
	v6 =	vand.u32 $0xFFFFFFF0, v6  }
0x37: {  	v5 =	vor.u32 v5, v6  }
0x38: {  	v6 =	vperm.xlane v5, v0;
	_ =	sdelay $0x1  }
0x39: {  	v5 =	vperm.xlane v5, v2;
	v6 =	vadd.s32 v1, v6;
	_ =	sdelay $0x1  }
0x3a: {  	v5 =	vadd.s32 v1, v5;
	_ =	sdelay $0x1  }
0x3b: {  	s29 =	rddreg [dreg:$0xc]  }
0x3c: {  	[tilespmem:s29], [sflag:$0x1] =	stream.indirect_vreg.gather [hbm4b:s1+s3], $0x80, v6, vm0, $0xb8;
	[tilespmem:$0x9680] =	vst v63  }
0x3d: {  	s30 =	rddreg [dreg:$0xd]  }
0x3e: {  	[tilespmem:s30], [sflag:$0x1] =	stream.indirect_vreg.gather [hbm4b:s1+s3], $0x80, v5, vm0, $0xb8;
	[tilespmem:$0x9680] =	vst v63  }
0x3f: {  	v5 =	vld [tilespmem:$0x30];
	_ =	sdelay $0x4  }
0x40: {  	v6 =	vshll.u32 v5, $0x1  }
0x41: {  	v5 =	vand.u32 $0x7, v5;
	v6 =	vand.u32 $0xFFFFFFF0, v6  }
0x42: {  	v5 =	vor.u32 v5, v6  }
0x43: {  	v6 =	vperm.xlane v5, v0;
	_ =	sdelay $0x1  }
0x44: {  	v5 =	vperm.xlane v5, v2;
	v6 =	vadd.s32 v1, v6;
	_ =	sdelay $0x1  }
0x45: {  	v5 =	vadd.s32 v1, v5;
	_ =	sdelay $0x1  }
0x46: {  	s31 =	rddreg [dreg:$0xe]  }
0x47: {  	[tilespmem:s31], [sflag:$0x1] =	stream.indirect_vreg.gather [hbm4b:s1+s3], $0x80, v6, vm0, $0xb8;
	[tilespmem:$0x9680] =	vst v63  }
0x48: {  	s0 =	rddreg [dreg:$0xf]  }
0x49: {  	[tilespmem:s0], [sflag:$0x1] =	stream.indirect_vreg.gather [hbm4b:s1+s3], $0x80, v5, vm0, $0xb8;
	[tilespmem:$0x9680] =	vst v63  }
0x4a: {  	v5 =	vld.msk [tilespmem:$0x40], $0xff;
	_ =	sdelay $0x4  }
0x4b: {  	v6 =	vshll.u32 v5, $0x1  }
0x4c: {  	v5 =	vand.u32 $0x7, v5;
	v6 =	vand.u32 $0xFFFFFFF0, v6  }
0x4d: {  	v5 =	vor.u32 v5, v6  }
0x4e: {  	v5 =	vperm.xlane v5, v0;
	_ =	sdelay $0x1  }
0x4f: {  	v5 =	vadd.s32 v1, v5;
	_ =	sdelay $0x4  }
0x50: {  	[tilespmem:s8], [sflag:$0x1] =	stream.indirect_vreg.gather [hbm4b:s1+s3], $0x80, v5, vm0, $0xb8;
	[tilespmem:$0x9680] =	vst v63  }
0x51: {  	v5 =	vld [tilespmem:$0x48];
	_ =	sdelay $0x4  }
0x52: {  	v6 =	vshll.u32 v5, $0x1  }
0x53: {  	v5 =	vand.u32 $0x7, v5;
	v6 =	vand.u32 $0xFFFFFFF0, v6  }
0x54: {  	v5 =	vor.u32 v5, v6  }
0x55: {  	v6 =	vperm.xlane v5, v0;
	_ =	sdelay $0x1  }
0x56: {  	v5 =	vperm.xlane v5, v2;
	v6 =	vadd.s32 v1, v6;
	_ =	sdelay $0x1  }
0x57: {  	v5 =	vadd.s32 v1, v5;
	_ =	sdelay $0x2  }
0x58: {  	[tilespmem:s9], [sflag:$0x2] =	stream.indirect_vreg.gather [hbm4b:s1+s3], $0x80, v6, vm0, $0xb8;
	[tilespmem:$0x9680] =	vst v63  }
0x59: {  	_ = 	snop  }
0x5a: {  	[tilespmem:s10], [sflag:$0x2] =	stream.indirect_vreg.gather [hbm4b:s1+s3], $0x80, v5, vm0, $0xb8;
	[tilespmem:$0x9680] =	vst v63  }
0x5b: {  	v5 =	vld [tilespmem:$0x58];
	_ =	sdelay $0x4  }
0x5c: {  	v6 =	vshll.u32 v5, $0x1  }
0x5d: {  	v5 =	vand.u32 $0x7, v5;
	v6 =	vand.u32 $0xFFFFFFF0, v6  }
0x5e: {  	v5 =	vor.u32 v5, v6  }
0x5f: {  	v6 =	vperm.xlane v5, v0;
	_ =	sdelay $0x1  }
0x60: {  	v5 =	vperm.xlane v5, v2;
	v6 =	vadd.s32 v1, v6;
	_ =	sdelay $0x1  }
0x61: {  	v5 =	vadd.s32 v1, v5;
	_ =	sdelay $0x2  }
0x62: {  	[tilespmem:s11], [sflag:$0x2] =	stream.indirect_vreg.gather [hbm4b:s1+s3], $0x80, v6, vm0, $0xb8;
	[tilespmem:$0x9680] =	vst v63  }
0x63: {  	_ = 	snop  }
0x64: {  	[tilespmem:s12], [sflag:$0x2] =	stream.indirect_vreg.gather [hbm4b:s1+s3], $0x80, v5, vm0, $0xb8;
	[tilespmem:$0x9680] =	vst v63  }
0x65: {  	v5 =	vld [tilespmem:$0x68];
	_ =	sdelay $0x4  }
0x66: {  	v6 =	vshll.u32 v5, $0x1  }
0x67: {  	v5 =	vand.u32 $0x7, v5;
	v6 =	vand.u32 $0xFFFFFFF0, v6  }
0x68: {  	v5 =	vor.u32 v5, v6  }
0x69: {  	v6 =	vperm.xlane v5, v0;
	_ =	sdelay $0x1  }
0x6a: {  	v5 =	vperm.xlane v5, v2;
	v6 =	vadd.s32 v1, v6;
	_ =	sdelay $0x1  }
0x6b: {  	v5 =	vadd.s32 v1, v5;
	_ =	sdelay $0x2  }
0x6c: {  	[tilespmem:s13], [sflag:$0x2] =	stream.indirect_vreg.gather [hbm4b:s1+s3], $0x80, v6, vm0, $0xb8;
	[tilespmem:$0x9680] =	vst v63  }
0x6d: {  	_ = 	snop  }
0x6e: {  	[tilespmem:s14], [sflag:$0x2] =	stream.indirect_vreg.gather [hbm4b:s1+s3], $0x80, v5, vm0, $0xb8;
	[tilespmem:$0x9680] =	vst v63  }
0x6f: {  	v5 =	vld [tilespmem:$0x78];
	_ =	sdelay $0x4  }
0x70: {  	v6 =	vshll.u32 v5, $0x1  }
0x71: {  	v5 =	vand.u32 $0x7, v5;
	v6 =	vand.u32 $0xFFFFFFF0, v6  }
0x72: {  	v5 =	vor.u32 v5, v6  }
0x73: {  	v6 =	vperm.xlane v5, v0;
	_ =	sdelay $0x1  }
0x74: {  	v5 =	vperm.xlane v5, v2;
	v6 =	vadd.s32 v1, v6;
	_ =	sdelay $0x1  }
0x75: {  	v5 =	vadd.s32 v1, v5;
	_ =	sdelay $0x2  }
0x76: {  	[tilespmem:s15], [sflag:$0x2] =	stream.indirect_vreg.gather [hbm4b:s1+s3], $0x80, v6, vm0, $0xb8;
	[tilespmem:$0x9680] =	vst v63  }
0x77: {  	_ = 	snop  }
0x78: {  	[tilespmem:s16], [sflag:$0x2] =	stream.indirect_vreg.gather [hbm4b:s1+s3], $0x80, v5, vm0, $0xb8;
	[tilespmem:$0x9680] =	vst v63  }
0x79: {  	v5 =	vld.msk [tilespmem:$0x88], $0xff;
	_ =	sdelay $0x4  }
0x7a: {  	v6 =	vshll.u32 v5, $0x1  }
0x7b: {  	v5 =	vand.u32 $0x7, v5;
	v6 =	vand.u32 $0xFFFFFFF0, v6  }
0x7c: {  	v5 =	vor.u32 v5, v6  }
0x7d: {  	v5 =	vperm.xlane v5, v0;
	_ =	sdelay $0x1  }
0x7e: {  	v5 =	vadd.s32 v1, v5;
	_ =	sdelay $0x4  }
0x7f: {  	[tilespmem:s17], [sflag:$0x2] =	stream.indirect_vreg.gather [hbm4b:s1+s3], $0x80, v5, vm0, $0xb8;
	[tilespmem:$0x9680] =	vst v63  }
0x80: {  	_ =	swait.ge [sflag:s18], $0x4800  }
0x81: {  	[sflag:s18] =	ssyncset.done $0x0  }
0x82: {  	s28 =	rddreg [dreg:$0x4];
	[sflag:s18] =	ssyncadd.s32 $0xFFFFB800  }
0x83: {  	[hbm4b:s28+s3] =	stream.linear.scatter [tilespmem:s7], [sflag:$0x4], $0x4800, $0x38;
	[tilespmem:$0x9680] =	vst v63  }
0x84: {  	_ =	swait.ge [sflag:s19], $0x4800  }
0x85: {  	[sflag:s19] =	ssyncset.done $0x0  }
0x86: {  	[sflag:s19] =	ssyncadd.s32 $0xFFFFB800  }
0x87: {  	_ =	swait.ge [sflag:s20], $0x4800  }
0x88: {  	[sflag:s20] =	ssyncset.done $0x0  }
0x89: {  	s29 =	rddreg [dreg:$0x7];
	[sflag:s20] =	ssyncadd.s32 $0xFFFFB800  }
0x8a: {  	[hbm4b:s29+s3] =	stream.linear.scatter [tilespmem:s9], [sflag:$0x3], $0x4800, $0x38;
	[tilespmem:$0x9680] =	vst v63  }
0x8b: {  	_ =	swait.ge [sflag:s6], $0x4800  }
0x8c: {  	[sflag:s6] =	ssyncset.done $0x0  }
0x8d: {  	[sflag:s6] =	ssyncadd.s32 $0xFFFFB800  }
0x8e: {  	[tilespmem:s21], [sflag:$0x3] =	stream.linear.gather [hbm4b:s4+s3], $0x48, $0x38;
	[tilespmem:$0x9680] =	vst v63  }
0x8f: {  	_ =	swait.ge [sflag:s6], $0x48  }
0x90: {  	[sflag:s6] =	ssyncset.done $0x0  }
0x91: {  	s30 =	rddreg [dreg:$0x8];
	[sflag:s6] =	ssyncadd.s32 $0xFFFFFFB8  }
0x92: {  	[tilespmem:s22], [sflag:$0x3] =	stream.linear.gather [hbm4b:s30+s3], $0x48, $0x38;
	[tilespmem:$0x9680] =	vst v63  }
0x93: {  	_ =	swait.ge [sflag:s6], $0x48  }
0x94: {  	[sflag:s6] =	ssyncset.done $0x0  }
0x95: {  	[sflag:s6] =	ssyncadd.s32 $0xFFFFFFB8  }
0x96: {  	[tilespmem:$0x9200] =	vst v3  }
0x97: {  	[tilespmem:$0x9210] =	vst v3  }
0x98: {  	[tilespmem:$0x9220] =	vst v3  }
0x99: {  	[tilespmem:$0x9230] =	vst v3  }
0x9a: {  	[tilespmem:$0x9240] =	vst v3  }
0x9b: {  	[tilespmem:$0x9280] =	vst v4  }
0x9c: {  	[tilespmem:$0x9290] =	vst v4  }
0x9d: {  	[tilespmem:$0x92A0] =	vst v4  }
0x9e: {  	[tilespmem:$0x92B0] =	vst v4  }
0x9f: {  	[tilespmem:$0x92C0] =	vst v4  }
0xa0: {  	[tilespmem:$0x92D0] =	vst v4  }
0xa1: {  	[tilespmem:$0x92E0] =	vst v4  }
0xa2: {  	[tilespmem:$0x92F0] =	vst v4  }
0xa3: {  	[tilespmem:$0x9300] =	vst v4  }
0xa4: {  	[tilespmem:$0x9310] =	vst v4  }
0xa5: {  	[tilespmem:$0x9320] =	vst v4  }
0xa6: {  	[tilespmem:$0x9330] =	vst v4  }
0xa7: {  	[tilespmem:$0x9340] =	vst v4  }
0xa8: {  	[tilespmem:$0x9350] =	vst v4  }
0xa9: {  	[tilespmem:$0x9360] =	vst v4  }
0xaa: {  	[tilespmem:$0x9370] =	vst v4  }
0xab: {  	[tilespmem:$0x9380] =	vst v4  }
0xac: {  	[tilespmem:$0x9390] =	vst v4  }
0xad: {  	[tilespmem:$0x93A0] =	vst v4  }
0xae: {  	[tilespmem:$0x93B0] =	vst v4  }
0xaf: {  	[tilespmem:$0x93C0] =	vst v4  }
0xb0: {  	[tilespmem:$0x93D0] =	vst v4  }
0xb1: {  	[tilespmem:$0x93E0] =	vst v4  }
0xb2: {  	[tilespmem:$0x93F0] =	vst v4  }
0xb3: {  	[tilespmem:$0x9400] =	vst v4  }
0xb4: {  	[tilespmem:$0x9410] =	vst v4  }
0xb5: {  	[tilespmem:$0x9420] =	vst v4  }
0xb6: {  	[tilespmem:$0x9430] =	vst v4  }
0xb7: {  	[tilespmem:$0x9440] =	vst v4  }
0xb8: {  	[tilespmem:$0x9450] =	vst v4  }
0xb9: {  	[tilespmem:$0x9460] =	vst v4  }
0xba: {  	s31 =	rddreg [dreg:$0x5];
	[tilespmem:$0x9470] =	vst v4  }
0xbb: {  	[spmem:s31] =	stream.linear.scatter [tilespmem:s23], [sflag:$0x3], $0x200, $0x38;
	[tilespmem:$0x9680] =	vst v63  }
0xbc: {  	_ =	swait.ge [sflag:s6], $0x200  }
0xbd: {  	[sflag:s6] =	ssyncset.done $0x0  }
0xbe: {  	[sflag:s6] =	ssyncadd.s32 $0xFFFFFE00  }
0xbf: {  	[bflag:$0x0] =	sbarrier.arrive $0xFFFF  }
0xc0: {  	[spmem:s2] =	stream.indirect.scatter.add.f32 [tilespmem:s25], [sflag:$0x3], $0x1, s21, s24, $0xb8;
	[tilespmem:$0x9680] =	vst v63  }
0xc1: {  	_ =	swait.ge [sflag:s6], $0x48  }
0xc2: {  	[sflag:s6] =	ssyncset.done $0x0  }
0xc3: {  	[sflag:s6] =	ssyncadd.s32 $0xFFFFFFB8  }
0xc4: {  	[spmem:s2] =	stream.indirect.scatter.add.f32 [tilespmem:s25], [sflag:$0x3], $0x1, s22, s24, $0xb8;
	[tilespmem:$0x9680] =	vst v63  }
0xc5: {  	_ =	swait.ge [sflag:s6], $0x48  }
0xc6: {  	s5 =	sadd.s32 $0xFFFFFFFF, s5;
	[sflag:s6] =	ssyncset.done $0x0  }
0xc7: {  	p1 =	sne.s32 s5, $0x0;
	s0 =	simm.s32 @!p0 $0x1C03;
	[sflag:s6] =	ssyncadd.s32 $0xFFFFFFB8  }
0xc8: {  	s28 =	sshrl.u32 @!p0 s2, $0x3;
	s29 =	simm.s32 @!p0 $0x1;
	[bflag:$0x0] =	sbarrier.arrive $0xFFFF  }
0xc9: {  	s30 =	simm.s32 @!p0 $0x20;
	s31 =	simm.s32 @!p0 $0x10;
	s26 =	rddreg [dreg:$0x6]  }
0xca: {  	[hbm:s26@s30], [sflag:s0] =	dma.strided @!p0 [spmem:s28@s31], $0x400, s29, $0x10   }
.Ltmp0:
0xcb: {  	_ = 	snop;
	(pc) =	sbr.rel @p1 .LBB2_1-.Ltmp0, $4  }
0xcc: {  	s0 =	simm.s32 @!p0 $0x3  }
0xcd: {  	_ =	swait.ge @!p0 [sflag:s0], $0x400  }
0xce: {  	[sflag:s0] =	ssyncset.done @!p0 $0x0  }
0xcf: {  	[sflag:s0] =	ssyncadd.s32 @!p0 $0xFFFFFC00  }
0xd0: {  	_ =	sfence.sel $0x180000  }
0xd1: {  	[bflag:$0x0] =	sbarrier.arrive $0xFFFF  }
0xd2: {  	_ =	strace $0x90000047  }
0xd3: {  	[bflag:$0x2] =	sbarrier.arrive $0xFFFF  }
0xd4: {  	s0 =	rddreg [dreg:$0x3]  }
0xd5: {  	s0 =	sadd.s32 @!p0 $0x100000, s0  }
0xd6: {  	[sflag:s0] =	ssyncadd.tile.s32 @!p0 $0x1;
	_ =	shalt  }
.Lfunc_end2:
_tile_overlayer_lowered:
.L_overlay_start_2:
0xd7: {  	(tag) =	ssettag $0x2  }
0xd8: {  	s0 =	rddreg [dreg:$0x0];
	s2 =	stileid.u32  }
0xd9: {  	s1 =	rddreg [dreg:$0x1];
	p0 =	sne.s32 s2, $0x0  }
0xda: {  	s3 =	rddreg [dreg:$0x2];
	[bflag:$0x3] =	sbarrier.arrive $0xFFFF;
	s2 =	simm.s32 @!p0 $0x1C03  }
0xdb: {  	[timem:s3], [sflag:s2] =	dma.local @!p0 [hbm:s0], s1  }
0xdc: {  	s0 =	simm.s32 @!p0 $0x3  }
0xdd: {  	_ =	swait.ge @!p0 [sflag:s0], s1  }
0xde: {  	s1 =	ssub.s32 @!p0 $0x0, s1;
	[sflag:s0] =	ssyncset.done @!p0 $0x0  }
0xdf: {  	[sflag:s0] =	ssyncadd.s32 @!p0 s1  }
0xe0: {  	[bflag:$0x3] =	sbarrier.arrive $0xFFFF  }
0xe1: {  	_ =	shalt  }

// kernel: kernel.8.cloned.1.call-start
scs
__scs_entry_jumppad:
0x0: {  	(pc) =	sbr.rel $0x88, $3  }
0x1: {  	(tag) =	ssettag $0x0;
	lr =	simm.s32 $0x1  }
0x2: {  	[smem:$0x3F9F] =	sst lr;
	_ =	strace $0xD0000000  }
0x3: {  	_ = 	snop  }
0x4: {  	_ = 	snop  }
0x5: {  	_ = 	snop  }
0x6: {  	_ = 	snop  }
0x7: {  	_ = 	snop  }
__scs_overlays_trampoline_lowered:
0x8: {  	[smem:$0x3FAE] =	sst s0  }
0x9: {  	[smem:$0x3FAF] =	sst s1  }
0xa: {  	[smem:$0x3FB0] =	sst s2  }
0xb: {  	[smem:$0x3FB1] =	sst s3  }
0xc: {  	[smem:$0x3FB2] =	sst s4  }
0xd: {  	[smem:$0x3FB3] =	sst s5  }
0xe: {  	[smem:$0x3FB4] =	sst s6  }
0xf: {  	[smem:$0x3FB5] =	sst s7  }
0x10: {  	[smem:$0x3FB6] =	sst s8  }
0x11: {  	[smem:$0x3FB7] =	sst s9;
	s0 =	simm.s32 @!p0 $0x0  }
0x12: {  	s1 =	sld [smem:$0x3F9D];
	s0 =	simm.s32 @p0 $0x1  }
0x13: {  	[smem:$0x3FB8] =	sst s0;
	s0 =	simm.s32 @!p1 $0x0  }
0x14: {  	s2 =	sld [smem:$0x3F9C];
	s0 =	simm.s32 @p1 $0x1  }
0x15: {  	[smem:$0x3FB9] =	sst s0;
	s0 =	simm.s32 @!p2 $0x0  }
0x16: {  	s3 =	sld [smem:$0x3FDB];
	s0 =	simm.s32 @p2 $0x1  }
0x17: {  	s4 =	simm.s32 $0x1BF5;
	[smem:$0x3FBB] =	sst s0  }
0x18: {  	s0 =	sld [smem:$0x3F9E];
	_ =	swait.ge [sflag:s4], $0x0  }
0x19: {  	s7 =	sld [smem:$0x3F9F]  }
0x1a: {  	s8 =	sadd.s32 $0xFFFFE003, lr  }
0x1b: {  	s9 =	sadd.s32 $0xFFFFFEF7, lr;
	s5 =	simm.s32 $0xFFFFFFFF;
	p2 =	slt.u32 s8, $0xFFFFF086  }
0x1c: {  	p1 =	slt.u32 s9, $0xF7A;
	s5 =	simm.s32 @!p2 $0x0  }
0x1d: {  	s5 =	simm.s32 @p1 $0x1;
	p0 =	seq.s32 s7, s2  }
0x1e: {  	s7 =	smul.u32 @!p0 $0xF7A, s2;
	p2 =	seq.s32 @!p0 s5, $0x0  }
0x1f: {  	s9 =	smul.u32 $0xF7A, s1;
	s8 =	simm.s32 @!p0 $0x1BF5;
	p2 =	por !p2, p0  }
0x20: {  	[sflag:s8] =	ssyncset.s32 @!p0 $0xFFFFF086;
	s6 =	sadd.s32 @!p0 s3, s7;
	s7 =	simm.s32 @!p0 $0x108  }
0x21: {  	s3 =	sadd.s32 s3, s9;
	s6 =	sadd.s32 @!p0 $0x88, s6;
	s7 =	simm.s32 @p2 $0x1082  }
0x22: {  	[simem:s7], [sflag:s8] =	dma.local @!p0 [hbm:s6], $0xF7A  }
0x23: {  	s9 =	sor.u32 $0xD0000000, s2;
	s6 =	simm.s32 $0x108;
	_ =	swait.ge @!p0 [sflag:s8], $0x0  }
0x24: {  	s3 =	sadd.s32 $0x88, s3;
	s6 =	simm.s32 @!p1 $0x1082;
	[sflag:s4] =	ssyncset.s32 $0xFFFFF086  }
0x25: {  	[simem:s6], [sflag:s4] =	dma.local [hbm:s3], $0xF7A  }
0x26: {  	[smem:$0x3F9F] =	sst s1;
	(tag) =	ssettag s2;
	_ =	strace s9  }
0x27: {  	s1 =	sld [smem:$0x3FAF]  }
0x28: {  	s2 =	sld [smem:$0x3FB0]  }
0x29: {  	s4 =	sld [smem:$0x3FB2]  }
0x2a: {  	p0 =	seq.s32 s5, $0x0;
	s5 =	sld [smem:$0x3FB3]  }
0x2b: {  	s6 =	sld [smem:$0x3FB4]  }
0x2c: {  	s7 =	sld [smem:$0x3FB5]  }
0x2d: {  	s3 =	simm.s32 $0x108;
	s8 =	sld [smem:$0x3FB6]  }
0x2e: {  	s3 =	simm.s32 @!p0 $0x1082;
	s9 =	sld [smem:$0x3FB7]  }
0x2f: {  	lr =	sadd.s32 s0, s3;
	s0 =	sld [smem:$0x3FAE]  }
0x30: {  	s3 =	sld [smem:$0x3FB1]  }
0x31: {  	[smem:$0x3FBA] =	sst s10  }
0x32: {  	s10 =	sld [smem:$0x3FB8];
	_ =	sdelay $0x3  }
0x33: {  	p0 =	seq.s32 s10, $0x1;
	s10 =	sld [smem:$0x3FBA];
	_ =	sdelay $0x3  }
0x34: {  	[smem:$0x3FBA] =	sst s10  }
0x35: {  	s10 =	sld [smem:$0x3FB9];
	_ =	sdelay $0x3  }
0x36: {  	p1 =	seq.s32 s10, $0x1;
	s10 =	sld [smem:$0x3FBA];
	_ =	sdelay $0x3  }
0x37: {  	[smem:$0x3FBA] =	sst s10  }
0x38: {  	s10 =	sld [smem:$0x3FBB]  }
0x39: {  	_ = 	snop;
	(pc) =	sbr.ind lr, $3  }
0x3a: {  	_ = 	snop  }
0x3b: {  	_ = 	snop  }
0x3c: {  	p2 =	seq.s32 s10, $0x1;
	s10 =	sld [smem:$0x3FBA]  }
0x3d: {  	_ =	shalt  }
0x3e: {  	_ =	shalt  }
0x3f: {  	_ =	shalt  }
0x40: {  	_ =	shalt  }
0x41: {  	_ =	shalt  }
0x42: {  	_ =	shalt  }
0x43: {  	_ =	shalt  }
0x44: {  	_ =	shalt  }
0x45: {  	_ =	shalt  }
0x46: {  	_ =	shalt  }
0x47: {  	_ =	shalt  }
0x48: {  	_ =	shalt  }
0x49: {  	_ =	shalt  }
0x4a: {  	_ =	shalt  }
0x4b: {  	_ =	shalt  }
0x4c: {  	_ =	shalt  }
0x4d: {  	_ =	shalt  }
0x4e: {  	_ =	shalt  }
0x4f: {  	_ =	shalt  }
0x50: {  	_ =	shalt  }
0x51: {  	_ =	shalt  }
0x52: {  	_ =	shalt  }
0x53: {  	_ =	shalt  }
0x54: {  	_ =	shalt  }
0x55: {  	_ =	shalt  }
0x56: {  	_ =	shalt  }
0x57: {  	_ =	shalt  }
0x58: {  	_ =	shalt  }
0x59: {  	_ =	shalt  }
0x5a: {  	_ =	shalt  }
0x5b: {  	_ =	shalt  }
0x5c: {  	_ =	shalt  }
0x5d: {  	_ =	shalt  }
0x5e: {  	_ =	shalt  }
0x5f: {  	_ =	shalt  }
0x60: {  	_ =	shalt  }
0x61: {  	_ =	shalt  }
0x62: {  	_ =	shalt  }
0x63: {  	_ =	shalt  }
0x64: {  	_ =	shalt  }
0x65: {  	_ =	shalt  }
0x66: {  	_ =	shalt  }
0x67: {  	_ =	shalt  }
0x68: {  	_ =	shalt  }
0x69: {  	_ =	shalt  }
0x6a: {  	_ =	shalt  }
0x6b: {  	_ =	shalt  }
0x6c: {  	_ =	shalt  }
0x6d: {  	_ =	shalt  }
0x6e: {  	_ =	shalt  }
0x6f: {  	_ =	shalt  }
0x70: {  	_ =	shalt  }
0x71: {  	_ =	shalt  }
0x72: {  	_ =	shalt  }
0x73: {  	_ =	shalt  }
0x74: {  	_ =	shalt  }
0x75: {  	_ =	shalt  }
0x76: {  	_ =	shalt  }
0x77: {  	_ =	shalt  }
0x78: {  	_ =	shalt  }
0x79: {  	_ =	shalt  }
0x7a: {  	_ =	shalt  }
0x7b: {  	_ =	shalt  }
0x7c: {  	_ =	shalt  }
0x7d: {  	_ =	shalt  }
0x7e: {  	_ =	shalt  }
0x7f: {  	_ =	shalt  }
0x80: {  	_ =	shalt  }
0x81: {  	_ =	shalt  }
0x82: {  	_ =	shalt  }
0x83: {  	_ =	shalt  }
0x84: {  	_ =	shalt  }
0x85: {  	_ =	shalt  }
0x86: {  	_ =	shalt  }
0x87: {  	_ =	shalt  }
.Lfunc_end0:
.L_simem_size_0:
called_computation_lowered:
.L_overlay_start_0:
0x88: {  	s2 =	sld [smem:$0x3FD9]  }
0x89: {  	s3 =	sld [smem:$0x3FFE];
	_ =	sdelay $0x1  }
0x8a: {  	s1 =	srdreg.scid  }
0x8b: {  	s0 =	sand.u32 $0x1, s1  }
0x8c: {  	s15 =	sshll.u32 s0, $0xA;
	s2 =	sadd.s32 s3, s2  }
0x8d: {  	s2 =	sadd.s32 s2, s15  }
0x8e: {  	[smem:$0x3FC6] =	sst s2  }
0x8f: {  	_ = 	snop  }
0x90: {  	s2 =	sld [smem:$0x3FD0];
	_ =	sdelay $0x2  }
0x91: {  	s4 =	simm.s32 $0xB;
	s5 =	simm.s32 $0x10;
	s16 =	sld [smem:$0x3FC8]  }
0x92: {  	[smem:s5], [sflag:s4] =	dma.local [hbm:s2], $0x1  }
0x93: {  	_ =	swait.eq [sflag:s4], $0x1  }
0x94: {  	[sflag:s4] =	ssyncset.done $0x0  }
0x95: {  	[sflag:s4] =	ssyncadd.s32 $0xFFFFFFFF  }
0x96: {  	s17 =	sld [smem:$0x10];
	(tm) =	ssettm $0x1  }
0x97: {  	s18 =	sld [smem:$0x3FFB];
	_ =	sdelay $0x3  }
0x98: {  	_ =	strace s18  }
0x99: {  	s2 =	sld [smem:$0x3FFC];
	_ =	sdelay $0x3  }
0x9a: {  	_ =	strace s2  }
0x9b: {  	s2 =	sld [smem:$0x3FFD];
	_ =	sdelay $0x3  }
0x9c: {  	_ =	strace s2  }
0x9d: {  	_ =	strace $0x8FFFFFFF  }
0x9e: {  	s19 =	sld [smem:$0x3FDB];
	_ =	sdelay $0x1  }
0x9f: {  	s20 =	simm.s32 $_scs_section_size  }
0xa0: {  	s6 =	simm.s32 $_size__tile_overlayer_lowered;
	s7 =	simm.s32 $_tile_overlayer_lowered  }
0xa1: {  	s8 =	simm.s32 $0x1BFF;
	s21 =	sshll.u32 s7, $0x1;
	s5 =	sadd.s32 s20, s19  }
0xa2: {  	s22 =	simm.s32 $0x0;
	s6 =	sshll.u32 s6, $0x1;
	s7 =	sadd.s32 s21, s5  }
0xa3: {  	[timem:s22], [sflag:s8] =	dma.local [hbm:s7], s6  }
0xa4: {  	_ =	swait.ge [sflag:s8], s6  }
0xa5: {  	s6 =	ssub.s32 $0x0, s6;
	[sflag:s8] =	ssyncset.done $0x0  }
0xa6: {  	[sflag:s8] =	ssyncadd.s32 s6;
	_ =	sdelay $0x1  }
0xa7: {  	s23 =	simm.s32 $0x1B8B  }
0xa8: {  	_ =	swait.ge [sflag:s23], $0x1  }
0xa9: {  	[sflag:s23] =	ssyncset.done $0x0  }
0xaa: {  	[sflag:s23] =	ssyncadd.s32 $0xFFFFFFFF  }
0xab: {  	s6 =	sld [smem:$0x0]  }
0xac: {  	s7 =	sand.u32 $0xFFFFFFFE, s1  }
0xad: {  	p0 =	sne.s32 s1, s7  }
0xae: {  	s7 =	sshll.u32 @p0 s7, $0xE  }
0xaf: {  	s7 =	sadd.s32 @p0 $0x11B8D, s7;
	s8 =	sshll.u32 @p0 s6, $0x11  }
0xb0: {  	s7 =	sor.u32 @p0 s8, s7  }
0xb1: {  	[sflag:s7] =	ssyncadd.remote.s32 @p0 $0x1;
	_ =	sdelay $0x1  }
0xb2: {  	s7 =	simm.s32 @p0 $0x1B8D  }
0xb3: {  	_ =	swait.eq @p0 [sflag:s7], $0x1  }
0xb4: {  	[sflag:s7] =	ssyncadd.s32 @p0 $0xFFFFFFFF  }
0xb5: {  	s8 =	sshll.u32 @!p0 s1, $0xE  }
0xb6: {  	s8 =	sor.u32 @!p0 $0x4000, s8;
	s7 =	simm.s32 @!p0 $0x1B8D  }
0xb7: {  	s6 =	sshll.u32 @!p0 s6, $0x11;
	s8 =	sadd.s32 @!p0 $0x11B8D, s8;
	_ =	swait.eq @!p0 [sflag:s7], $0x1  }
0xb8: {  	s6 =	sor.u32 @!p0 s6, s8;
	[sflag:s7] =	ssyncadd.s32 @!p0 $0xFFFFFFFF  }
0xb9: {  	s25 =	simm.s32 $0x1B8E;
	s24 =	sld [smem:$0x3FFE];
	[sflag:s6] =	ssyncadd.remote.s32 @!p0 $0x1  }
0xba: {  	s26 =	simm.s32 $execute0_lowered;
	[smem:$0x3FD2] =	sst s25  }
0xbb: {  	s7 =	sshll.u32 s26, $0x1;
	_ =	strace $0x80000049;
	[dreg:$0x1] =	wrdreg $0xFFFFFFFF  }
0xbc: {  	s28 =	simm.s32 $_size_execute0_lowered;
	s5 =	sadd.s32 s5, s7;
	[dreg:$0x0] =	wrdreg $0x0  }
0xbd: {  	s7 =	sshll.u32 s28, $0x1;
	[dreg:$0x2] =	wrdreg s5  }
0xbe: {  	[dreg:$0x3] =	wrdreg s7  }
0xbf: {  	[dreg:$0x4] =	wrdreg $0xC0  }
0xc0: {  	_ =	task [dreg:s22], $0x5FFFF  }
0xc1: {  	[dreg:$0x1] =	wrdreg $0xFFFFFFFF  }
0xc2: {  	[dreg:$0x0] =	wrdreg $0x60  }
0xc3: {  	[dreg:$0x2] =	wrdreg s16  }
0xc4: {  	[dreg:$0x3] =	wrdreg s24  }
0xc5: {  	[dreg:$0x4] =	wrdreg s17  }
0xc6: {  	[dreg:$0x5] =	wrdreg $0x94800  }
0xc7: {  	[dreg:$0x6] =	wrdreg $0x9  }
0xc8: {  	_ =	task.clear_ibuf [dreg:s22], $0x7FFFF;
	_ =	strace $0x90000049  }
0xc9: {  	s29 =	simm.s32 $0x9;
	_ =	strace $0x8000004B  }
0xca: {  	_ =	swait.ge [sflag:s29], $0x1  }
0xcb: {  	[sflag:s29] =	ssyncadd.s32 $0xFFFFFFFF  }
0xcc: {  	_ =	strace $0x9000004B  }
0xcd: {  	_ =	sfence  }
0xce: {  	s30 =	sld [smem:$0x0];
	_ =	sdelay $0x2  }
0xcf: {  	s31 =	sshll.u32 s1, $0xD;
	s1 =	sshrl.u32 s1, $0x2  }
0xd0: {  	s4 =	sand.u32 $0x4000, s31;
	s1 =	sadd.s32 s1, s30  }
0xd1: {  	s0 =	sor.u32 s4, s0;
	s1 =	sshll.u32 s1, $0x11  }
0xd2: {  	s0 =	sor.u32 s1, s0  }
0xd3: {  	s0 =	sadd.s32 $0x8F2B, s0  }
0xd4: {  	[sflag:s0] =	ssyncadd.remote.s32 $0x1  }
0xd5: {  	_ =	sfence.sel $0xFFFF  }
0xd6: {  	[dreg:$0x0] =	wrdreg $0xFFFFFFFF;
	(pc) =	sbr.abs _section_cstart, $3  }
0xd7: {  	[dreg:$0x1] =	wrdreg $0xFFFFFFFF  }
0xd8: {  	_ =	task.clear_ibuf [dreg:s22], $0x2FFFF;
	_ =	strace $0x9FFFFFFF  }
0xd9: {  	(tm) =	ssettm $0x7FFFFFFF  }
tec
execute0_lowered:
.L_overlay_start_1:
0x0: {  	(tag) =	ssettag $0x1  }
0x1: {  	s1 =	rddreg [dreg:$0x0]  }
0x2: {  	s4 =	rddreg [dreg:$0x1]  }
0x3: {  	s5 =	rddreg [dreg:$0x2]  }
0x4: {  	s2 =	rddreg [dreg:$0x3]  }
0x5: {  	s6 =	srdreg.scid;
	s7 =	stileid.u32  }
0x6: {  	s3 =	simm.s32 $0x0;
	s23 =	simm.s32 $0xA00;
	s24 =	simm.s32 $0x1200  }
0x7: {  	s25 =	simm.s32 $0x1A00;
	s28 =	simm.s32 $0x2200;
	s29 =	simm.s32 $0x2A00  }
0x8: {  	s30 =	simm.s32 $0x3200;
	s31 =	simm.s32 $0x3A00;
	[smem:$0x7FF] =	sst s3  }
0x9: {  	s12 =	simm.s32 $0x6200;
	_ =	strace $0x8000004A;
	[dreg:$0xa] =	wrdreg s23  }
0xa: {  	s13 =	simm.s32 $0x6A00;
	s14 =	simm.s32 $0x7200;
	[dreg:$0xb] =	wrdreg s24  }
0xb: {  	s6 =	sand.u32 $0x1, s6;
	s8 =	sshll.u32 s7, $0x1;
	[dreg:$0xc] =	wrdreg s25  }
0xc: {  	s10 =	sadd.s32 $0x76800, s4;
	s15 =	sshll.u32 s7, $0x9;
	[dreg:$0xd] =	wrdreg s28  }
0xd: {  	p0 =	sne.s32 s7, $0x0;
	s7 =	simm.s32 $0x200;
	[dreg:$0xe] =	wrdreg s29  }
0xe: {  	s8 =	sor.u32 s6, s8;
	s11 =	sshll.u32 s6, $0x4;
	[dreg:$0xf] =	wrdreg s30  }
0xf: {  	s16 =	sadd.s32 s15, s2;
	s22 =	ssub.s32 $0x2, s6;
	[dreg:$0x10] =	wrdreg s31  }
0x10: {  	s15 =	simm.s32 $0x7A00;
	s23 =	simm.s32 $0x9280;
	s9 =	smul.u32 $0x1200, s8  }
0x11: {  	s24 =	simm.s32 $0x48;
	s25 =	simm.s32 $0x9200;
	s8 =	smul.u32 $0x90, s8  }
0x12: {  	s4 =	sadd.s32 s11, s4;
	[dreg:$0x6] =	wrdreg s16;
	s6 =	sshrl.u32 s22, $0x1  }
0x13: {  	s11 =	simm.s32 $0x5A00;
	s16 =	simm.s32 $0x8200;
	s4 =	sadd.s32 $0x76C00, s4  }
0x14: {  	s9 =	sadd.s32 s5, s9;
	s17 =	sadd.s32 $0x48, s8;
	[dreg:$0x7] =	wrdreg s4  }
0x15: {  	s26 =	sshrl.u32 s8, $0x3;
	s8 =	simm.s32 $0x4200;
	[dreg:$0x5] =	wrdreg s9  }
0x16: {  	s18 =	sshll.u32 s17, $0x5;
	s20 =	sshrl.u32 s17, $0x3;
	s4 =	sadd.s32 s10, s26  }
0x17: {  	s9 =	simm.s32 $0x4A00;
	s17 =	simm.s32 $0x8A00;
	s19 =	sadd.s32 s5, s18  }
0x18: {  	s21 =	sadd.s32 s10, s20;
	s5 =	ssub.s32 s22, s6;
	s6 =	simm.s32 $0x3  }
0x19: {  	v2 =	vlaneseq.u32;
	vm0 =	vmmov $0xffff;
	s10 =	simm.s32 $0x5200;
	s18 =	simm.s32 $0x1;
	[dreg:$0x8] =	wrdreg s19  }
0x1a: {  	v3 =	vimm.f32 $1.000000000e+00;
	v4 =	vimm.f32 $0.0e+00;
	v1 =	vshrl.u32 v2, $0x3;
	s20 =	simm.s32 $0x2;
	s22 =	simm.s32 $0x180;
	[dreg:$0x9] =	wrdreg s21  }
0x1b: {  	v0 =	vand.u32 $0x7, v2;
	v2 =	vor.u32 $0x8, v2;
	v1 =	vmul.u32 $0x8, v1;
	s5 =	smax.u32 s5, $0x1;
	s19 =	simm.s32 $0x4;
	s21 =	simm.s32 $0x100  }
.LBB2_1:
0x1c: {  	[tilespmem:s3], [sflag:$0x3] =	stream.linear.gather [hbm4b:s4+s3], $0x90, $0x38;
	[tilespmem:$0x9680] =	vst v63  }
0x1d: {  	_ =	swait.ge [sflag:s6], $0x90  }
0x1e: {  	[sflag:s6] =	ssyncset.done $0x0  }
0x1f: {  	[sflag:s6] =	ssyncadd.s32 $0xFFFFFF70  }
0x20: {  	v5 =	vld [tilespmem:$0x0];
	_ =	sdelay $0x4  }
0x21: {  	v6 =	vshll.u32 v5, $0x1  }
0x22: {  	v5 =	vand.u32 $0x7, v5;
	v6 =	vand.u32 $0xFFFFFFF0, v6  }
0x23: {  	v5 =	vor.u32 v5, v6  }
0x24: {  	v6 =	vperm.xlane v5, v0;
	_ =	sdelay $0x1  }
0x25: {  	v5 =	vperm.xlane v5, v2;
	v6 =	vadd.s32 v1, v6;
	_ =	sdelay $0x1  }
0x26: {  	v5 =	vadd.s32 v1, v5;
	_ =	sdelay $0x2  }
0x27: {  	[tilespmem:s7], [sflag:$0x1] =	stream.indirect_vreg.gather [hbm4b:s1+s3], $0x80, v6, vm0, $0xb8;
	[tilespmem:$0x9680] =	vst v63  }
0x28: {  	s26 =	rddreg [dreg:$0xa]  }
0x29: {  	[tilespmem:s26], [sflag:$0x1] =	stream.indirect_vreg.gather [hbm4b:s1+s3], $0x80, v5, vm0, $0xb8;
	[tilespmem:$0x9680] =	vst v63  }
0x2a: {  	v5 =	vld [tilespmem:$0x10];
	_ =	sdelay $0x4  }
0x2b: {  	v6 =	vshll.u32 v5, $0x1  }
0x2c: {  	v5 =	vand.u32 $0x7, v5;
	v6 =	vand.u32 $0xFFFFFFF0, v6  }
0x2d: {  	v5 =	vor.u32 v5, v6  }
0x2e: {  	v6 =	vperm.xlane v5, v0;
	_ =	sdelay $0x1  }
0x2f: {  	v5 =	vperm.xlane v5, v2;
	v6 =	vadd.s32 v1, v6;
	_ =	sdelay $0x1  }
0x30: {  	v5 =	vadd.s32 v1, v5;
	_ =	sdelay $0x1  }
0x31: {  	s0 =	rddreg [dreg:$0xb]  }
0x32: {  	[tilespmem:s0], [sflag:$0x1] =	stream.indirect_vreg.gather [hbm4b:s1+s3], $0x80, v6, vm0, $0xb8;
	[tilespmem:$0x9680] =	vst v63  }
0x33: {  	s28 =	rddreg [dreg:$0xc]  }
0x34: {  	[tilespmem:s28], [sflag:$0x1] =	stream.indirect_vreg.gather [hbm4b:s1+s3], $0x80, v5, vm0, $0xb8;
	[tilespmem:$0x9680] =	vst v63  }
0x35: {  	v5 =	vld [tilespmem:$0x20];
	_ =	sdelay $0x4  }
0x36: {  	v6 =	vshll.u32 v5, $0x1  }
0x37: {  	v5 =	vand.u32 $0x7, v5;
	v6 =	vand.u32 $0xFFFFFFF0, v6  }
0x38: {  	v5 =	vor.u32 v5, v6  }
0x39: {  	v6 =	vperm.xlane v5, v0;
	_ =	sdelay $0x1  }
0x3a: {  	v5 =	vperm.xlane v5, v2;
	v6 =	vadd.s32 v1, v6;
	_ =	sdelay $0x1  }
0x3b: {  	v5 =	vadd.s32 v1, v5;
	_ =	sdelay $0x1  }
0x3c: {  	s29 =	rddreg [dreg:$0xd]  }
0x3d: {  	[tilespmem:s29], [sflag:$0x1] =	stream.indirect_vreg.gather [hbm4b:s1+s3], $0x80, v6, vm0, $0xb8;
	[tilespmem:$0x9680] =	vst v63  }
0x3e: {  	s30 =	rddreg [dreg:$0xe]  }
0x3f: {  	[tilespmem:s30], [sflag:$0x1] =	stream.indirect_vreg.gather [hbm4b:s1+s3], $0x80, v5, vm0, $0xb8;
	[tilespmem:$0x9680] =	vst v63  }
0x40: {  	v5 =	vld [tilespmem:$0x30];
	_ =	sdelay $0x4  }
0x41: {  	v6 =	vshll.u32 v5, $0x1  }
0x42: {  	v5 =	vand.u32 $0x7, v5;
	v6 =	vand.u32 $0xFFFFFFF0, v6  }
0x43: {  	v5 =	vor.u32 v5, v6  }
0x44: {  	v6 =	vperm.xlane v5, v0;
	_ =	sdelay $0x1  }
0x45: {  	v5 =	vperm.xlane v5, v2;
	v6 =	vadd.s32 v1, v6;
	_ =	sdelay $0x1  }
0x46: {  	v5 =	vadd.s32 v1, v5;
	_ =	sdelay $0x1  }
0x47: {  	s31 =	rddreg [dreg:$0xf]  }
0x48: {  	[tilespmem:s31], [sflag:$0x1] =	stream.indirect_vreg.gather [hbm4b:s1+s3], $0x80, v6, vm0, $0xb8;
	[tilespmem:$0x9680] =	vst v63  }
0x49: {  	s0 =	rddreg [dreg:$0x10]  }
0x4a: {  	[tilespmem:s0], [sflag:$0x1] =	stream.indirect_vreg.gather [hbm4b:s1+s3], $0x80, v5, vm0, $0xb8;
	[tilespmem:$0x9680] =	vst v63  }
0x4b: {  	v5 =	vld.msk [tilespmem:$0x40], $0xff;
	_ =	sdelay $0x4  }
0x4c: {  	v6 =	vshll.u32 v5, $0x1  }
0x4d: {  	v5 =	vand.u32 $0x7, v5;
	v6 =	vand.u32 $0xFFFFFFF0, v6  }
0x4e: {  	v5 =	vor.u32 v5, v6  }
0x4f: {  	v5 =	vperm.xlane v5, v0;
	_ =	sdelay $0x1  }
0x50: {  	v5 =	vadd.s32 v1, v5;
	_ =	sdelay $0x4  }
0x51: {  	[tilespmem:s8], [sflag:$0x1] =	stream.indirect_vreg.gather [hbm4b:s1+s3], $0x80, v5, vm0, $0xb8;
	[tilespmem:$0x9680] =	vst v63  }
0x52: {  	v5 =	vld [tilespmem:$0x48];
	_ =	sdelay $0x4  }
0x53: {  	v6 =	vshll.u32 v5, $0x1  }
0x54: {  	v5 =	vand.u32 $0x7, v5;
	v6 =	vand.u32 $0xFFFFFFF0, v6  }
0x55: {  	v5 =	vor.u32 v5, v6  }
0x56: {  	v6 =	vperm.xlane v5, v0;
	_ =	sdelay $0x1  }
0x57: {  	v5 =	vperm.xlane v5, v2;
	v6 =	vadd.s32 v1, v6;
	_ =	sdelay $0x1  }
0x58: {  	v5 =	vadd.s32 v1, v5;
	_ =	sdelay $0x2  }
0x59: {  	[tilespmem:s9], [sflag:$0x2] =	stream.indirect_vreg.gather [hbm4b:s1+s3], $0x80, v6, vm0, $0xb8;
	[tilespmem:$0x9680] =	vst v63  }
0x5a: {  	_ = 	snop  }
0x5b: {  	[tilespmem:s10], [sflag:$0x2] =	stream.indirect_vreg.gather [hbm4b:s1+s3], $0x80, v5, vm0, $0xb8;
	[tilespmem:$0x9680] =	vst v63  }
0x5c: {  	v5 =	vld [tilespmem:$0x58];
	_ =	sdelay $0x4  }
0x5d: {  	v6 =	vshll.u32 v5, $0x1  }
0x5e: {  	v5 =	vand.u32 $0x7, v5;
	v6 =	vand.u32 $0xFFFFFFF0, v6  }
0x5f: {  	v5 =	vor.u32 v5, v6  }
0x60: {  	v6 =	vperm.xlane v5, v0;
	_ =	sdelay $0x1  }
0x61: {  	v5 =	vperm.xlane v5, v2;
	v6 =	vadd.s32 v1, v6;
	_ =	sdelay $0x1  }
0x62: {  	v5 =	vadd.s32 v1, v5;
	_ =	sdelay $0x2  }
0x63: {  	[tilespmem:s11], [sflag:$0x2] =	stream.indirect_vreg.gather [hbm4b:s1+s3], $0x80, v6, vm0, $0xb8;
	[tilespmem:$0x9680] =	vst v63  }
0x64: {  	_ = 	snop  }
0x65: {  	[tilespmem:s12], [sflag:$0x2] =	stream.indirect_vreg.gather [hbm4b:s1+s3], $0x80, v5, vm0, $0xb8;
	[tilespmem:$0x9680] =	vst v63  }
0x66: {  	v5 =	vld [tilespmem:$0x68];
	_ =	sdelay $0x4  }
0x67: {  	v6 =	vshll.u32 v5, $0x1  }
0x68: {  	v5 =	vand.u32 $0x7, v5;
	v6 =	vand.u32 $0xFFFFFFF0, v6  }
0x69: {  	v5 =	vor.u32 v5, v6  }
0x6a: {  	v6 =	vperm.xlane v5, v0;
	_ =	sdelay $0x1  }
0x6b: {  	v5 =	vperm.xlane v5, v2;
	v6 =	vadd.s32 v1, v6;
	_ =	sdelay $0x1  }
0x6c: {  	v5 =	vadd.s32 v1, v5;
	_ =	sdelay $0x2  }
0x6d: {  	[tilespmem:s13], [sflag:$0x2] =	stream.indirect_vreg.gather [hbm4b:s1+s3], $0x80, v6, vm0, $0xb8;
	[tilespmem:$0x9680] =	vst v63  }
0x6e: {  	_ = 	snop  }
0x6f: {  	[tilespmem:s14], [sflag:$0x2] =	stream.indirect_vreg.gather [hbm4b:s1+s3], $0x80, v5, vm0, $0xb8;
	[tilespmem:$0x9680] =	vst v63  }
0x70: {  	v5 =	vld [tilespmem:$0x78];
	_ =	sdelay $0x4  }
0x71: {  	v6 =	vshll.u32 v5, $0x1  }
0x72: {  	v5 =	vand.u32 $0x7, v5;
	v6 =	vand.u32 $0xFFFFFFF0, v6  }
0x73: {  	v5 =	vor.u32 v5, v6  }
0x74: {  	v6 =	vperm.xlane v5, v0;
	_ =	sdelay $0x1  }
0x75: {  	v5 =	vperm.xlane v5, v2;
	v6 =	vadd.s32 v1, v6;
	_ =	sdelay $0x1  }
0x76: {  	v5 =	vadd.s32 v1, v5;
	_ =	sdelay $0x2  }
0x77: {  	[tilespmem:s15], [sflag:$0x2] =	stream.indirect_vreg.gather [hbm4b:s1+s3], $0x80, v6, vm0, $0xb8;
	[tilespmem:$0x9680] =	vst v63  }
0x78: {  	_ = 	snop  }
0x79: {  	[tilespmem:s16], [sflag:$0x2] =	stream.indirect_vreg.gather [hbm4b:s1+s3], $0x80, v5, vm0, $0xb8;
	[tilespmem:$0x9680] =	vst v63  }
0x7a: {  	v5 =	vld.msk [tilespmem:$0x88], $0xff;
	_ =	sdelay $0x4  }
0x7b: {  	v6 =	vshll.u32 v5, $0x1  }
0x7c: {  	v5 =	vand.u32 $0x7, v5;
	v6 =	vand.u32 $0xFFFFFFF0, v6  }
0x7d: {  	v5 =	vor.u32 v5, v6  }
0x7e: {  	v5 =	vperm.xlane v5, v0;
	_ =	sdelay $0x1  }
0x7f: {  	v5 =	vadd.s32 v1, v5;
	_ =	sdelay $0x4  }
0x80: {  	[tilespmem:s17], [sflag:$0x2] =	stream.indirect_vreg.gather [hbm4b:s1+s3], $0x80, v5, vm0, $0xb8;
	[tilespmem:$0x9680] =	vst v63  }
0x81: {  	_ =	swait.ge [sflag:s18], $0x4800  }
0x82: {  	[sflag:s18] =	ssyncset.done $0x0  }
0x83: {  	s28 =	rddreg [dreg:$0x5];
	[sflag:s18] =	ssyncadd.s32 $0xFFFFB800  }
0x84: {  	[hbm4b:s28+s3] =	stream.linear.scatter [tilespmem:s7], [sflag:$0x4], $0x4800, $0x38;
	[tilespmem:$0x9680] =	vst v63  }
0x85: {  	_ =	swait.ge [sflag:s19], $0x4800  }
0x86: {  	[sflag:s19] =	ssyncset.done $0x0  }
0x87: {  	[sflag:s19] =	ssyncadd.s32 $0xFFFFB800  }
0x88: {  	_ =	swait.ge [sflag:s20], $0x4800  }
0x89: {  	[sflag:s20] =	ssyncset.done $0x0  }
0x8a: {  	s29 =	rddreg [dreg:$0x8];
	[sflag:s20] =	ssyncadd.s32 $0xFFFFB800  }
0x8b: {  	[hbm4b:s29+s3] =	stream.linear.scatter [tilespmem:s9], [sflag:$0x3], $0x4800, $0x38;
	[tilespmem:$0x9680] =	vst v63  }
0x8c: {  	_ =	swait.ge [sflag:s6], $0x4800  }
0x8d: {  	[sflag:s6] =	ssyncset.done $0x0  }
0x8e: {  	[sflag:s6] =	ssyncadd.s32 $0xFFFFB800  }
0x8f: {  	[tilespmem:s21], [sflag:$0x3] =	stream.linear.gather [hbm4b:s4+s3], $0x48, $0x38;
	[tilespmem:$0x9680] =	vst v63  }
0x90: {  	_ =	swait.ge [sflag:s6], $0x48  }
0x91: {  	[sflag:s6] =	ssyncset.done $0x0  }
0x92: {  	s30 =	rddreg [dreg:$0x9];
	[sflag:s6] =	ssyncadd.s32 $0xFFFFFFB8  }
0x93: {  	[tilespmem:s22], [sflag:$0x3] =	stream.linear.gather [hbm4b:s30+s3], $0x48, $0x38;
	[tilespmem:$0x9680] =	vst v63  }
0x94: {  	_ =	swait.ge [sflag:s6], $0x48  }
0x95: {  	[sflag:s6] =	ssyncset.done $0x0  }
0x96: {  	[sflag:s6] =	ssyncadd.s32 $0xFFFFFFB8  }
0x97: {  	[tilespmem:$0x9200] =	vst v3  }
0x98: {  	[tilespmem:$0x9210] =	vst v3  }
0x99: {  	[tilespmem:$0x9220] =	vst v3  }
0x9a: {  	[tilespmem:$0x9230] =	vst v3  }
0x9b: {  	[tilespmem:$0x9240] =	vst v3  }
0x9c: {  	[tilespmem:$0x9280] =	vst v4  }
0x9d: {  	[tilespmem:$0x9290] =	vst v4  }
0x9e: {  	[tilespmem:$0x92A0] =	vst v4  }
0x9f: {  	[tilespmem:$0x92B0] =	vst v4  }
0xa0: {  	[tilespmem:$0x92C0] =	vst v4  }
0xa1: {  	[tilespmem:$0x92D0] =	vst v4  }
0xa2: {  	[tilespmem:$0x92E0] =	vst v4  }
0xa3: {  	[tilespmem:$0x92F0] =	vst v4  }
0xa4: {  	[tilespmem:$0x9300] =	vst v4  }
0xa5: {  	[tilespmem:$0x9310] =	vst v4  }
0xa6: {  	[tilespmem:$0x9320] =	vst v4  }
0xa7: {  	[tilespmem:$0x9330] =	vst v4  }
0xa8: {  	[tilespmem:$0x9340] =	vst v4  }
0xa9: {  	[tilespmem:$0x9350] =	vst v4  }
0xaa: {  	[tilespmem:$0x9360] =	vst v4  }
0xab: {  	[tilespmem:$0x9370] =	vst v4  }
0xac: {  	[tilespmem:$0x9380] =	vst v4  }
0xad: {  	[tilespmem:$0x9390] =	vst v4  }
0xae: {  	[tilespmem:$0x93A0] =	vst v4  }
0xaf: {  	[tilespmem:$0x93B0] =	vst v4  }
0xb0: {  	[tilespmem:$0x93C0] =	vst v4  }
0xb1: {  	[tilespmem:$0x93D0] =	vst v4  }
0xb2: {  	[tilespmem:$0x93E0] =	vst v4  }
0xb3: {  	[tilespmem:$0x93F0] =	vst v4  }
0xb4: {  	[tilespmem:$0x9400] =	vst v4  }
0xb5: {  	[tilespmem:$0x9410] =	vst v4  }
0xb6: {  	[tilespmem:$0x9420] =	vst v4  }
0xb7: {  	[tilespmem:$0x9430] =	vst v4  }
0xb8: {  	[tilespmem:$0x9440] =	vst v4  }
0xb9: {  	[tilespmem:$0x9450] =	vst v4  }
0xba: {  	[tilespmem:$0x9460] =	vst v4  }
0xbb: {  	s31 =	rddreg [dreg:$0x6];
	[tilespmem:$0x9470] =	vst v4  }
0xbc: {  	[spmem:s31] =	stream.linear.scatter [tilespmem:s23], [sflag:$0x3], $0x200, $0x38;
	[tilespmem:$0x9680] =	vst v63  }
0xbd: {  	_ =	swait.ge [sflag:s6], $0x200  }
0xbe: {  	[sflag:s6] =	ssyncset.done $0x0  }
0xbf: {  	[sflag:s6] =	ssyncadd.s32 $0xFFFFFE00  }
0xc0: {  	[bflag:$0x0] =	sbarrier.arrive $0xFFFF  }
0xc1: {  	[spmem:s2] =	stream.indirect.scatter.add.f32 [tilespmem:s25], [sflag:$0x3], $0x1, s21, s24, $0xb8;
	[tilespmem:$0x9680] =	vst v63  }
0xc2: {  	_ =	swait.ge [sflag:s6], $0x48  }
0xc3: {  	[sflag:s6] =	ssyncset.done $0x0  }
0xc4: {  	[sflag:s6] =	ssyncadd.s32 $0xFFFFFFB8  }
0xc5: {  	[spmem:s2] =	stream.indirect.scatter.add.f32 [tilespmem:s25], [sflag:$0x3], $0x1, s22, s24, $0xb8;
	[tilespmem:$0x9680] =	vst v63  }
0xc6: {  	_ =	swait.ge [sflag:s6], $0x48  }
0xc7: {  	s5 =	sadd.s32 $0xFFFFFFFF, s5;
	[sflag:s6] =	ssyncset.done $0x0  }
0xc8: {  	p1 =	sne.s32 s5, $0x0;
	s0 =	simm.s32 @!p0 $0x1C03;
	[sflag:s6] =	ssyncadd.s32 $0xFFFFFFB8  }
0xc9: {  	s28 =	sshrl.u32 @!p0 s2, $0x3;
	s29 =	simm.s32 @!p0 $0x1;
	[bflag:$0x0] =	sbarrier.arrive $0xFFFF  }
0xca: {  	s30 =	simm.s32 @!p0 $0x20;
	s31 =	simm.s32 @!p0 $0x10;
	s26 =	rddreg [dreg:$0x7]  }
0xcb: {  	[hbm:s26@s30], [sflag:s0] =	dma.strided @!p0 [spmem:s28@s31], $0x400, s29, $0x10   }
.Ltmp0:
0xcc: {  	_ = 	snop;
	(pc) =	sbr.rel @p1 .LBB2_1-.Ltmp0, $4  }
0xcd: {  	s0 =	simm.s32 @!p0 $0x3  }
0xce: {  	_ =	swait.ge @!p0 [sflag:s0], $0x400  }
0xcf: {  	[sflag:s0] =	ssyncset.done @!p0 $0x0  }
0xd0: {  	[sflag:s0] =	ssyncadd.s32 @!p0 $0xFFFFFC00  }
0xd1: {  	_ =	sfence.sel $0x180000  }
0xd2: {  	[bflag:$0x0] =	sbarrier.arrive $0xFFFF  }
0xd3: {  	_ =	strace $0x9000004A  }
0xd4: {  	[bflag:$0x2] =	sbarrier.arrive $0xFFFF  }
0xd5: {  	s0 =	rddreg [dreg:$0x4]  }
0xd6: {  	s0 =	sadd.s32 @!p0 $0x100000, s0  }
0xd7: {  	[sflag:s0] =	ssyncadd.tile.s32 @!p0 $0x1;
	_ =	shalt  }
.Lfunc_end2:
_tile_overlayer_lowered:
.L_overlay_start_2:
0xd8: {  	(tag) =	ssettag $0x2  }
0xd9: {  	s0 =	rddreg [dreg:$0x0];
	s2 =	stileid.u32  }
0xda: {  	s1 =	rddreg [dreg:$0x1];
	p0 =	sne.s32 s2, $0x0  }
0xdb: {  	s3 =	rddreg [dreg:$0x2];
	[bflag:$0x3] =	sbarrier.arrive $0xFFFF;
	s2 =	simm.s32 @!p0 $0x1C03  }
0xdc: {  	[timem:s3], [sflag:s2] =	dma.local @!p0 [hbm:s0], s1  }
0xdd: {  	s0 =	simm.s32 @!p0 $0x3  }
0xde: {  	_ =	swait.ge @!p0 [sflag:s0], s1  }
0xdf: {  	s1 =	ssub.s32 @!p0 $0x0, s1;
	[sflag:s0] =	ssyncset.done @!p0 $0x0  }
0xe0: {  	[sflag:s0] =	ssyncadd.s32 @!p0 s1  }
0xe1: {  	[bflag:$0x3] =	sbarrier.arrive $0xFFFF  }
0xe2: {  	_ =	shalt  }

</sc_bundles>
